<compile_context>
chip_gen: v7x
topology: tpu7x:2x2x1
jax: 0.10.2.dev20260603
libtpu: 0.0.44.dev20260713+nightly
codegen_flags: <defaults>
</compile_context>

<pallas_src>
import jax
import jax.numpy as jnp
from jax import lax
from jax.experimental import pallas as pl
from jax.experimental.pallas import tpu as pltpu
from jax.experimental.pallas import tpu_sc as plsc

_N = 4096
_U = 2048
_E = 65536
_E2 = 131072
_R = 5
_NB = 2
_FD = 32

_NC = 2
_NS = 16
_NW = _NC * _NS
_CH = 128


def _segsum_sc(table, src1d, dst1d, zeros, width, n_rows, do_gather=True):
  nedge = src1d.shape[0]
  nchunk = nedge // (_NW * _CH)
  assert nedge % (_NW * _CH) == 0
  assert width in (1, 128)
  nr = n_rows // _NS

  if width == 1:
    ashape = (n_rows,)
    rshape = (_CH,)
  else:
    ashape = (n_rows, width)
    rshape = (_CH, width)
  oshape = (_NC,) + ashape

  trows = table.shape[0]
  tr = trows // _NS
  stage_tbl = do_gather and width == 1
  mesh = plsc.VectorSubcoreMesh(core_axis_name="c", subcore_axis_name="s")

  def body(table_r, src_r, dst_r, zero_r, out_r, srcf0, srcf1, dstf0, dstf1,
           rows0, rows1, tbl, acc, semi0, semi1, semg0, semg1):
    srcf = (srcf0, srcf1)
    dstf = (dstf0, dstf1)
    rows = (rows0, rows1)
    semi = (semi0, semi1)
    semg = (semg0, semg1)
    c = lax.axis_index("c")
    s = lax.axis_index("s")
    wid = s * _NC + c
    pltpu.sync_copy(zero_r.at[pl.ds(s * nr, nr)], acc.at[pl.ds(s * nr, nr)])
    if stage_tbl:
      pltpu.sync_copy(table_r.at[pl.ds(s * tr, tr)], tbl.at[pl.ds(s * tr, tr)])
    if not do_gather:
      pltpu.sync_copy(table_r, rows0)
    plsc.subcore_barrier()
    base = wid * nchunk * _CH
    src_tbl = tbl if stage_tbl else table_r
    last = nedge - _CH

    def off(t):
      return jnp.minimum(base + t * _CH, last)

    def wait_idx(b, want_src):
      if want_src:
        pltpu.make_async_copy(src_r.at[pl.ds(0, _CH)], srcf[b], semi[b]).wait()
      pltpu.make_async_copy(dst_r.at[pl.ds(0, _CH)], dstf[b], semi[b]).wait()

    def wait_gather(b):
      pltpu.make_async_copy(table_r.at[pl.ds(0, rshape[0])]
                            if width == 1 else
                            table_r.at[pl.ds(0, _CH), :],
                            rows[b], semg[b]).wait()

    if do_gather:
      pltpu.async_copy(src_r.at[pl.ds(off(0), _CH)], srcf[0], semi[0])
      pltpu.async_copy(dst_r.at[pl.ds(off(0), _CH)], dstf[0], semi[0])
      pltpu.async_copy(src_r.at[pl.ds(off(1), _CH)], srcf[1], semi[1])
      pltpu.async_copy(dst_r.at[pl.ds(off(1), _CH)], dstf[1], semi[1])
      wait_idx(0, True)
      pltpu.async_copy(src_tbl.at[srcf[0]], rows[0], semg[0])

      def phase(t, b):
        b2 = 1 - b
        wait_idx(b2, True)
        pltpu.async_copy(src_tbl.at[srcf[b2]], rows[b2], semg[b2])
        wait_gather(b)
        pltpu.async_copy(src_r.at[pl.ds(off(t + 2), _CH)], srcf[b], semi[b])
        pltpu.sync_copy(rows[b], acc.at[dstf[b]], add=True)
        pltpu.async_copy(dst_r.at[pl.ds(off(t + 2), _CH)], dstf[b], semi[b])

      def pair(j, carry):
        phase(2 * j, 0)
        phase(2 * j + 1, 1)
        return carry

      lax.fori_loop(0, nchunk // 2, pair, 0)
      wait_gather(0)
      wait_idx(1, True)
    else:
      pltpu.async_copy(dst_r.at[pl.ds(off(0), _CH)], dstf[0], semi[0])
      pltpu.async_copy(dst_r.at[pl.ds(off(1), _CH)], dstf[1], semi[1])
      wait_idx(0, False)

      def phase0(t, b):
        b2 = 1 - b
        wait_idx(b2, False)
        pltpu.sync_copy(rows0, acc.at[dstf[b]], add=True)
        pltpu.async_copy(dst_r.at[pl.ds(off(t + 2), _CH)], dstf[b], semi[b])

      def pair0(j, carry):
        phase0(2 * j, 0)
        phase0(2 * j + 1, 1)
        return carry

      lax.fori_loop(0, nchunk // 2, pair0, 0)
      wait_idx(1, False)

    plsc.subcore_barrier()
    pltpu.sync_copy(acc.at[pl.ds(s * nr, nr)],
                    out_r.at[c, pl.ds(s * nr, nr)])

  tshape = (trows,) if width == 1 else (trows, width)
  f = pl.kernel(
      body,
      out_type=jax.ShapeDtypeStruct(oshape, jnp.float32),
      mesh=mesh,
      scratch_types=[
          pltpu.VMEM((_CH,), jnp.int32),
          pltpu.VMEM((_CH,), jnp.int32),
          pltpu.VMEM((_CH,), jnp.int32),
          pltpu.VMEM((_CH,), jnp.int32),
          pltpu.VMEM(rshape, jnp.float32),
          pltpu.VMEM(rshape, jnp.float32),
          pltpu.VMEM_SHARED(tshape if stage_tbl else (8,), jnp.float32),
          pltpu.VMEM_SHARED(ashape, jnp.float32),
          pltpu.SemaphoreType.DMA,
          pltpu.SemaphoreType.DMA,
          pltpu.SemaphoreType.DMA,
          pltpu.SemaphoreType.DMA,
      ],
  )
  return f(table, src1d, dst1d, zeros)


def _dense(body, out_shape, *args):
  return pl.pallas_call(body, out_shape=out_shape)(*args)




def _c0_body(degp_r, x_r, dinv_cat_r, dinv_uv_r, y_r):
  degp = degp_r[...]
  deg = degp[0] + degp[1] + 1.0
  dinv = lax.rsqrt(deg)
  dinv_cat = dinv[:_N]
  dinv_cat_r[...] = dinv_cat
  dinv_uv_r[...] = dinv[_N:]
  y_r[...] = dinv_cat * x_r[...]


def _c1_body(tp_r, y_r, dinv_cat_r, dinv_uv_r, s_r, z2_r):
  tp = tp_r[...]
  dinv_uv = dinv_uv_r[...]
  s = dinv_cat_r[...] * (tp[0] + tp[1] + y_r[...])
  s_r[...] = s
  p = dinv_uv * s
  z = jnp.zeros_like(p)
  mask = lax.broadcasted_iota(jnp.int32, (_N, 1), 0) < _U
  z2u = jnp.concatenate([p, dinv_uv, z, z], axis=1)
  z2v = jnp.concatenate([z, z, p, dinv_uv], axis=1)
  z2_r[...] = jnp.concatenate(
      [jnp.where(mask, z2u, z2v), jnp.zeros((_N, 124), jnp.float32)], axis=1)


def _c2_body(v4p_r, s_r, dinv_cat_r, dinv_uv_r, wu0_r, bu0_r, wv0_r, bv0_r,
             wuv0_r, buv0_r, h1_r, g1_r):
  v4p = v4p_r[...]
  v4 = v4p[0, :, :4] + v4p[1, :, :4]
  dinv_uv = dinv_uv_r[...]
  s = s_r[...]
  mask = lax.broadcasted_iota(jnp.int32, (_N, 1), 0) < _U
  wstack = jnp.concatenate([wu0_r[...], bu0_r[...], wv0_r[...], bv0_r[...]],
                           axis=0)
  wr = jnp.where(mask, wu0_r[...], wv0_r[...])
  br = jnp.where(mask, bu0_r[...], bv0_r[...])
  h = s * wr + br
  agg = dinv_uv * jnp.dot(v4, wstack, preferred_element_type=jnp.float32, precision=lax.Precision.HIGHEST)
  agg = agg + (dinv_uv * dinv_uv) * h
  x1 = jnp.dot(agg, wuv0_r[...], preferred_element_type=jnp.float32, precision=lax.Precision.HIGHEST)
  h1 = jnp.maximum(x1 + buv0_r[...], 0.0)
  h1_r[...] = h1
  g1_r[...] = jnp.concatenate(
      [dinv_cat_r[...] * h1, jnp.zeros((_N, 64), jnp.float32)], axis=1)


def _c3_body(tpp_r, h1_r, dinv_cat_r, dinv_uv_r, wu1_r, bu1_r, wv1_r, bv1_r,
             x2_r, g2_r):
  tpp = tpp_r[...]
  t = tpp[0, :, :64] + tpp[1, :, :64]
  dinv_cat = dinv_cat_r[...]
  h1 = h1_r[...]
  agg2 = dinv_cat * t + (dinv_cat * dinv_cat) * h1
  xu = jnp.dot(agg2, wu1_r[...], preferred_element_type=jnp.float32, precision=lax.Precision.HIGHEST) + bu1_r[...]
  xv = jnp.dot(agg2, wv1_r[...], preferred_element_type=jnp.float32, precision=lax.Precision.HIGHEST) + bv1_r[...]
  mask = lax.broadcasted_iota(jnp.int32, (_N, 1), 0) < _U
  x2 = jnp.where(mask, xu, xv)
  x2_r[...] = x2
  g2_r[...] = jnp.concatenate(
      [dinv_uv_r[...] * x2, jnp.zeros((_N, 64), jnp.float32)], axis=1)


def _c4_body(t2p_r, x2_r, dinv_uv_r, wuv1_r, buv1_r, wdu_r, bdu_r, wdi_r,
             bdi_r, basis3_r, coefs_r, ufeat_r, k5_r):
  t2p = t2p_r[...]
  t2 = t2p[0, :, :64] + t2p[1, :, :64]
  dinv_uv = dinv_uv_r[...]
  x2 = x2_r[...]
  agg3 = dinv_uv * t2 + (dinv_uv * dinv_uv) * x2
  x3 = jnp.dot(agg3, wuv1_r[...], preferred_element_type=jnp.float32, precision=lax.Precision.HIGHEST) + buv1_r[...]
  u_feat = jnp.dot(x3[:_U], wdu_r[...],
                   preferred_element_type=jnp.float32, precision=lax.Precision.HIGHEST) + bdu_r[...]
  i_feat = jnp.dot(x3[_U:], wdi_r[...],
                   preferred_element_type=jnp.float32, precision=lax.Precision.HIGHEST) + bdi_r[...]
  ufeat_r[...] = u_feat
  basis3 = basis3_r[...]
  coefs = coefs_r[...]
  for r in range(_R):
    q = coefs[r, 0] * basis3[0] + coefs[r, 1] * basis3[1]
    k5_r[r] = lax.dot_general(q, i_feat, (((1,), (1,)), ((), ())),
                              preferred_element_type=jnp.float32, precision=lax.Precision.HIGHEST)


def _c5_body(u_r, qi_r, out_r):
  out_r[...] = jnp.dot(u_r[...], qi_r[...],
                       preferred_element_type=jnp.float32, precision=lax.Precision.HIGHEST)


def kernel(x, edge_index, edge_index_u, edge_index_v, edge_type, edge_norm,
           W_u0, b_u0, W_v0, b_v0, W_uv0, b_uv0,
           W_u1, b_u1, W_v1, b_v1, W_uv1, b_uv1,
           W_du, b_du, W_di, b_di, basis, coefs):
  del edge_type, edge_norm

  f32 = jnp.float32
  ei = edge_index.astype(jnp.int32)
  ei_u = edge_index_u.astype(jnp.int32)
  ei_v = edge_index_v.astype(jnp.int32)

  src_cat = jnp.concatenate([ei_u[0], ei_v[0]])
  dst_cat = jnp.concatenate([ei_u[1], ei_v[1]])
  src_uv = ei[0]
  dst_uv = ei[1]

  src_all = jnp.concatenate([src_cat, src_uv])
  dst_all = jnp.concatenate([dst_cat, dst_uv + _N])
  ones_rows = jnp.ones((_CH,), f32)
  z2n = jnp.zeros((2 * _N,), f32)
  degp = _segsum_sc(ones_rows, src_all, dst_all, z2n, 1, 2 * _N,
                    do_gather=False)

  xc = x.reshape(_N, 1).astype(f32)
  dinv_cat, dinv_uv, y = _dense(
      _c0_body,
      [jax.ShapeDtypeStruct((_N, 1), f32)] * 3,
      degp.reshape(_NC, 2 * _N, 1), xc)

  zn = jnp.zeros((_N,), f32)
  tp = _segsum_sc(y.reshape(_N), src_cat, dst_cat, zn, 1, _N)

  s, z2t = _dense(
      _c1_body,
      [jax.ShapeDtypeStruct((_N, 1), f32), jax.ShapeDtypeStruct((_N, 128), f32)],
      tp.reshape(_NC, _N, 1), y, dinv_cat, dinv_uv)

  zn128 = jnp.zeros((_N, 128), f32)
  v4p = _segsum_sc(z2t, src_uv, dst_uv, zn128, 128, _N)

  b1r = lambda v: v.reshape(1, -1)
  h1, g1 = _dense(
      _c2_body,
      [jax.ShapeDtypeStruct((_N, 64), f32), jax.ShapeDtypeStruct((_N, 128), f32)],
      v4p, s, dinv_cat, dinv_uv,
      W_u0, b1r(b_u0), W_v0, b1r(b_v0), W_uv0, b1r(b_uv0))

  tpp = _segsum_sc(g1, src_cat, dst_cat, zn128, 128, _N)

  x2, g2 = _dense(
      _c3_body,
      [jax.ShapeDtypeStruct((_N, 64), f32), jax.ShapeDtypeStruct((_N, 128), f32)],
      tpp, h1, dinv_cat, dinv_uv, W_u1, b1r(b_u1), W_v1, b1r(b_v1))

  t2p = _segsum_sc(g2, src_uv, dst_uv, zn128, 128, _N)

  ufeat, k5 = _dense(
      _c4_body,
      [jax.ShapeDtypeStruct((_U, _FD), f32),
       jax.ShapeDtypeStruct((_R, _FD, _N - _U), f32)],
      t2p, x2, dinv_uv, W_uv1, b1r(b_uv1), W_du, b1r(b_du), W_di, b1r(b_di),
      basis.reshape(_NB, _FD, _FD), coefs)

  qi = jnp.transpose(k5, (1, 2, 0)).reshape(_FD, (_N - _U) * _R)

  ncols = (_N - _U) * _R
  bn = 1280
  out2d = pl.pallas_call(
      _c5_body,
      grid=(ncols // bn,),
      in_specs=[
          pl.BlockSpec((_U, _FD), lambda j: (0, 0)),
          pl.BlockSpec((_FD, bn), lambda j: (0, j)),
      ],
      out_specs=pl.BlockSpec((_U, bn), lambda j: (0, j)),
      out_shape=jax.ShapeDtypeStruct((_U, ncols), f32),
  )(ufeat, qi)

  return out2d.reshape(_U * (_N - _U), _R)

# --- scband reference (transcript-rebuilt; emitter-appended) ---
"""Pipeline reference for scband-gae-31447750542158 (READ-ONLY COPY).

The authoritative reference and input builder live on the scoring server;
editing this copy changes nothing except your own understanding.
"""

import jax, jax.numpy as jnp
import numpy as np

N = 4096
U = 2048
E = 65536
E2 = 131072
R = 5
NB = 2
FD = 32

def _w(k, shape, scale=0.1):
    return jax.random.normal(k, shape, dtype=jnp.float32) * scale

def setup_inputs(seed: int = 0):
    key = jax.random.key(seed)
    ks = jax.random.split(key, 24)
    inp = {}
    inp["x"] = jax.random.normal(ks[0], (N,), dtype=jnp.float32)
    inp["edge_index"] = jax.random.randint(ks[1], (2, E), 0, N)
    inp["edge_index_u"] = jax.random.randint(ks[2], (2, E2), 0, U)
    inp["edge_index_v"] = jax.random.randint(ks[3], (2, E2), 0, N - U) + U
    inp["edge_type"] = jax.random.randint(ks[4], (E,), 0, R)
    inp["edge_norm"] = jax.random.uniform(ks[5], (E,), dtype=jnp.float32)
    inp["W_u0"] = _w(ks[6], (1, 64)); inp["b_u0"] = jnp.zeros((64,), jnp.float32)
    inp["W_v0"] = _w(ks[7], (1, 64)); inp["b_v0"] = jnp.zeros((64,), jnp.float32)
    inp["W_uv0"] = _w(ks[8], (64, 64)); inp["b_uv0"] = jnp.zeros((64,), jnp.float32)
    inp["W_u1"] = _w(ks[9], (64, 64)); inp["b_u1"] = jnp.zeros((64,), jnp.float32)
    inp["W_v1"] = _w(ks[10], (64, 64)); inp["b_v1"] = jnp.zeros((64,), jnp.float32)
    inp["W_uv1"] = _w(ks[11], (64, 64)); inp["b_uv1"] = jnp.zeros((64,), jnp.float32)
    inp["W_du"] = _w(ks[12], (64, FD)); inp["b_du"] = jnp.zeros((FD,), jnp.float32)
    inp["W_di"] = _w(ks[13], (64, FD)); inp["b_di"] = jnp.zeros((FD,), jnp.float32)
    inp["basis"] = _w(ks[14], (NB, FD * FD), 0.05)
    inp["coefs"] = _w(ks[15], (R, NB), 0.5)
    return inp

def _gcn(x, ei, W, b):
    sl = jnp.arange(N)
    src = jnp.concatenate([ei[0], sl])
    dst = jnp.concatenate([ei[1], sl])
    deg = jax.ops.segment_sum(jnp.ones(src.shape[0], x.dtype), dst, num_segments=N)
    dinv = jnp.where(deg > 0, jax.lax.rsqrt(deg), 0.0)
    xw = x @ W
    norm = dinv[src] * dinv[dst]
    agg = jax.ops.segment_sum(xw[src] * norm[:, None], dst, num_segments=N)
    return agg + b

def _forward(x, edge_index, edge_index_u, edge_index_v, params):
    (W_u0, b_u0, W_v0, b_v0, W_uv0, b_uv0,
     W_u1, b_u1, W_v1, b_v1, W_uv1, b_uv1,
     W_du, b_du, W_di, b_di, basis, coefs) = params
    if x.ndim < 2:
        x = x[:, None]
    x_u = _gcn(x, edge_index_u, W_u0, b_u0)[:U]
    x_v = _gcn(x, edge_index_v, W_v0, b_v0)[U:]
    x = jnp.concatenate([x_u, x_v], axis=0)
    x = _gcn(x, edge_index, W_uv0, b_uv0)
    x = jax.nn.relu(x)
    x_u = _gcn(x, edge_index_u, W_u1, b_u1)[:U]
    x_v = _gcn(x, edge_index_v, W_v1, b_v1)[U:]
    x = jnp.concatenate([x_u, x_v], axis=0)
    x = _gcn(x, edge_index, W_uv1, b_uv1)
    u_feat = x[:U] @ W_du + b_du
    i_feat = x[U:] @ W_di + b_di
    outs = []
    for r in range(R):
        q = jnp.sum(coefs[r][:, None] * basis, axis=0).reshape(FD, FD)
        outs.append((u_feat @ q) @ i_feat.T)
    out = jnp.stack(outs, axis=2)
    return out.reshape(U * (N - U), R)

def reference(x, edge_index, edge_index_u, edge_index_v, edge_type, edge_norm,
              W_u0, b_u0, W_v0, b_v0, W_uv0, b_uv0,
              W_u1, b_u1, W_v1, b_v1, W_uv1, b_uv1,
              W_du, b_du, W_di, b_di, basis, coefs):
    params = (W_u0, b_u0, W_v0, b_v0, W_uv0, b_uv0,
              W_u1, b_u1, W_v1, b_v1, W_uv1, b_uv1,
              W_du, b_du, W_di, b_di, basis, coefs)
    return _forward(x, edge_index, edge_index_u, edge_index_v, params)

if __name__ == "__main__":
    import jax
    _d = setup_inputs()
    print(jax.jit(kernel)(*tuple(_d.values())))

</pallas_src>

<mosaic_0001>
#map = affine_map<(d0, d1) -> (0)>
#map1 = affine_map<(d0, d1) -> (0, 0)>
module attributes {stable_mosaic.version = 14 : i64} {
  func.func @body(%arg0: i32, %arg1: i32, %arg2: memref<4096xf32, #tpu.memory_space<hbm>>, %arg3: memref<262144xi32, #tpu.memory_space<hbm>>, %arg4: memref<262144xi32, #tpu.memory_space<hbm>>, %arg5: memref<4096xf32, #tpu.memory_space<hbm>>, %arg6: memref<2x4096xf32, #tpu.memory_space<hbm>>, %arg7: memref<128xi32, #tpu.memory_space<vmem>>, %arg8: memref<128xi32, #tpu.memory_space<vmem>>, %arg9: memref<128xi32, #tpu.memory_space<vmem>>, %arg10: memref<128xi32, #tpu.memory_space<vmem>>, %arg11: memref<128xf32, #tpu.memory_space<vmem>>, %arg12: memref<128xf32, #tpu.memory_space<vmem>>, %arg13: memref<4096xf32, #tpu.memory_space<vmem_shared>>, %arg14: memref<4096xf32, #tpu.memory_space<vmem_shared>>, %arg15: memref<!tpu.dma_semaphore, #tpu.memory_space<semaphore_mem>>, %arg16: memref<!tpu.dma_semaphore, #tpu.memory_space<semaphore_mem>>, %arg17: memref<!tpu.dma_semaphore, #tpu.memory_space<semaphore_mem>>, %arg18: memref<!tpu.dma_semaphore, #tpu.memory_space<semaphore_mem>>) attributes {dimension_semantics = [#tpu.dimension_semantics<core_parallel>, #tpu.dimension_semantics<subcore_parallel>], iteration_bounds = array<i64: 2, 16>, scalar_prefetch = 0 : i64, scratch_operands = 12 : i64, tpu.core_type = #tpu.core_type<sc_vector_subcore>, window_params = [{transform_indices = #map}, {transform_indices = #map}, {transform_indices = #map}, {transform_indices = #map}, {transform_indices = #map1}]} {
    %mul3A = arith.constant 2 : i32
    %mul3A_0 = arith.muli %arg1, %mul3A : i32
    %add3A = arith.addi %mul3A_0, %arg0 : i32
    %mul3A_1 = arith.constant 256 : i32
    %mul3A_2 = arith.muli %arg1, %mul3A_1 : i32
    %mul3A_3 = arith.constant 256 : i32
    %mul3A_4 = arith.muli %arg1, %mul3A_3 : i32
    "tpu.region"() ({
      %run_scoped3A = tpu.sem_alloc : memref<!tpu.dma_semaphore, #tpu.memory_space<semaphore_mem>>
      %dma_start3A_66 = tpu.memref_slice %arg14[%mul3A_4] : memref<4096xf32, #tpu.memory_space<vmem_shared>> -> memref<256xf32, #tpu.memory_space<vmem_shared>>
      %dma_start3A_67 = tpu.memref_slice %arg5[%mul3A_2] : memref<4096xf32, #tpu.memory_space<hbm>> -> memref<256xf32, #tpu.memory_space<hbm>>
      tpu.enqueue_dma source(%dma_start3A_67 : memref<256xf32, #tpu.memory_space<hbm>>) target(%dma_start3A_66 : memref<256xf32, #tpu.memory_space<vmem_shared>>) target_semaphore(%run_scoped3A : memref<!tpu.dma_semaphore, #tpu.memory_space<semaphore_mem>>)
      %dma_wait3A_68 = tpu.memref_slice %arg14[%mul3A_4] : memref<4096xf32, #tpu.memory_space<vmem_shared>> -> memref<256xf32, #tpu.memory_space<vmem_shared>>
      %dma_wait3A_69 = tpu.memref_slice %arg5[%mul3A_2] : memref<4096xf32, #tpu.memory_space<hbm>> -> memref<256xf32, #tpu.memory_space<hbm>>
      tpu.wait_dma2 semaphore(%run_scoped3A : memref<!tpu.dma_semaphore, #tpu.memory_space<semaphore_mem>>) src(%dma_wait3A_69 : memref<256xf32, #tpu.memory_space<hbm>>) dst(%dma_wait3A_68 : memref<256xf32, #tpu.memory_space<vmem_shared>>)
      tpu.yield
    }) : () -> ()
    %mul3A_5 = arith.constant 256 : i32
    %mul3A_6 = arith.muli %arg1, %mul3A_5 : i32
    %mul3A_7 = arith.constant 256 : i32
    %mul3A_8 = arith.muli %arg1, %mul3A_7 : i32
    "tpu.region"() ({
      %run_scoped3A = tpu.sem_alloc : memref<!tpu.dma_semaphore, #tpu.memory_space<semaphore_mem>>
      %dma_start3A_66 = tpu.memref_slice %arg13[%mul3A_8] : memref<4096xf32, #tpu.memory_space<vmem_shared>> -> memref<256xf32, #tpu.memory_space<vmem_shared>>
      %dma_start3A_67 = tpu.memref_slice %arg2[%mul3A_6] : memref<4096xf32, #tpu.memory_space<hbm>> -> memref<256xf32, #tpu.memory_space<hbm>>
      tpu.enqueue_dma source(%dma_start3A_67 : memref<256xf32, #tpu.memory_space<hbm>>) target(%dma_start3A_66 : memref<256xf32, #tpu.memory_space<vmem_shared>>) target_semaphore(%run_scoped3A : memref<!tpu.dma_semaphore, #tpu.memory_space<semaphore_mem>>)
      %dma_wait3A_68 = tpu.memref_slice %arg13[%mul3A_8] : memref<4096xf32, #tpu.memory_space<vmem_shared>> -> memref<256xf32, #tpu.memory_space<vmem_shared>>
      %dma_wait3A_69 = tpu.memref_slice %arg2[%mul3A_6] : memref<4096xf32, #tpu.memory_space<hbm>> -> memref<256xf32, #tpu.memory_space<hbm>>
      tpu.wait_dma2 semaphore(%run_scoped3A : memref<!tpu.dma_semaphore, #tpu.memory_space<semaphore_mem>>) src(%dma_wait3A_69 : memref<256xf32, #tpu.memory_space<hbm>>) dst(%dma_wait3A_68 : memref<256xf32, #tpu.memory_space<vmem_shared>>)
      tpu.yield
    }) : () -> ()
    %barrier3A = arith.constant 0 : index
    tpu.barrier barrier_id(%barrier3A)
    %mul3A_9 = arith.constant 64 : i32
    %mul3A_10 = arith.muli %add3A, %mul3A_9 : i32
    %mul3A_11 = arith.constant 128 : i32
    %mul3A_12 = arith.muli %mul3A_10, %mul3A_11 : i32
    %add3A_13 = arith.constant 0 : i32
    %add3A_14 = arith.addi %mul3A_12, %add3A_13 : i32
    %min3A = arith.constant 262016 : i32
    %min3A_15 = arith.minsi %add3A_14, %min3A : i32
    %dma_start3A = tpu.memref_slice %arg3[%min3A_15] : memref<262144xi32, #tpu.memory_space<hbm>> -> memref<128xi32, #tpu.memory_space<hbm>>
    %dma_start3A_16 = tpu.memref_slice %arg3[%min3A_15] : memref<262144xi32, #tpu.memory_space<hbm>> -> memref<128xi32, #tpu.memory_space<hbm>>
    tpu.enqueue_dma source(%dma_start3A_16 : memref<128xi32, #tpu.memory_space<hbm>>) target(%arg7 : memref<128xi32, #tpu.memory_space<vmem>>) target_semaphore(%arg15 : memref<!tpu.dma_semaphore, #tpu.memory_space<semaphore_mem>>)
    %add3A_17 = arith.constant 0 : i32
    %add3A_18 = arith.addi %mul3A_12, %add3A_17 : i32
    %min3A_19 = arith.constant 262016 : i32
    %min3A_20 = arith.minsi %add3A_18, %min3A_19 : i32
    %dma_start3A_21 = tpu.memref_slice %arg4[%min3A_20] : memref<262144xi32, #tpu.memory_space<hbm>> -> memref<128xi32, #tpu.memory_space<hbm>>
    %dma_start3A_22 = tpu.memref_slice %arg4[%min3A_20] : memref<262144xi32, #tpu.memory_space<hbm>> -> memref<128xi32, #tpu.memory_space<hbm>>
    tpu.enqueue_dma source(%dma_start3A_22 : memref<128xi32, #tpu.memory_space<hbm>>) target(%arg9 : memref<128xi32, #tpu.memory_space<vmem>>) target_semaphore(%arg15 : memref<!tpu.dma_semaphore, #tpu.memory_space<semaphore_mem>>)
    %add3A_23 = arith.constant 128 : i32
    %add3A_24 = arith.addi %mul3A_12, %add3A_23 : i32
    %min3A_25 = arith.constant 262016 : i32
    %min3A_26 = arith.minsi %add3A_24, %min3A_25 : i32
    %dma_start3A_27 = tpu.memref_slice %arg3[%min3A_26] : memref<262144xi32, #tpu.memory_space<hbm>> -> memref<128xi32, #tpu.memory_space<hbm>>
    %dma_start3A_28 = tpu.memref_slice %arg3[%min3A_26] : memref<262144xi32, #tpu.memory_space<hbm>> -> memref<128xi32, #tpu.memory_space<hbm>>
    tpu.enqueue_dma source(%dma_start3A_28 : memref<128xi32, #tpu.memory_space<hbm>>) target(%arg8 : memref<128xi32, #tpu.memory_space<vmem>>) target_semaphore(%arg16 : memref<!tpu.dma_semaphore, #tpu.memory_space<semaphore_mem>>)
    %add3A_29 = arith.constant 128 : i32
    %add3A_30 = arith.addi %mul3A_12, %add3A_29 : i32
    %min3A_31 = arith.constant 262016 : i32
    %min3A_32 = arith.minsi %add3A_30, %min3A_31 : i32
    %dma_start3A_33 = tpu.memref_slice %arg4[%min3A_32] : memref<262144xi32, #tpu.memory_space<hbm>> -> memref<128xi32, #tpu.memory_space<hbm>>
    %dma_start3A_34 = tpu.memref_slice %arg4[%min3A_32] : memref<262144xi32, #tpu.memory_space<hbm>> -> memref<128xi32, #tpu.memory_space<hbm>>
    tpu.enqueue_dma source(%dma_start3A_34 : memref<128xi32, #tpu.memory_space<hbm>>) target(%arg10 : memref<128xi32, #tpu.memory_space<vmem>>) target_semaphore(%arg16 : memref<!tpu.dma_semaphore, #tpu.memory_space<semaphore_mem>>)
    %dma_wait3A = arith.constant 0 : i32
    %dma_wait3A_35 = tpu.memref_slice %arg3[%dma_wait3A] : memref<262144xi32, #tpu.memory_space<hbm>> -> memref<128xi32, #tpu.memory_space<hbm>>
    %dma_wait3A_36 = arith.constant 0 : i32
    %dma_wait3A_37 = tpu.memref_slice %arg3[%dma_wait3A_36] : memref<262144xi32, #tpu.memory_space<hbm>> -> memref<128xi32, #tpu.memory_space<hbm>>
    tpu.wait_dma2 semaphore(%arg15 : memref<!tpu.dma_semaphore, #tpu.memory_space<semaphore_mem>>) src(%dma_wait3A_37 : memref<128xi32, #tpu.memory_space<hbm>>) dst(%arg7 : memref<128xi32, #tpu.memory_space<vmem>>)
    %dma_wait3A_38 = arith.constant 0 : i32
    %dma_wait3A_39 = tpu.memref_slice %arg4[%dma_wait3A_38] : memref<262144xi32, #tpu.memory_space<hbm>> -> memref<128xi32, #tpu.memory_space<hbm>>
    %dma_wait3A_40 = arith.constant 0 : i32
    %dma_wait3A_41 = tpu.memref_slice %arg4[%dma_wait3A_40] : memref<262144xi32, #tpu.memory_space<hbm>> -> memref<128xi32, #tpu.memory_space<hbm>>
    tpu.wait_dma2 semaphore(%arg15 : memref<!tpu.dma_semaphore, #tpu.memory_space<semaphore_mem>>) src(%dma_wait3A_41 : memref<128xi32, #tpu.memory_space<hbm>>) dst(%arg9 : memref<128xi32, #tpu.memory_space<vmem>>)
    %dma_start3A_42 = arith.constant 0 : i32
    %dma_start3A_43 = tpu.memref_slice %arg13[%dma_start3A_42] : memref<4096xf32, #tpu.memory_space<vmem_shared>> -> memref<4096xf32, #tpu.memory_space<vmem_shared>>
    tpu.enqueue_indirect_dma source(%dma_start3A_43 : memref<4096xf32, #tpu.memory_space<vmem_shared>>) target(%arg11 : memref<128xf32, #tpu.memory_space<vmem>>) offsets(%arg7 : memref<128xi32, #tpu.memory_space<vmem>>) semaphore(%arg17 : memref<!tpu.dma_semaphore, #tpu.memory_space<semaphore_mem>>)
    %scan3A = arith.constant 0 : i32
    %scan3A_44 = arith.constant 0 : i32
    %scan3A_45 = arith.constant 32 : i32
    %scan3A_46 = arith.addi %scan3A_44, %scan3A_45 : i32
    %scan3A_47 = arith.constant 1 : i32
    scf.for %scan3A_66 = %scan3A_44 to %scan3A_46 step %scan3A_47  : i32 {
      %mul3A_67 = arith.constant 2 : i32
      %mul3A_68 = arith.muli %mul3A_67, %scan3A_66 : i32
      %dma_wait3A_69 = arith.constant 0 : i32
      %dma_wait3A_70 = tpu.memref_slice %arg3[%dma_wait3A_69] : memref<262144xi32, #tpu.memory_space<hbm>> -> memref<128xi32, #tpu.memory_space<hbm>>
      %dma_wait3A_71 = arith.constant 0 : i32
      %dma_wait3A_72 = tpu.memref_slice %arg3[%dma_wait3A_71] : memref<262144xi32, #tpu.memory_space<hbm>> -> memref<128xi32, #tpu.memory_space<hbm>>
      tpu.wait_dma2 semaphore(%arg16 : memref<!tpu.dma_semaphore, #tpu.memory_space<semaphore_mem>>) src(%dma_wait3A_72 : memref<128xi32, #tpu.memory_space<hbm>>) dst(%arg8 : memref<128xi32, #tpu.memory_space<vmem>>)
      %dma_wait3A_73 = arith.constant 0 : i32
      %dma_wait3A_74 = tpu.memref_slice %arg4[%dma_wait3A_73] : memref<262144xi32, #tpu.memory_space<hbm>> -> memref<128xi32, #tpu.memory_space<hbm>>
      %dma_wait3A_75 = arith.constant 0 : i32
      %dma_wait3A_76 = tpu.memref_slice %arg4[%dma_wait3A_75] : memref<262144xi32, #tpu.memory_space<hbm>> -> memref<128xi32, #tpu.memory_space<hbm>>
      tpu.wait_dma2 semaphore(%arg16 : memref<!tpu.dma_semaphore, #tpu.memory_space<semaphore_mem>>) src(%dma_wait3A_76 : memref<128xi32, #tpu.memory_space<hbm>>) dst(%arg10 : memref<128xi32, #tpu.memory_space<vmem>>)
      %dma_start3A_77 = arith.constant 0 : i32
      %dma_start3A_78 = tpu.memref_slice %arg13[%dma_start3A_77] : memref<4096xf32, #tpu.memory_space<vmem_shared>> -> memref<4096xf32, #tpu.memory_space<vmem_shared>>
      tpu.enqueue_indirect_dma source(%dma_start3A_78 : memref<4096xf32, #tpu.memory_space<vmem_shared>>) target(%arg12 : memref<128xf32, #tpu.memory_space<vmem>>) offsets(%arg8 : memref<128xi32, #tpu.memory_space<vmem>>) semaphore(%arg18 : memref<!tpu.dma_semaphore, #tpu.memory_space<semaphore_mem>>)
      %dma_wait3A_79 = arith.constant 0 : i32
      %dma_wait3A_80 = tpu.memref_slice %arg2[%dma_wait3A_79] : memref<4096xf32, #tpu.memory_space<hbm>> -> memref<128xf32, #tpu.memory_space<hbm>>
      %dma_wait3A_81 = arith.constant 0 : i32
      %dma_wait3A_82 = tpu.memref_slice %arg2[%dma_wait3A_81] : memref<4096xf32, #tpu.memory_space<hbm>> -> memref<128xf32, #tpu.memory_space<hbm>>
      tpu.wait_dma2 semaphore(%arg17 : memref<!tpu.dma_semaphore, #tpu.memory_space<semaphore_mem>>) src(%dma_wait3A_82 : memref<128xf32, #tpu.memory_space<hbm>>) dst(%arg11 : memref<128xf32, #tpu.memory_space<vmem>>)
      %add3A_83 = arith.constant 2 : i32
      %add3A_84 = arith.addi %mul3A_68, %add3A_83 : i32
      %mul3A_85 = arith.constant 128 : i32
      %mul3A_86 = arith.muli %add3A_84, %mul3A_85 : i32
      %add3A_87 = arith.addi %mul3A_12, %mul3A_86 : i32
      %min3A_88 = arith.constant 262016 : i32
      %min3A_89 = arith.minsi %add3A_87, %min3A_88 : i32
      %dma_start3A_90 = tpu.memref_slice %arg3[%min3A_89] : memref<262144xi32, #tpu.memory_space<hbm>> -> memref<128xi32, #tpu.memory_space<hbm>>
      %dma_start3A_91 = tpu.memref_slice %arg3[%min3A_89] : memref<262144xi32, #tpu.memory_space<hbm>> -> memref<128xi32, #tpu.memory_space<hbm>>
      tpu.enqueue_dma source(%dma_start3A_91 : memref<128xi32, #tpu.memory_space<hbm>>) target(%arg7 : memref<128xi32, #tpu.memory_space<vmem>>) target_semaphore(%arg15 : memref<!tpu.dma_semaphore, #tpu.memory_space<semaphore_mem>>)
      "tpu.region"() ({
        %run_scoped3A = tpu.sem_alloc : memref<!tpu.dma_semaphore, #tpu.memory_space<semaphore_mem>>
        %dma_start3A_137 = arith.constant 0 : i32
        %dma_start3A_138 = tpu.memref_slice %arg14[%dma_start3A_137] : memref<4096xf32, #tpu.memory_space<vmem_shared>> -> memref<4096xf32, #tpu.memory_space<vmem_shared>>
        tpu.enqueue_indirect_dma source(%arg11 : memref<128xf32, #tpu.memory_space<vmem>>) target(%dma_start3A_138 : memref<4096xf32, #tpu.memory_space<vmem_shared>>) offsets(%arg9 : memref<128xi32, #tpu.memory_space<vmem>>) semaphore(%run_scoped3A : memref<!tpu.dma_semaphore, #tpu.memory_space<semaphore_mem>>) {add = true}
        %dma_wait3A_139 = arith.constant 0 : i32
        %dma_wait3A_140 = tpu.memref_slice %arg14[%dma_wait3A_139] : memref<4096xf32, #tpu.memory_space<vmem_shared>> -> memref<4096xf32, #tpu.memory_space<vmem_shared>>
        tpu.wait_indirect_dma semaphore(%run_scoped3A : memref<!tpu.dma_semaphore, #tpu.memory_space<semaphore_mem>>) src(%arg11 : memref<128xf32, #tpu.memory_space<vmem>>) dst(%dma_wait3A_140 : memref<4096xf32, #tpu.memory_space<vmem_shared>>)
        tpu.yield
      }) : () -> ()
      %add3A_92 = arith.constant 2 : i32
      %add3A_93 = arith.addi %mul3A_68, %add3A_92 : i32
      %mul3A_94 = arith.constant 128 : i32
      %mul3A_95 = arith.muli %add3A_93, %mul3A_94 : i32
      %add3A_96 = arith.addi %mul3A_12, %mul3A_95 : i32
      %min3A_97 = arith.constant 262016 : i32
      %min3A_98 = arith.minsi %add3A_96, %min3A_97 : i32
      %dma_start3A_99 = tpu.memref_slice %arg4[%min3A_98] : memref<262144xi32, #tpu.memory_space<hbm>> -> memref<128xi32, #tpu.memory_space<hbm>>
      %dma_start3A_100 = tpu.memref_slice %arg4[%min3A_98] : memref<262144xi32, #tpu.memory_space<hbm>> -> memref<128xi32, #tpu.memory_space<hbm>>
      tpu.enqueue_dma source(%dma_start3A_100 : memref<128xi32, #tpu.memory_space<hbm>>) target(%arg9 : memref<128xi32, #tpu.memory_space<vmem>>) target_semaphore(%arg15 : memref<!tpu.dma_semaphore, #tpu.memory_space<semaphore_mem>>)
      %mul3A_101 = arith.constant 2 : i32
      %mul3A_102 = arith.muli %mul3A_101, %scan3A_66 : i32
      %add3A_103 = arith.constant 1 : i32
      %add3A_104 = arith.addi %mul3A_102, %add3A_103 : i32
      %dma_wait3A_105 = arith.constant 0 : i32
      %dma_wait3A_106 = tpu.memref_slice %arg3[%dma_wait3A_105] : memref<262144xi32, #tpu.memory_space<hbm>> -> memref<128xi32, #tpu.memory_space<hbm>>
      %dma_wait3A_107 = arith.constant 0 : i32
      %dma_wait3A_108 = tpu.memref_slice %arg3[%dma_wait3A_107] : memref<262144xi32, #tpu.memory_space<hbm>> -> memref<128xi32, #tpu.memory_space<hbm>>
      tpu.wait_dma2 semaphore(%arg15 : memref<!tpu.dma_semaphore, #tpu.memory_space<semaphore_mem>>) src(%dma_wait3A_108 : memref<128xi32, #tpu.memory_space<hbm>>) dst(%arg7 : memref<128xi32, #tpu.memory_space<vmem>>)
      %dma_wait3A_109 = arith.constant 0 : i32
      %dma_wait3A_110 = tpu.memref_slice %arg4[%dma_wait3A_109] : memref<262144xi32, #tpu.memory_space<hbm>> -> memref<128xi32, #tpu.memory_space<hbm>>
      %dma_wait3A_111 = arith.constant 0 : i32
      %dma_wait3A_112 = tpu.memref_slice %arg4[%dma_wait3A_111] : memref<262144xi32, #tpu.memory_space<hbm>> -> memref<128xi32, #tpu.memory_space<hbm>>
      tpu.wait_dma2 semaphore(%arg15 : memref<!tpu.dma_semaphore, #tpu.memory_space<semaphore_mem>>) src(%dma_wait3A_112 : memref<128xi32, #tpu.memory_space<hbm>>) dst(%arg9 : memref<128xi32, #tpu.memory_space<vmem>>)
      %dma_start3A_113 = arith.constant 0 : i32
      %dma_start3A_114 = tpu.memref_slice %arg13[%dma_start3A_113] : memref<4096xf32, #tpu.memory_space<vmem_shared>> -> memref<4096xf32, #tpu.memory_space<vmem_shared>>
      tpu.enqueue_indirect_dma source(%dma_start3A_114 : memref<4096xf32, #tpu.memory_space<vmem_shared>>) target(%arg11 : memref<128xf32, #tpu.memory_space<vmem>>) offsets(%arg7 : memref<128xi32, #tpu.memory_space<vmem>>) semaphore(%arg17 : memref<!tpu.dma_semaphore, #tpu.memory_space<semaphore_mem>>)
      %dma_wait3A_115 = arith.constant 0 : i32
      %dma_wait3A_116 = tpu.memref_slice %arg2[%dma_wait3A_115] : memref<4096xf32, #tpu.memory_space<hbm>> -> memref<128xf32, #tpu.memory_space<hbm>>
      %dma_wait3A_117 = arith.constant 0 : i32
      %dma_wait3A_118 = tpu.memref_slice %arg2[%dma_wait3A_117] : memref<4096xf32, #tpu.memory_space<hbm>> -> memref<128xf32, #tpu.memory_space<hbm>>
      tpu.wait_dma2 semaphore(%arg18 : memref<!tpu.dma_semaphore, #tpu.memory_space<semaphore_mem>>) src(%dma_wait3A_118 : memref<128xf32, #tpu.memory_space<hbm>>) dst(%arg12 : memref<128xf32, #tpu.memory_space<vmem>>)
      %add3A_119 = arith.constant 2 : i32
      %add3A_120 = arith.addi %add3A_104, %add3A_119 : i32
      %mul3A_121 = arith.constant 128 : i32
      %mul3A_122 = arith.muli %add3A_120, %mul3A_121 : i32
      %add3A_123 = arith.addi %mul3A_12, %mul3A_122 : i32
      %min3A_124 = arith.constant 262016 : i32
      %min3A_125 = arith.minsi %add3A_123, %min3A_124 : i32
      %dma_start3A_126 = tpu.memref_slice %arg3[%min3A_125] : memref<262144xi32, #tpu.memory_space<hbm>> -> memref<128xi32, #tpu.memory_space<hbm>>
      %dma_start3A_127 = tpu.memref_slice %arg3[%min3A_125] : memref<262144xi32, #tpu.memory_space<hbm>> -> memref<128xi32, #tpu.memory_space<hbm>>
      tpu.enqueue_dma source(%dma_start3A_127 : memref<128xi32, #tpu.memory_space<hbm>>) target(%arg8 : memref<128xi32, #tpu.memory_space<vmem>>) target_semaphore(%arg16 : memref<!tpu.dma_semaphore, #tpu.memory_space<semaphore_mem>>)
      "tpu.region"() ({
        %run_scoped3A = tpu.sem_alloc : memref<!tpu.dma_semaphore, #tpu.memory_space<semaphore_mem>>
        %dma_start3A_137 = arith.constant 0 : i32
        %dma_start3A_138 = tpu.memref_slice %arg14[%dma_start3A_137] : memref<4096xf32, #tpu.memory_space<vmem_shared>> -> memref<4096xf32, #tpu.memory_space<vmem_shared>>
        tpu.enqueue_indirect_dma source(%arg12 : memref<128xf32, #tpu.memory_space<vmem>>) target(%dma_start3A_138 : memref<4096xf32, #tpu.memory_space<vmem_shared>>) offsets(%arg10 : memref<128xi32, #tpu.memory_space<vmem>>) semaphore(%run_scoped3A : memref<!tpu.dma_semaphore, #tpu.memory_space<semaphore_mem>>) {add = true}
        %dma_wait3A_139 = arith.constant 0 : i32
        %dma_wait3A_140 = tpu.memref_slice %arg14[%dma_wait3A_139] : memref<4096xf32, #tpu.memory_space<vmem_shared>> -> memref<4096xf32, #tpu.memory_space<vmem_shared>>
        tpu.wait_indirect_dma semaphore(%run_scoped3A : memref<!tpu.dma_semaphore, #tpu.memory_space<semaphore_mem>>) src(%arg12 : memref<128xf32, #tpu.memory_space<vmem>>) dst(%dma_wait3A_140 : memref<4096xf32, #tpu.memory_space<vmem_shared>>)
        tpu.yield
      }) : () -> ()
      %add3A_128 = arith.constant 2 : i32
      %add3A_129 = arith.addi %add3A_104, %add3A_128 : i32
      %mul3A_130 = arith.constant 128 : i32
      %mul3A_131 = arith.muli %add3A_129, %mul3A_130 : i32
      %add3A_132 = arith.addi %mul3A_12, %mul3A_131 : i32
      %min3A_133 = arith.constant 262016 : i32
      %min3A_134 = arith.minsi %add3A_132, %min3A_133 : i32
      %dma_start3A_135 = tpu.memref_slice %arg4[%min3A_134] : memref<262144xi32, #tpu.memory_space<hbm>> -> memref<128xi32, #tpu.memory_space<hbm>>
      %dma_start3A_136 = tpu.memref_slice %arg4[%min3A_134] : memref<262144xi32, #tpu.memory_space<hbm>> -> memref<128xi32, #tpu.memory_space<hbm>>
      tpu.enqueue_dma source(%dma_start3A_136 : memref<128xi32, #tpu.memory_space<hbm>>) target(%arg10 : memref<128xi32, #tpu.memory_space<vmem>>) target_semaphore(%arg16 : memref<!tpu.dma_semaphore, #tpu.memory_space<semaphore_mem>>)
    }
    %scan3A_48 = arith.constant 32 : i32
    %dma_wait3A_49 = arith.constant 0 : i32
    %dma_wait3A_50 = tpu.memref_slice %arg2[%dma_wait3A_49] : memref<4096xf32, #tpu.memory_space<hbm>> -> memref<128xf32, #tpu.memory_space<hbm>>
    %dma_wait3A_51 = arith.constant 0 : i32
    %dma_wait3A_52 = tpu.memref_slice %arg2[%dma_wait3A_51] : memref<4096xf32, #tpu.memory_space<hbm>> -> memref<128xf32, #tpu.memory_space<hbm>>
    tpu.wait_dma2 semaphore(%arg17 : memref<!tpu.dma_semaphore, #tpu.memory_space<semaphore_mem>>) src(%dma_wait3A_52 : memref<128xf32, #tpu.memory_space<hbm>>) dst(%arg11 : memref<128xf32, #tpu.memory_space<vmem>>)
    %dma_wait3A_53 = arith.constant 0 : i32
    %dma_wait3A_54 = tpu.memref_slice %arg3[%dma_wait3A_53] : memref<262144xi32, #tpu.memory_space<hbm>> -> memref<128xi32, #tpu.memory_space<hbm>>
    %dma_wait3A_55 = arith.constant 0 : i32
    %dma_wait3A_56 = tpu.memref_slice %arg3[%dma_wait3A_55] : memref<262144xi32, #tpu.memory_space<hbm>> -> memref<128xi32, #tpu.memory_space<hbm>>
    tpu.wait_dma2 semaphore(%arg16 : memref<!tpu.dma_semaphore, #tpu.memory_space<semaphore_mem>>) src(%dma_wait3A_56 : memref<128xi32, #tpu.memory_space<hbm>>) dst(%arg8 : memref<128xi32, #tpu.memory_space<vmem>>)
    %dma_wait3A_57 = arith.constant 0 : i32
    %dma_wait3A_58 = tpu.memref_slice %arg4[%dma_wait3A_57] : memref<262144xi32, #tpu.memory_space<hbm>> -> memref<128xi32, #tpu.memory_space<hbm>>
    %dma_wait3A_59 = arith.constant 0 : i32
    %dma_wait3A_60 = tpu.memref_slice %arg4[%dma_wait3A_59] : memref<262144xi32, #tpu.memory_space<hbm>> -> memref<128xi32, #tpu.memory_space<hbm>>
    tpu.wait_dma2 semaphore(%arg16 : memref<!tpu.dma_semaphore, #tpu.memory_space<semaphore_mem>>) src(%dma_wait3A_60 : memref<128xi32, #tpu.memory_space<hbm>>) dst(%arg10 : memref<128xi32, #tpu.memory_space<vmem>>)
    %barrier3A_61 = arith.constant 0 : index
    tpu.barrier barrier_id(%barrier3A_61)
    %mul3A_62 = arith.constant 256 : i32
    %mul3A_63 = arith.muli %arg1, %mul3A_62 : i32
    %mul3A_64 = arith.constant 256 : i32
    %mul3A_65 = arith.muli %arg1, %mul3A_64 : i32
    "tpu.region"() ({
      %run_scoped3A = tpu.sem_alloc : memref<!tpu.dma_semaphore, #tpu.memory_space<semaphore_mem>>
      %dma_start3A_66 = tpu.memref_slice %arg6[%arg0, %mul3A_65] : memref<2x4096xf32, #tpu.memory_space<hbm>> -> memref<1x256xf32, #tpu.memory_space<hbm>>
      %dma_start3A_67 = tpu.memref_squeeze %dma_start3A_66 : memref<1x256xf32, #tpu.memory_space<hbm>> -> memref<256xf32, #tpu.memory_space<hbm>>
      %dma_start3A_68 = tpu.memref_slice %arg14[%mul3A_63] : memref<4096xf32, #tpu.memory_space<vmem_shared>> -> memref<256xf32, #tpu.memory_space<vmem_shared>>
      tpu.enqueue_dma source(%dma_start3A_68 : memref<256xf32, #tpu.memory_space<vmem_shared>>) target(%dma_start3A_67 : memref<256xf32, #tpu.memory_space<hbm>>) target_semaphore(%run_scoped3A : memref<!tpu.dma_semaphore, #tpu.memory_space<semaphore_mem>>)
      %dma_wait3A_69 = tpu.memref_slice %arg6[%arg0, %mul3A_65] : memref<2x4096xf32, #tpu.memory_space<hbm>> -> memref<1x256xf32, #tpu.memory_space<hbm>>
      %dma_wait3A_70 = tpu.memref_squeeze %dma_wait3A_69 : memref<1x256xf32, #tpu.memory_space<hbm>> -> memref<256xf32, #tpu.memory_space<hbm>>
      %dma_wait3A_71 = tpu.memref_slice %arg14[%mul3A_63] : memref<4096xf32, #tpu.memory_space<vmem_shared>> -> memref<256xf32, #tpu.memory_space<vmem_shared>>
      tpu.wait_dma2 semaphore(%run_scoped3A : memref<!tpu.dma_semaphore, #tpu.memory_space<semaphore_mem>>) src(%dma_wait3A_71 : memref<256xf32, #tpu.memory_space<vmem_shared>>) dst(%dma_wait3A_70 : memref<256xf32, #tpu.memory_space<hbm>>)
      tpu.yield
    }) : () -> ()
    return
  }
}

#map = affine_map<(d0, d1) -> (0)>
#map1 = affine_map<(d0, d1) -> (0, 0)>
module attributes {stable_mosaic.version = 14 : i64} {
  func.func @body(%arg0: i32, %arg1: i32, %arg2: memref<128xf32, #tpu.memory_space<hbm>>, %arg3: memref<327680xi32, #tpu.memory_space<hbm>>, %arg4: memref<327680xi32, #tpu.memory_space<hbm>>, %arg5: memref<8192xf32, #tpu.memory_space<hbm>>, %arg6: memref<2x8192xf32, #tpu.memory_space<hbm>>, %arg7: memref<128xi32, #tpu.memory_space<vmem>>, %arg8: memref<128xi32, #tpu.memory_space<vmem>>, %arg9: memref<128xi32, #tpu.memory_space<vmem>>, %arg10: memref<128xi32, #tpu.memory_space<vmem>>, %arg11: memref<128xf32, #tpu.memory_space<vmem>>, %arg12: memref<128xf32, #tpu.memory_space<vmem>>, %arg13: memref<8xf32, #tpu.memory_space<vmem_shared>>, %arg14: memref<8192xf32, #tpu.memory_space<vmem_shared>>, %arg15: memref<!tpu.dma_semaphore, #tpu.memory_space<semaphore_mem>>, %arg16: memref<!tpu.dma_semaphore, #tpu.memory_space<semaphore_mem>>, %arg17: memref<!tpu.dma_semaphore, #tpu.memory_space<semaphore_mem>>, %arg18: memref<!tpu.dma_semaphore, #tpu.memory_space<semaphore_mem>>) attributes {dimension_semantics = [#tpu.dimension_semantics<core_parallel>, #tpu.dimension_semantics<subcore_parallel>], iteration_bounds = array<i64: 2, 16>, scalar_prefetch = 0 : i64, scratch_operands = 12 : i64, tpu.core_type = #tpu.core_type<sc_vector_subcore>, window_params = [{transform_indices = #map}, {transform_indices = #map}, {transform_indices = #map}, {transform_indices = #map}, {transform_indices = #map1}]} {
    %mul3A = arith.constant 2 : i32
    %mul3A_0 = arith.muli %arg1, %mul3A : i32
    %add3A = arith.addi %mul3A_0, %arg0 : i32
    %mul3A_1 = arith.constant 512 : i32
    %mul3A_2 = arith.muli %arg1, %mul3A_1 : i32
    %mul3A_3 = arith.constant 512 : i32
    %mul3A_4 = arith.muli %arg1, %mul3A_3 : i32
    "tpu.region"() ({
      %run_scoped3A = tpu.sem_alloc : memref<!tpu.dma_semaphore, #tpu.memory_space<semaphore_mem>>
      %dma_start3A_36 = tpu.memref_slice %arg14[%mul3A_4] : memref<8192xf32, #tpu.memory_space<vmem_shared>> -> memref<512xf32, #tpu.memory_space<vmem_shared>>
      %dma_start3A_37 = tpu.memref_slice %arg5[%mul3A_2] : memref<8192xf32, #tpu.memory_space<hbm>> -> memref<512xf32, #tpu.memory_space<hbm>>
      tpu.enqueue_dma source(%dma_start3A_37 : memref<512xf32, #tpu.memory_space<hbm>>) target(%dma_start3A_36 : memref<512xf32, #tpu.memory_space<vmem_shared>>) target_semaphore(%run_scoped3A : memref<!tpu.dma_semaphore, #tpu.memory_space<semaphore_mem>>)
      %dma_wait3A_38 = tpu.memref_slice %arg14[%mul3A_4] : memref<8192xf32, #tpu.memory_space<vmem_shared>> -> memref<512xf32, #tpu.memory_space<vmem_shared>>
      %dma_wait3A_39 = tpu.memref_slice %arg5[%mul3A_2] : memref<8192xf32, #tpu.memory_space<hbm>> -> memref<512xf32, #tpu.memory_space<hbm>>
      tpu.wait_dma2 semaphore(%run_scoped3A : memref<!tpu.dma_semaphore, #tpu.memory_space<semaphore_mem>>) src(%dma_wait3A_39 : memref<512xf32, #tpu.memory_space<hbm>>) dst(%dma_wait3A_38 : memref<512xf32, #tpu.memory_space<vmem_shared>>)
      tpu.yield
    }) : () -> ()
    "tpu.region"() ({
      %run_scoped3A = tpu.sem_alloc : memref<!tpu.dma_semaphore, #tpu.memory_space<semaphore_mem>>
      tpu.enqueue_dma source(%arg2 : memref<128xf32, #tpu.memory_space<hbm>>) target(%arg11 : memref<128xf32, #tpu.memory_space<vmem>>) target_semaphore(%run_scoped3A : memref<!tpu.dma_semaphore, #tpu.memory_space<semaphore_mem>>)
      tpu.wait_dma2 semaphore(%run_scoped3A : memref<!tpu.dma_semaphore, #tpu.memory_space<semaphore_mem>>) src(%arg2 : memref<128xf32, #tpu.memory_space<hbm>>) dst(%arg11 : memref<128xf32, #tpu.memory_space<vmem>>)
      tpu.yield
    }) : () -> ()
    %barrier3A = arith.constant 0 : index
    tpu.barrier barrier_id(%barrier3A)
    %mul3A_5 = arith.constant 80 : i32
    %mul3A_6 = arith.muli %add3A, %mul3A_5 : i32
    %mul3A_7 = arith.constant 128 : i32
    %mul3A_8 = arith.muli %mul3A_6, %mul3A_7 : i32
    %add3A_9 = arith.constant 0 : i32
    %add3A_10 = arith.addi %mul3A_8, %add3A_9 : i32
    %min3A = arith.constant 327552 : i32
    %min3A_11 = arith.minsi %add3A_10, %min3A : i32
    %dma_start3A = tpu.memref_slice %arg4[%min3A_11] : memref<327680xi32, #tpu.memory_space<hbm>> -> memref<128xi32, #tpu.memory_space<hbm>>
    %dma_start3A_12 = tpu.memref_slice %arg4[%min3A_11] : memref<327680xi32, #tpu.memory_space<hbm>> -> memref<128xi32, #tpu.memory_space<hbm>>
    tpu.enqueue_dma source(%dma_start3A_12 : memref<128xi32, #tpu.memory_space<hbm>>) target(%arg9 : memref<128xi32, #tpu.memory_space<vmem>>) target_semaphore(%arg15 : memref<!tpu.dma_semaphore, #tpu.memory_space<semaphore_mem>>)
    %add3A_13 = arith.constant 128 : i32
    %add3A_14 = arith.addi %mul3A_8, %add3A_13 : i32
    %min3A_15 = arith.constant 327552 : i32
    %min3A_16 = arith.minsi %add3A_14, %min3A_15 : i32
    %dma_start3A_17 = tpu.memref_slice %arg4[%min3A_16] : memref<327680xi32, #tpu.memory_space<hbm>> -> memref<128xi32, #tpu.memory_space<hbm>>
    %dma_start3A_18 = tpu.memref_slice %arg4[%min3A_16] : memref<327680xi32, #tpu.memory_space<hbm>> -> memref<128xi32, #tpu.memory_space<hbm>>
    tpu.enqueue_dma source(%dma_start3A_18 : memref<128xi32, #tpu.memory_space<hbm>>) target(%arg10 : memref<128xi32, #tpu.memory_space<vmem>>) target_semaphore(%arg16 : memref<!tpu.dma_semaphore, #tpu.memory_space<semaphore_mem>>)
    %dma_wait3A = arith.constant 0 : i32
    %dma_wait3A_19 = tpu.memref_slice %arg4[%dma_wait3A] : memref<327680xi32, #tpu.memory_space<hbm>> -> memref<128xi32, #tpu.memory_space<hbm>>
    %dma_wait3A_20 = arith.constant 0 : i32
    %dma_wait3A_21 = tpu.memref_slice %arg4[%dma_wait3A_20] : memref<327680xi32, #tpu.memory_space<hbm>> -> memref<128xi32, #tpu.memory_space<hbm>>
    tpu.wait_dma2 semaphore(%arg15 : memref<!tpu.dma_semaphore, #tpu.memory_space<semaphore_mem>>) src(%dma_wait3A_21 : memref<128xi32, #tpu.memory_space<hbm>>) dst(%arg9 : memref<128xi32, #tpu.memory_space<vmem>>)
    %scan3A = arith.constant 0 : i32
    %scan3A_22 = arith.constant 0 : i32
    %scan3A_23 = arith.constant 40 : i32
    %scan3A_24 = arith.addi %scan3A_22, %scan3A_23 : i32
    %scan3A_25 = arith.constant 1 : i32
    scf.for %scan3A_36 = %scan3A_22 to %scan3A_24 step %scan3A_25  : i32 {
      %mul3A_37 = arith.constant 2 : i32
      %mul3A_38 = arith.muli %mul3A_37, %scan3A_36 : i32
      %dma_wait3A_39 = arith.constant 0 : i32
      %dma_wait3A_40 = tpu.memref_slice %arg4[%dma_wait3A_39] : memref<327680xi32, #tpu.memory_space<hbm>> -> memref<128xi32, #tpu.memory_space<hbm>>
      %dma_wait3A_41 = arith.constant 0 : i32
      %dma_wait3A_42 = tpu.memref_slice %arg4[%dma_wait3A_41] : memref<327680xi32, #tpu.memory_space<hbm>> -> memref<128xi32, #tpu.memory_space<hbm>>
      tpu.wait_dma2 semaphore(%arg16 : memref<!tpu.dma_semaphore, #tpu.memory_space<semaphore_mem>>) src(%dma_wait3A_42 : memref<128xi32, #tpu.memory_space<hbm>>) dst(%arg10 : memref<128xi32, #tpu.memory_space<vmem>>)
      "tpu.region"() ({
        %run_scoped3A = tpu.sem_alloc : memref<!tpu.dma_semaphore, #tpu.memory_space<semaphore_mem>>
        %dma_start3A_69 = arith.constant 0 : i32
        %dma_start3A_70 = tpu.memref_slice %arg14[%dma_start3A_69] : memref<8192xf32, #tpu.memory_space<vmem_shared>> -> memref<8192xf32, #tpu.memory_space<vmem_shared>>
        tpu.enqueue_indirect_dma source(%arg11 : memref<128xf32, #tpu.memory_space<vmem>>) target(%dma_start3A_70 : memref<8192xf32, #tpu.memory_space<vmem_shared>>) offsets(%arg9 : memref<128xi32, #tpu.memory_space<vmem>>) semaphore(%run_scoped3A : memref<!tpu.dma_semaphore, #tpu.memory_space<semaphore_mem>>) {add = true}
        %dma_wait3A_71 = arith.constant 0 : i32
        %dma_wait3A_72 = tpu.memref_slice %arg14[%dma_wait3A_71] : memref<8192xf32, #tpu.memory_space<vmem_shared>> -> memref<8192xf32, #tpu.memory_space<vmem_shared>>
        tpu.wait_indirect_dma semaphore(%run_scoped3A : memref<!tpu.dma_semaphore, #tpu.memory_space<semaphore_mem>>) src(%arg11 : memref<128xf32, #tpu.memory_space<vmem>>) dst(%dma_wait3A_72 : memref<8192xf32, #tpu.memory_space<vmem_shared>>)
        tpu.yield
      }) : () -> ()
      %add3A_43 = arith.constant 2 : i32
      %add3A_44 = arith.addi %mul3A_38, %add3A_43 : i32
      %mul3A_45 = arith.constant 128 : i32
      %mul3A_46 = arith.muli %add3A_44, %mul3A_45 : i32
      %add3A_47 = arith.addi %mul3A_8, %mul3A_46 : i32
      %min3A_48 = arith.constant 327552 : i32
      %min3A_49 = arith.minsi %add3A_47, %min3A_48 : i32
      %dma_start3A_50 = tpu.memref_slice %arg4[%min3A_49] : memref<327680xi32, #tpu.memory_space<hbm>> -> memref<128xi32, #tpu.memory_space<hbm>>
      %dma_start3A_51 = tpu.memref_slice %arg4[%min3A_49] : memref<327680xi32, #tpu.memory_space<hbm>> -> memref<128xi32, #tpu.memory_space<hbm>>
      tpu.enqueue_dma source(%dma_start3A_51 : memref<128xi32, #tpu.memory_space<hbm>>) target(%arg9 : memref<128xi32, #tpu.memory_space<vmem>>) target_semaphore(%arg15 : memref<!tpu.dma_semaphore, #tpu.memory_space<semaphore_mem>>)
      %mul3A_52 = arith.constant 2 : i32
      %mul3A_53 = arith.muli %mul3A_52, %scan3A_36 : i32
      %add3A_54 = arith.constant 1 : i32
      %add3A_55 = arith.addi %mul3A_53, %add3A_54 : i32
      %dma_wait3A_56 = arith.constant 0 : i32
      %dma_wait3A_57 = tpu.memref_slice %arg4[%dma_wait3A_56] : memref<327680xi32, #tpu.memory_space<hbm>> -> memref<128xi32, #tpu.memory_space<hbm>>
      %dma_wait3A_58 = arith.constant 0 : i32
      %dma_wait3A_59 = tpu.memref_slice %arg4[%dma_wait3A_58] : memref<327680xi32, #tpu.memory_space<hbm>> -> memref<128xi32, #tpu.memory_space<hbm>>
      tpu.wait_dma2 semaphore(%arg15 : memref<!tpu.dma_semaphore, #tpu.memory_space<semaphore_mem>>) src(%dma_wait3A_59 : memref<128xi32, #tpu.memory_space<hbm>>) dst(%arg9 : memref<128xi32, #tpu.memory_space<vmem>>)
      "tpu.region"() ({
        %run_scoped3A = tpu.sem_alloc : memref<!tpu.dma_semaphore, #tpu.memory_space<semaphore_mem>>
        %dma_start3A_69 = arith.constant 0 : i32
        %dma_start3A_70 = tpu.memref_slice %arg14[%dma_start3A_69] : memref<8192xf32, #tpu.memory_space<vmem_shared>> -> memref<8192xf32, #tpu.memory_space<vmem_shared>>
        tpu.enqueue_indirect_dma source(%arg11 : memref<128xf32, #tpu.memory_space<vmem>>) target(%dma_start3A_70 : memref<8192xf32, #tpu.memory_space<vmem_shared>>) offsets(%arg10 : memref<128xi32, #tpu.memory_space<vmem>>) semaphore(%run_scoped3A : memref<!tpu.dma_semaphore, #tpu.memory_space<semaphore_mem>>) {add = true}
        %dma_wait3A_71 = arith.constant 0 : i32
        %dma_wait3A_72 = tpu.memref_slice %arg14[%dma_wait3A_71] : memref<8192xf32, #tpu.memory_space<vmem_shared>> -> memref<8192xf32, #tpu.memory_space<vmem_shared>>
        tpu.wait_indirect_dma semaphore(%run_scoped3A : memref<!tpu.dma_semaphore, #tpu.memory_space<semaphore_mem>>) src(%arg11 : memref<128xf32, #tpu.memory_space<vmem>>) dst(%dma_wait3A_72 : memref<8192xf32, #tpu.memory_space<vmem_shared>>)
        tpu.yield
      }) : () -> ()
      %add3A_60 = arith.constant 2 : i32
      %add3A_61 = arith.addi %add3A_55, %add3A_60 : i32
      %mul3A_62 = arith.constant 128 : i32
      %mul3A_63 = arith.muli %add3A_61, %mul3A_62 : i32
      %add3A_64 = arith.addi %mul3A_8, %mul3A_63 : i32
      %min3A_65 = arith.constant 327552 : i32
      %min3A_66 = arith.minsi %add3A_64, %min3A_65 : i32
      %dma_start3A_67 = tpu.memref_slice %arg4[%min3A_66] : memref<327680xi32, #tpu.memory_space<hbm>> -> memref<128xi32, #tpu.memory_space<hbm>>
      %dma_start3A_68 = tpu.memref_slice %arg4[%min3A_66] : memref<327680xi32, #tpu.memory_space<hbm>> -> memref<128xi32, #tpu.memory_space<hbm>>
      tpu.enqueue_dma source(%dma_start3A_68 : memref<128xi32, #tpu.memory_space<hbm>>) target(%arg10 : memref<128xi32, #tpu.memory_space<vmem>>) target_semaphore(%arg16 : memref<!tpu.dma_semaphore, #tpu.memory_space<semaphore_mem>>)
    }
    %scan3A_26 = arith.constant 40 : i32
    %dma_wait3A_27 = arith.constant 0 : i32
    %dma_wait3A_28 = tpu.memref_slice %arg4[%dma_wait3A_27] : memref<327680xi32, #tpu.memory_space<hbm>> -> memref<128xi32, #tpu.memory_space<hbm>>
    %dma_wait3A_29 = arith.constant 0 : i32
    %dma_wait3A_30 = tpu.memref_slice %arg4[%dma_wait3A_29] : memref<327680xi32, #tpu.memory_space<hbm>> -> memref<128xi32, #tpu.memory_space<hbm>>
    tpu.wait_dma2 semaphore(%arg16 : memref<!tpu.dma_semaphore, #tpu.memory_space<semaphore_mem>>) src(%dma_wait3A_30 : memref<128xi32, #tpu.memory_space<hbm>>) dst(%arg10 : memref<128xi32, #tpu.memory_space<vmem>>)
    %barrier3A_31 = arith.constant 0 : index
    tpu.barrier barrier_id(%barrier3A_31)
    %mul3A_32 = arith.constant 512 : i32
    %mul3A_33 = arith.muli %arg1, %mul3A_32 : i32
    %mul3A_34 = arith.constant 512 : i32
    %mul3A_35 = arith.muli %arg1, %mul3A_34 : i32
    "tpu.region"() ({
      %run_scoped3A = tpu.sem_alloc : memref<!tpu.dma_semaphore, #tpu.memory_space<semaphore_mem>>
      %dma_start3A_36 = tpu.memref_slice %arg6[%arg0, %mul3A_35] : memref<2x8192xf32, #tpu.memory_space<hbm>> -> memref<1x512xf32, #tpu.memory_space<hbm>>
      %dma_start3A_37 = tpu.memref_squeeze %dma_start3A_36 : memref<1x512xf32, #tpu.memory_space<hbm>> -> memref<512xf32, #tpu.memory_space<hbm>>
      %dma_start3A_38 = tpu.memref_slice %arg14[%mul3A_33] : memref<8192xf32, #tpu.memory_space<vmem_shared>> -> memref<512xf32, #tpu.memory_space<vmem_shared>>
      tpu.enqueue_dma source(%dma_start3A_38 : memref<512xf32, #tpu.memory_space<vmem_shared>>) target(%dma_start3A_37 : memref<512xf32, #tpu.memory_space<hbm>>) target_semaphore(%run_scoped3A : memref<!tpu.dma_semaphore, #tpu.memory_space<semaphore_mem>>)
      %dma_wait3A_39 = tpu.memref_slice %arg6[%arg0, %mul3A_35] : memref<2x8192xf32, #tpu.memory_space<hbm>> -> memref<1x512xf32, #tpu.memory_space<hbm>>
      %dma_wait3A_40 = tpu.memref_squeeze %dma_wait3A_39 : memref<1x512xf32, #tpu.memory_space<hbm>> -> memref<512xf32, #tpu.memory_space<hbm>>
      %dma_wait3A_41 = tpu.memref_slice %arg14[%mul3A_33] : memref<8192xf32, #tpu.memory_space<vmem_shared>> -> memref<512xf32, #tpu.memory_space<vmem_shared>>
      tpu.wait_dma2 semaphore(%run_scoped3A : memref<!tpu.dma_semaphore, #tpu.memory_space<semaphore_mem>>) src(%dma_wait3A_41 : memref<512xf32, #tpu.memory_space<vmem_shared>>) dst(%dma_wait3A_40 : memref<512xf32, #tpu.memory_space<hbm>>)
      tpu.yield
    }) : () -> ()
    return
  }
}

#map = affine_map<(d0, d1) -> (0, 0)>
#map1 = affine_map<(d0, d1) -> (0)>
#map2 = affine_map<(d0, d1) -> (0, 0, 0)>
module attributes {stable_mosaic.version = 14 : i64} {
  func.func @body(%arg0: i32, %arg1: i32, %arg2: memref<4096x128xf32, #tpu.memory_space<hbm>>, %arg3: memref<262144xi32, #tpu.memory_space<hbm>>, %arg4: memref<262144xi32, #tpu.memory_space<hbm>>, %arg5: memref<4096x128xf32, #tpu.memory_space<hbm>>, %arg6: memref<2x4096x128xf32, #tpu.memory_space<hbm>>, %arg7: memref<128xi32, #tpu.memory_space<vmem>>, %arg8: memref<128xi32, #tpu.memory_space<vmem>>, %arg9: memref<128xi32, #tpu.memory_space<vmem>>, %arg10: memref<128xi32, #tpu.memory_space<vmem>>, %arg11: memref<128x128xf32, #tpu.memory_space<vmem>>, %arg12: memref<128x128xf32, #tpu.memory_space<vmem>>, %arg13: memref<8xf32, #tpu.memory_space<vmem_shared>>, %arg14: memref<4096x128xf32, #tpu.memory_space<vmem_shared>>, %arg15: memref<!tpu.dma_semaphore, #tpu.memory_space<semaphore_mem>>, %arg16: memref<!tpu.dma_semaphore, #tpu.memory_space<semaphore_mem>>, %arg17: memref<!tpu.dma_semaphore, #tpu.memory_space<semaphore_mem>>, %arg18: memref<!tpu.dma_semaphore, #tpu.memory_space<semaphore_mem>>) attributes {dimension_semantics = [#tpu.dimension_semantics<core_parallel>, #tpu.dimension_semantics<subcore_parallel>], iteration_bounds = array<i64: 2, 16>, scalar_prefetch = 0 : i64, scratch_operands = 12 : i64, tpu.core_type = #tpu.core_type<sc_vector_subcore>, window_params = [{transform_indices = #map}, {transform_indices = #map1}, {transform_indices = #map1}, {transform_indices = #map}, {transform_indices = #map2}]} {
    %mul3A = arith.constant 2 : i32
    %mul3A_0 = arith.muli %arg1, %mul3A : i32
    %add3A = arith.addi %mul3A_0, %arg0 : i32
    %mul3A_1 = arith.constant 256 : i32
    %mul3A_2 = arith.muli %arg1, %mul3A_1 : i32
    %mul3A_3 = arith.constant 256 : i32
    %mul3A_4 = arith.muli %arg1, %mul3A_3 : i32
    "tpu.region"() ({
      %run_scoped3A = tpu.sem_alloc : memref<!tpu.dma_semaphore, #tpu.memory_space<semaphore_mem>>
      %dma_start3A_65 = arith.constant 0 : i32
      %dma_start3A_66 = tpu.memref_slice %arg14[%mul3A_4, %dma_start3A_65] : memref<4096x128xf32, #tpu.memory_space<vmem_shared>> -> memref<256x128xf32, #tpu.memory_space<vmem_shared>>
      %dma_start3A_67 = arith.constant 0 : i32
      %dma_start3A_68 = tpu.memref_slice %arg5[%mul3A_2, %dma_start3A_67] : memref<4096x128xf32, #tpu.memory_space<hbm>> -> memref<256x128xf32, #tpu.memory_space<hbm>>
      tpu.enqueue_dma source(%dma_start3A_68 : memref<256x128xf32, #tpu.memory_space<hbm>>) target(%dma_start3A_66 : memref<256x128xf32, #tpu.memory_space<vmem_shared>>) target_semaphore(%run_scoped3A : memref<!tpu.dma_semaphore, #tpu.memory_space<semaphore_mem>>)
      %dma_wait3A_69 = arith.constant 0 : i32
      %dma_wait3A_70 = tpu.memref_slice %arg14[%mul3A_4, %dma_wait3A_69] : memref<4096x128xf32, #tpu.memory_space<vmem_shared>> -> memref<256x128xf32, #tpu.memory_space<vmem_shared>>
      %dma_wait3A_71 = arith.constant 0 : i32
      %dma_wait3A_72 = tpu.memref_slice %arg5[%mul3A_2, %dma_wait3A_71] : memref<4096x128xf32, #tpu.memory_space<hbm>> -> memref<256x128xf32, #tpu.memory_space<hbm>>
      tpu.wait_dma2 semaphore(%run_scoped3A : memref<!tpu.dma_semaphore, #tpu.memory_space<semaphore_mem>>) src(%dma_wait3A_72 : memref<256x128xf32, #tpu.memory_space<hbm>>) dst(%dma_wait3A_70 : memref<256x128xf32, #tpu.memory_space<vmem_shared>>)
      tpu.yield
    }) : () -> ()
    %barrier3A = arith.constant 0 : index
    tpu.barrier barrier_id(%barrier3A)
    %mul3A_5 = arith.constant 64 : i32
    %mul3A_6 = arith.muli %add3A, %mul3A_5 : i32
    %mul3A_7 = arith.constant 128 : i32
    %mul3A_8 = arith.muli %mul3A_6, %mul3A_7 : i32
    %add3A_9 = arith.constant 0 : i32
    %add3A_10 = arith.addi %mul3A_8, %add3A_9 : i32
    %min3A = arith.constant 262016 : i32
    %min3A_11 = arith.minsi %add3A_10, %min3A : i32
    %dma_start3A = tpu.memref_slice %arg3[%min3A_11] : memref<262144xi32, #tpu.memory_space<hbm>> -> memref<128xi32, #tpu.memory_space<hbm>>
    %dma_start3A_12 = tpu.memref_slice %arg3[%min3A_11] : memref<262144xi32, #tpu.memory_space<hbm>> -> memref<128xi32, #tpu.memory_space<hbm>>
    tpu.enqueue_dma source(%dma_start3A_12 : memref<128xi32, #tpu.memory_space<hbm>>) target(%arg7 : memref<128xi32, #tpu.memory_space<vmem>>) target_semaphore(%arg15 : memref<!tpu.dma_semaphore, #tpu.memory_space<semaphore_mem>>)
    %add3A_13 = arith.constant 0 : i32
    %add3A_14 = arith.addi %mul3A_8, %add3A_13 : i32
    %min3A_15 = arith.constant 262016 : i32
    %min3A_16 = arith.minsi %add3A_14, %min3A_15 : i32
    %dma_start3A_17 = tpu.memref_slice %arg4[%min3A_16] : memref<262144xi32, #tpu.memory_space<hbm>> -> memref<128xi32, #tpu.memory_space<hbm>>
    %dma_start3A_18 = tpu.memref_slice %arg4[%min3A_16] : memref<262144xi32, #tpu.memory_space<hbm>> -> memref<128xi32, #tpu.memory_space<hbm>>
    tpu.enqueue_dma source(%dma_start3A_18 : memref<128xi32, #tpu.memory_space<hbm>>) target(%arg9 : memref<128xi32, #tpu.memory_space<vmem>>) target_semaphore(%arg15 : memref<!tpu.dma_semaphore, #tpu.memory_space<semaphore_mem>>)
    %add3A_19 = arith.constant 128 : i32
    %add3A_20 = arith.addi %mul3A_8, %add3A_19 : i32
    %min3A_21 = arith.constant 262016 : i32
    %min3A_22 = arith.minsi %add3A_20, %min3A_21 : i32
    %dma_start3A_23 = tpu.memref_slice %arg3[%min3A_22] : memref<262144xi32, #tpu.memory_space<hbm>> -> memref<128xi32, #tpu.memory_space<hbm>>
    %dma_start3A_24 = tpu.memref_slice %arg3[%min3A_22] : memref<262144xi32, #tpu.memory_space<hbm>> -> memref<128xi32, #tpu.memory_space<hbm>>
    tpu.enqueue_dma source(%dma_start3A_24 : memref<128xi32, #tpu.memory_space<hbm>>) target(%arg8 : memref<128xi32, #tpu.memory_space<vmem>>) target_semaphore(%arg16 : memref<!tpu.dma_semaphore, #tpu.memory_space<semaphore_mem>>)
    %add3A_25 = arith.constant 128 : i32
    %add3A_26 = arith.addi %mul3A_8, %add3A_25 : i32
    %min3A_27 = arith.constant 262016 : i32
    %min3A_28 = arith.minsi %add3A_26, %min3A_27 : i32
    %dma_start3A_29 = tpu.memref_slice %arg4[%min3A_28] : memref<262144xi32, #tpu.memory_space<hbm>> -> memref<128xi32, #tpu.memory_space<hbm>>
    %dma_start3A_30 = tpu.memref_slice %arg4[%min3A_28] : memref<262144xi32, #tpu.memory_space<hbm>> -> memref<128xi32, #tpu.memory_space<hbm>>
    tpu.enqueue_dma source(%dma_start3A_30 : memref<128xi32, #tpu.memory_space<hbm>>) target(%arg10 : memref<128xi32, #tpu.memory_space<vmem>>) target_semaphore(%arg16 : memref<!tpu.dma_semaphore, #tpu.memory_space<semaphore_mem>>)
    %dma_wait3A = arith.constant 0 : i32
    %dma_wait3A_31 = tpu.memref_slice %arg3[%dma_wait3A] : memref<262144xi32, #tpu.memory_space<hbm>> -> memref<128xi32, #tpu.memory_space<hbm>>
    %dma_wait3A_32 = arith.constant 0 : i32
    %dma_wait3A_33 = tpu.memref_slice %arg3[%dma_wait3A_32] : memref<262144xi32, #tpu.memory_space<hbm>> -> memref<128xi32, #tpu.memory_space<hbm>>
    tpu.wait_dma2 semaphore(%arg15 : memref<!tpu.dma_semaphore, #tpu.memory_space<semaphore_mem>>) src(%dma_wait3A_33 : memref<128xi32, #tpu.memory_space<hbm>>) dst(%arg7 : memref<128xi32, #tpu.memory_space<vmem>>)
    %dma_wait3A_34 = arith.constant 0 : i32
    %dma_wait3A_35 = tpu.memref_slice %arg4[%dma_wait3A_34] : memref<262144xi32, #tpu.memory_space<hbm>> -> memref<128xi32, #tpu.memory_space<hbm>>
    %dma_wait3A_36 = arith.constant 0 : i32
    %dma_wait3A_37 = tpu.memref_slice %arg4[%dma_wait3A_36] : memref<262144xi32, #tpu.memory_space<hbm>> -> memref<128xi32, #tpu.memory_space<hbm>>
    tpu.wait_dma2 semaphore(%arg15 : memref<!tpu.dma_semaphore, #tpu.memory_space<semaphore_mem>>) src(%dma_wait3A_37 : memref<128xi32, #tpu.memory_space<hbm>>) dst(%arg9 : memref<128xi32, #tpu.memory_space<vmem>>)
    %dma_start3A_38 = arith.constant 0 : i32
    %dma_start3A_39 = arith.constant 0 : i32
    %dma_start3A_40 = tpu.memref_slice %arg2[%dma_start3A_38, %dma_start3A_39] : memref<4096x128xf32, #tpu.memory_space<hbm>> -> memref<4096x128xf32, #tpu.memory_space<hbm>>
    tpu.enqueue_indirect_dma source(%dma_start3A_40 : memref<4096x128xf32, #tpu.memory_space<hbm>>) target(%arg11 : memref<128x128xf32, #tpu.memory_space<vmem>>) offsets(%arg7 : memref<128xi32, #tpu.memory_space<vmem>>) semaphore(%arg17 : memref<!tpu.dma_semaphore, #tpu.memory_space<semaphore_mem>>)
    %scan3A = arith.constant 0 : i32
    %scan3A_41 = arith.constant 0 : i32
    %scan3A_42 = arith.constant 32 : i32
    %scan3A_43 = arith.addi %scan3A_41, %scan3A_42 : i32
    %scan3A_44 = arith.constant 1 : i32
    scf.for %scan3A_65 = %scan3A_41 to %scan3A_43 step %scan3A_44  : i32 {
      %mul3A_66 = arith.constant 2 : i32
      %mul3A_67 = arith.muli %mul3A_66, %scan3A_65 : i32
      %dma_wait3A_68 = arith.constant 0 : i32
      %dma_wait3A_69 = tpu.memref_slice %arg3[%dma_wait3A_68] : memref<262144xi32, #tpu.memory_space<hbm>> -> memref<128xi32, #tpu.memory_space<hbm>>
      %dma_wait3A_70 = arith.constant 0 : i32
      %dma_wait3A_71 = tpu.memref_slice %arg3[%dma_wait3A_70] : memref<262144xi32, #tpu.memory_space<hbm>> -> memref<128xi32, #tpu.memory_space<hbm>>
      tpu.wait_dma2 semaphore(%arg16 : memref<!tpu.dma_semaphore, #tpu.memory_space<semaphore_mem>>) src(%dma_wait3A_71 : memref<128xi32, #tpu.memory_space<hbm>>) dst(%arg8 : memref<128xi32, #tpu.memory_space<vmem>>)
      %dma_wait3A_72 = arith.constant 0 : i32
      %dma_wait3A_73 = tpu.memref_slice %arg4[%dma_wait3A_72] : memref<262144xi32, #tpu.memory_space<hbm>> -> memref<128xi32, #tpu.memory_space<hbm>>
      %dma_wait3A_74 = arith.constant 0 : i32
      %dma_wait3A_75 = tpu.memref_slice %arg4[%dma_wait3A_74] : memref<262144xi32, #tpu.memory_space<hbm>> -> memref<128xi32, #tpu.memory_space<hbm>>
      tpu.wait_dma2 semaphore(%arg16 : memref<!tpu.dma_semaphore, #tpu.memory_space<semaphore_mem>>) src(%dma_wait3A_75 : memref<128xi32, #tpu.memory_space<hbm>>) dst(%arg10 : memref<128xi32, #tpu.memory_space<vmem>>)
      %dma_start3A_76 = arith.constant 0 : i32
      %dma_start3A_77 = arith.constant 0 : i32
      %dma_start3A_78 = tpu.memref_slice %arg2[%dma_start3A_76, %dma_start3A_77] : memref<4096x128xf32, #tpu.memory_space<hbm>> -> memref<4096x128xf32, #tpu.memory_space<hbm>>
      tpu.enqueue_indirect_dma source(%dma_start3A_78 : memref<4096x128xf32, #tpu.memory_space<hbm>>) target(%arg12 : memref<128x128xf32, #tpu.memory_space<vmem>>) offsets(%arg8 : memref<128xi32, #tpu.memory_space<vmem>>) semaphore(%arg18 : memref<!tpu.dma_semaphore, #tpu.memory_space<semaphore_mem>>)
      %dma_wait3A_79 = arith.constant 0 : i32
      %dma_wait3A_80 = arith.constant 0 : i32
      %dma_wait3A_81 = tpu.memref_slice %arg2[%dma_wait3A_79, %dma_wait3A_80] : memref<4096x128xf32, #tpu.memory_space<hbm>> -> memref<128x128xf32, #tpu.memory_space<hbm>>
      %dma_wait3A_82 = arith.constant 0 : i32
      %dma_wait3A_83 = arith.constant 0 : i32
      %dma_wait3A_84 = tpu.memref_slice %arg2[%dma_wait3A_82, %dma_wait3A_83] : memref<4096x128xf32, #tpu.memory_space<hbm>> -> memref<128x128xf32, #tpu.memory_space<hbm>>
      tpu.wait_dma2 semaphore(%arg17 : memref<!tpu.dma_semaphore, #tpu.memory_space<semaphore_mem>>) src(%dma_wait3A_84 : memref<128x128xf32, #tpu.memory_space<hbm>>) dst(%arg11 : memref<128x128xf32, #tpu.memory_space<vmem>>)
      %add3A_85 = arith.constant 2 : i32
      %add3A_86 = arith.addi %mul3A_67, %add3A_85 : i32
      %mul3A_87 = arith.constant 128 : i32
      %mul3A_88 = arith.muli %add3A_86, %mul3A_87 : i32
      %add3A_89 = arith.addi %mul3A_8, %mul3A_88 : i32
      %min3A_90 = arith.constant 262016 : i32
      %min3A_91 = arith.minsi %add3A_89, %min3A_90 : i32
      %dma_start3A_92 = tpu.memref_slice %arg3[%min3A_91] : memref<262144xi32, #tpu.memory_space<hbm>> -> memref<128xi32, #tpu.memory_space<hbm>>
      %dma_start3A_93 = tpu.memref_slice %arg3[%min3A_91] : memref<262144xi32, #tpu.memory_space<hbm>> -> memref<128xi32, #tpu.memory_space<hbm>>
      tpu.enqueue_dma source(%dma_start3A_93 : memref<128xi32, #tpu.memory_space<hbm>>) target(%arg7 : memref<128xi32, #tpu.memory_space<vmem>>) target_semaphore(%arg15 : memref<!tpu.dma_semaphore, #tpu.memory_space<semaphore_mem>>)
      "tpu.region"() ({
        %run_scoped3A = tpu.sem_alloc : memref<!tpu.dma_semaphore, #tpu.memory_space<semaphore_mem>>
        %dma_start3A_142 = arith.constant 0 : i32
        %dma_start3A_143 = arith.constant 0 : i32
        %dma_start3A_144 = tpu.memref_slice %arg14[%dma_start3A_142, %dma_start3A_143] : memref<4096x128xf32, #tpu.memory_space<vmem_shared>> -> memref<4096x128xf32, #tpu.memory_space<vmem_shared>>
        tpu.enqueue_indirect_dma source(%arg11 : memref<128x128xf32, #tpu.memory_space<vmem>>) target(%dma_start3A_144 : memref<4096x128xf32, #tpu.memory_space<vmem_shared>>) offsets(%arg9 : memref<128xi32, #tpu.memory_space<vmem>>) semaphore(%run_scoped3A : memref<!tpu.dma_semaphore, #tpu.memory_space<semaphore_mem>>) {add = true}
        %dma_wait3A_145 = arith.constant 0 : i32
        %dma_wait3A_146 = arith.constant 0 : i32
        %dma_wait3A_147 = tpu.memref_slice %arg14[%dma_wait3A_145, %dma_wait3A_146] : memref<4096x128xf32, #tpu.memory_space<vmem_shared>> -> memref<4096x128xf32, #tpu.memory_space<vmem_shared>>
        tpu.wait_indirect_dma semaphore(%run_scoped3A : memref<!tpu.dma_semaphore, #tpu.memory_space<semaphore_mem>>) src(%arg11 : memref<128x128xf32, #tpu.memory_space<vmem>>) dst(%dma_wait3A_147 : memref<4096x128xf32, #tpu.memory_space<vmem_shared>>)
        tpu.yield
      }) : () -> ()
      %add3A_94 = arith.constant 2 : i32
      %add3A_95 = arith.addi %mul3A_67, %add3A_94 : i32
      %mul3A_96 = arith.constant 128 : i32
      %mul3A_97 = arith.muli %add3A_95, %mul3A_96 : i32
      %add3A_98 = arith.addi %mul3A_8, %mul3A_97 : i32
      %min3A_99 = arith.constant 262016 : i32
      %min3A_100 = arith.minsi %add3A_98, %min3A_99 : i32
      %dma_start3A_101 = tpu.memref_slice %arg4[%min3A_100] : memref<262144xi32, #tpu.memory_space<hbm>> -> memref<128xi32, #tpu.memory_space<hbm>>
      %dma_start3A_102 = tpu.memref_slice %arg4[%min3A_100] : memref<262144xi32, #tpu.memory_space<hbm>> -> memref<128xi32, #tpu.memory_space<hbm>>
      tpu.enqueue_dma source(%dma_start3A_102 : memref<128xi32, #tpu.memory_space<hbm>>) target(%arg9 : memref<128xi32, #tpu.memory_space<vmem>>) target_semaphore(%arg15 : memref<!tpu.dma_semaphore, #tpu.memory_space<semaphore_mem>>)
      %mul3A_103 = arith.constant 2 : i32
      %mul3A_104 = arith.muli %mul3A_103, %scan3A_65 : i32
      %add3A_105 = arith.constant 1 : i32
      %add3A_106 = arith.addi %mul3A_104, %add3A_105 : i32
      %dma_wait3A_107 = arith.constant 0 : i32
      %dma_wait3A_108 = tpu.memref_slice %arg3[%dma_wait3A_107] : memref<262144xi32, #tpu.memory_space<hbm>> -> memref<128xi32, #tpu.memory_space<hbm>>
      %dma_wait3A_109 = arith.constant 0 : i32
      %dma_wait3A_110 = tpu.memref_slice %arg3[%dma_wait3A_109] : memref<262144xi32, #tpu.memory_space<hbm>> -> memref<128xi32, #tpu.memory_space<hbm>>
      tpu.wait_dma2 semaphore(%arg15 : memref<!tpu.dma_semaphore, #tpu.memory_space<semaphore_mem>>) src(%dma_wait3A_110 : memref<128xi32, #tpu.memory_space<hbm>>) dst(%arg7 : memref<128xi32, #tpu.memory_space<vmem>>)
      %dma_wait3A_111 = arith.constant 0 : i32
      %dma_wait3A_112 = tpu.memref_slice %arg4[%dma_wait3A_111] : memref<262144xi32, #tpu.memory_space<hbm>> -> memref<128xi32, #tpu.memory_space<hbm>>
      %dma_wait3A_113 = arith.constant 0 : i32
      %dma_wait3A_114 = tpu.memref_slice %arg4[%dma_wait3A_113] : memref<262144xi32, #tpu.memory_space<hbm>> -> memref<128xi32, #tpu.memory_space<hbm>>
      tpu.wait_dma2 semaphore(%arg15 : memref<!tpu.dma_semaphore, #tpu.memory_space<semaphore_mem>>) src(%dma_wait3A_114 : memref<128xi32, #tpu.memory_space<hbm>>) dst(%arg9 : memref<128xi32, #tpu.memory_space<vmem>>)
      %dma_start3A_115 = arith.constant 0 : i32
      %dma_start3A_116 = arith.constant 0 : i32
      %dma_start3A_117 = tpu.memref_slice %arg2[%dma_start3A_115, %dma_start3A_116] : memref<4096x128xf32, #tpu.memory_space<hbm>> -> memref<4096x128xf32, #tpu.memory_space<hbm>>
      tpu.enqueue_indirect_dma source(%dma_start3A_117 : memref<4096x128xf32, #tpu.memory_space<hbm>>) target(%arg11 : memref<128x128xf32, #tpu.memory_space<vmem>>) offsets(%arg7 : memref<128xi32, #tpu.memory_space<vmem>>) semaphore(%arg17 : memref<!tpu.dma_semaphore, #tpu.memory_space<semaphore_mem>>)
      %dma_wait3A_118 = arith.constant 0 : i32
      %dma_wait3A_119 = arith.constant 0 : i32
      %dma_wait3A_120 = tpu.memref_slice %arg2[%dma_wait3A_118, %dma_wait3A_119] : memref<4096x128xf32, #tpu.memory_space<hbm>> -> memref<128x128xf32, #tpu.memory_space<hbm>>
      %dma_wait3A_121 = arith.constant 0 : i32
      %dma_wait3A_122 = arith.constant 0 : i32
      %dma_wait3A_123 = tpu.memref_slice %arg2[%dma_wait3A_121, %dma_wait3A_122] : memref<4096x128xf32, #tpu.memory_space<hbm>> -> memref<128x128xf32, #tpu.memory_space<hbm>>
      tpu.wait_dma2 semaphore(%arg18 : memref<!tpu.dma_semaphore, #tpu.memory_space<semaphore_mem>>) src(%dma_wait3A_123 : memref<128x128xf32, #tpu.memory_space<hbm>>) dst(%arg12 : memref<128x128xf32, #tpu.memory_space<vmem>>)
      %add3A_124 = arith.constant 2 : i32
      %add3A_125 = arith.addi %add3A_106, %add3A_124 : i32
      %mul3A_126 = arith.constant 128 : i32
      %mul3A_127 = arith.muli %add3A_125, %mul3A_126 : i32
      %add3A_128 = arith.addi %mul3A_8, %mul3A_127 : i32
      %min3A_129 = arith.constant 262016 : i32
      %min3A_130 = arith.minsi %add3A_128, %min3A_129 : i32
      %dma_start3A_131 = tpu.memref_slice %arg3[%min3A_130] : memref<262144xi32, #tpu.memory_space<hbm>> -> memref<128xi32, #tpu.memory_space<hbm>>
      %dma_start3A_132 = tpu.memref_slice %arg3[%min3A_130] : memref<262144xi32, #tpu.memory_space<hbm>> -> memref<128xi32, #tpu.memory_space<hbm>>
      tpu.enqueue_dma source(%dma_start3A_132 : memref<128xi32, #tpu.memory_space<hbm>>) target(%arg8 : memref<128xi32, #tpu.memory_space<vmem>>) target_semaphore(%arg16 : memref<!tpu.dma_semaphore, #tpu.memory_space<semaphore_mem>>)
      "tpu.region"() ({
        %run_scoped3A = tpu.sem_alloc : memref<!tpu.dma_semaphore, #tpu.memory_space<semaphore_mem>>
        %dma_start3A_142 = arith.constant 0 : i32
        %dma_start3A_143 = arith.constant 0 : i32
        %dma_start3A_144 = tpu.memref_slice %arg14[%dma_start3A_142, %dma_start3A_143] : memref<4096x128xf32, #tpu.memory_space<vmem_shared>> -> memref<4096x128xf32, #tpu.memory_space<vmem_shared>>
        tpu.enqueue_indirect_dma source(%arg12 : memref<128x128xf32, #tpu.memory_space<vmem>>) target(%dma_start3A_144 : memref<4096x128xf32, #tpu.memory_space<vmem_shared>>) offsets(%arg10 : memref<128xi32, #tpu.memory_space<vmem>>) semaphore(%run_scoped3A : memref<!tpu.dma_semaphore, #tpu.memory_space<semaphore_mem>>) {add = true}
        %dma_wait3A_145 = arith.constant 0 : i32
        %dma_wait3A_146 = arith.constant 0 : i32
        %dma_wait3A_147 = tpu.memref_slice %arg14[%dma_wait3A_145, %dma_wait3A_146] : memref<4096x128xf32, #tpu.memory_space<vmem_shared>> -> memref<4096x128xf32, #tpu.memory_space<vmem_shared>>
        tpu.wait_indirect_dma semaphore(%run_scoped3A : memref<!tpu.dma_semaphore, #tpu.memory_space<semaphore_mem>>) src(%arg12 : memref<128x128xf32, #tpu.memory_space<vmem>>) dst(%dma_wait3A_147 : memref<4096x128xf32, #tpu.memory_space<vmem_shared>>)
        tpu.yield
      }) : () -> ()
      %add3A_133 = arith.constant 2 : i32
      %add3A_134 = arith.addi %add3A_106, %add3A_133 : i32
      %mul3A_135 = arith.constant 128 : i32
      %mul3A_136 = arith.muli %add3A_134, %mul3A_135 : i32
      %add3A_137 = arith.addi %mul3A_8, %mul3A_136 : i32
      %min3A_138 = arith.constant 262016 : i32
      %min3A_139 = arith.minsi %add3A_137, %min3A_138 : i32
      %dma_start3A_140 = tpu.memref_slice %arg4[%min3A_139] : memref<262144xi32, #tpu.memory_space<hbm>> -> memref<128xi32, #tpu.memory_space<hbm>>
      %dma_start3A_141 = tpu.memref_slice %arg4[%min3A_139] : memref<262144xi32, #tpu.memory_space<hbm>> -> memref<128xi32, #tpu.memory_space<hbm>>
      tpu.enqueue_dma source(%dma_start3A_141 : memref<128xi32, #tpu.memory_space<hbm>>) target(%arg10 : memref<128xi32, #tpu.memory_space<vmem>>) target_semaphore(%arg16 : memref<!tpu.dma_semaphore, #tpu.memory_space<semaphore_mem>>)
    }
    %scan3A_45 = arith.constant 32 : i32
    %dma_wait3A_46 = arith.constant 0 : i32
    %dma_wait3A_47 = arith.constant 0 : i32
    %dma_wait3A_48 = tpu.memref_slice %arg2[%dma_wait3A_46, %dma_wait3A_47] : memref<4096x128xf32, #tpu.memory_space<hbm>> -> memref<128x128xf32, #tpu.memory_space<hbm>>
    %dma_wait3A_49 = arith.constant 0 : i32
    %dma_wait3A_50 = arith.constant 0 : i32
    %dma_wait3A_51 = tpu.memref_slice %arg2[%dma_wait3A_49, %dma_wait3A_50] : memref<4096x128xf32, #tpu.memory_space<hbm>> -> memref<128x128xf32, #tpu.memory_space<hbm>>
    tpu.wait_dma2 semaphore(%arg17 : memref<!tpu.dma_semaphore, #tpu.memory_space<semaphore_mem>>) src(%dma_wait3A_51 : memref<128x128xf32, #tpu.memory_space<hbm>>) dst(%arg11 : memref<128x128xf32, #tpu.memory_space<vmem>>)
    %dma_wait3A_52 = arith.constant 0 : i32
    %dma_wait3A_53 = tpu.memref_slice %arg3[%dma_wait3A_52] : memref<262144xi32, #tpu.memory_space<hbm>> -> memref<128xi32, #tpu.memory_space<hbm>>
    %dma_wait3A_54 = arith.constant 0 : i32
    %dma_wait3A_55 = tpu.memref_slice %arg3[%dma_wait3A_54] : memref<262144xi32, #tpu.memory_space<hbm>> -> memref<128xi32, #tpu.memory_space<hbm>>
    tpu.wait_dma2 semaphore(%arg16 : memref<!tpu.dma_semaphore, #tpu.memory_space<semaphore_mem>>) src(%dma_wait3A_55 : memref<128xi32, #tpu.memory_space<hbm>>) dst(%arg8 : memref<128xi32, #tpu.memory_space<vmem>>)
    %dma_wait3A_56 = arith.constant 0 : i32
    %dma_wait3A_57 = tpu.memref_slice %arg4[%dma_wait3A_56] : memref<262144xi32, #tpu.memory_space<hbm>> -> memref<128xi32, #tpu.memory_space<hbm>>
    %dma_wait3A_58 = arith.constant 0 : i32
    %dma_wait3A_59 = tpu.memref_slice %arg4[%dma_wait3A_58] : memref<262144xi32, #tpu.memory_space<hbm>> -> memref<128xi32, #tpu.memory_space<hbm>>
    tpu.wait_dma2 semaphore(%arg16 : memref<!tpu.dma_semaphore, #tpu.memory_space<semaphore_mem>>) src(%dma_wait3A_59 : memref<128xi32, #tpu.memory_space<hbm>>) dst(%arg10 : memref<128xi32, #tpu.memory_space<vmem>>)
    %barrier3A_60 = arith.constant 0 : index
    tpu.barrier barrier_id(%barrier3A_60)
    %mul3A_61 = arith.constant 256 : i32
    %mul3A_62 = arith.muli %arg1, %mul3A_61 : i32
    %mul3A_63 = arith.constant 256 : i32
    %mul3A_64 = arith.muli %arg1, %mul3A_63 : i32
    "tpu.region"() ({
      %run_scoped3A = tpu.sem_alloc : memref<!tpu.dma_semaphore, #tpu.memory_space<semaphore_mem>>
      %dma_start3A_65 = arith.constant 0 : i32
      %dma_start3A_66 = tpu.memref_slice %arg6[%arg0, %mul3A_64, %dma_start3A_65] : memref<2x4096x128xf32, #tpu.memory_space<hbm>> -> memref<1x256x128xf32, #tpu.memory_space<hbm>>
      %dma_start3A_67 = tpu.memref_squeeze %dma_start3A_66 : memref<1x256x128xf32, #tpu.memory_space<hbm>> -> memref<256x128xf32, #tpu.memory_space<hbm>>
      %dma_start3A_68 = arith.constant 0 : i32
      %dma_start3A_69 = tpu.memref_slice %arg14[%mul3A_62, %dma_start3A_68] : memref<4096x128xf32, #tpu.memory_space<vmem_shared>> -> memref<256x128xf32, #tpu.memory_space<vmem_shared>>
      tpu.enqueue_dma source(%dma_start3A_69 : memref<256x128xf32, #tpu.memory_space<vmem_shared>>) target(%dma_start3A_67 : memref<256x128xf32, #tpu.memory_space<hbm>>) target_semaphore(%run_scoped3A : memref<!tpu.dma_semaphore, #tpu.memory_space<semaphore_mem>>)
      %dma_wait3A_70 = arith.constant 0 : i32
      %dma_wait3A_71 = tpu.memref_slice %arg6[%arg0, %mul3A_64, %dma_wait3A_70] : memref<2x4096x128xf32, #tpu.memory_space<hbm>> -> memref<1x256x128xf32, #tpu.memory_space<hbm>>
      %dma_wait3A_72 = tpu.memref_squeeze %dma_wait3A_71 : memref<1x256x128xf32, #tpu.memory_space<hbm>> -> memref<256x128xf32, #tpu.memory_space<hbm>>
      %dma_wait3A_73 = arith.constant 0 : i32
      %dma_wait3A_74 = tpu.memref_slice %arg14[%mul3A_62, %dma_wait3A_73] : memref<4096x128xf32, #tpu.memory_space<vmem_shared>> -> memref<256x128xf32, #tpu.memory_space<vmem_shared>>
      tpu.wait_dma2 semaphore(%run_scoped3A : memref<!tpu.dma_semaphore, #tpu.memory_space<semaphore_mem>>) src(%dma_wait3A_74 : memref<256x128xf32, #tpu.memory_space<vmem_shared>>) dst(%dma_wait3A_72 : memref<256x128xf32, #tpu.memory_space<hbm>>)
      tpu.yield
    }) : () -> ()
    return
  }
}

#map = affine_map<(d0, d1) -> (0, 0)>
#map1 = affine_map<(d0, d1) -> (0)>
#map2 = affine_map<(d0, d1) -> (0, 0, 0)>
module attributes {stable_mosaic.version = 14 : i64} {
  func.func @body(%arg0: i32, %arg1: i32, %arg2: memref<4096x128xf32, #tpu.memory_space<hbm>>, %arg3: memref<65536xi32, #tpu.memory_space<hbm>>, %arg4: memref<65536xi32, #tpu.memory_space<hbm>>, %arg5: memref<4096x128xf32, #tpu.memory_space<hbm>>, %arg6: memref<2x4096x128xf32, #tpu.memory_space<hbm>>, %arg7: memref<128xi32, #tpu.memory_space<vmem>>, %arg8: memref<128xi32, #tpu.memory_space<vmem>>, %arg9: memref<128xi32, #tpu.memory_space<vmem>>, %arg10: memref<128xi32, #tpu.memory_space<vmem>>, %arg11: memref<128x128xf32, #tpu.memory_space<vmem>>, %arg12: memref<128x128xf32, #tpu.memory_space<vmem>>, %arg13: memref<8xf32, #tpu.memory_space<vmem_shared>>, %arg14: memref<4096x128xf32, #tpu.memory_space<vmem_shared>>, %arg15: memref<!tpu.dma_semaphore, #tpu.memory_space<semaphore_mem>>, %arg16: memref<!tpu.dma_semaphore, #tpu.memory_space<semaphore_mem>>, %arg17: memref<!tpu.dma_semaphore, #tpu.memory_space<semaphore_mem>>, %arg18: memref<!tpu.dma_semaphore, #tpu.memory_space<semaphore_mem>>) attributes {dimension_semantics = [#tpu.dimension_semantics<core_parallel>, #tpu.dimension_semantics<subcore_parallel>], iteration_bounds = array<i64: 2, 16>, scalar_prefetch = 0 : i64, scratch_operands = 12 : i64, tpu.core_type = #tpu.core_type<sc_vector_subcore>, window_params = [{transform_indices = #map}, {transform_indices = #map1}, {transform_indices = #map1}, {transform_indices = #map}, {transform_indices = #map2}]} {
    %mul3A = arith.constant 2 : i32
    %mul3A_0 = arith.muli %arg1, %mul3A : i32
    %add3A = arith.addi %mul3A_0, %arg0 : i32
    %mul3A_1 = arith.constant 256 : i32
    %mul3A_2 = arith.muli %arg1, %mul3A_1 : i32
    %mul3A_3 = arith.constant 256 : i32
    %mul3A_4 = arith.muli %arg1, %mul3A_3 : i32
    "tpu.region"() ({
      %run_scoped3A = tpu.sem_alloc : memref<!tpu.dma_semaphore, #tpu.memory_space<semaphore_mem>>
      %dma_start3A_65 = arith.constant 0 : i32
      %dma_start3A_66 = tpu.memref_slice %arg14[%mul3A_4, %dma_start3A_65] : memref<4096x128xf32, #tpu.memory_space<vmem_shared>> -> memref<256x128xf32, #tpu.memory_space<vmem_shared>>
      %dma_start3A_67 = arith.constant 0 : i32
      %dma_start3A_68 = tpu.memref_slice %arg5[%mul3A_2, %dma_start3A_67] : memref<4096x128xf32, #tpu.memory_space<hbm>> -> memref<256x128xf32, #tpu.memory_space<hbm>>
      tpu.enqueue_dma source(%dma_start3A_68 : memref<256x128xf32, #tpu.memory_space<hbm>>) target(%dma_start3A_66 : memref<256x128xf32, #tpu.memory_space<vmem_shared>>) target_semaphore(%run_scoped3A : memref<!tpu.dma_semaphore, #tpu.memory_space<semaphore_mem>>)
      %dma_wait3A_69 = arith.constant 0 : i32
      %dma_wait3A_70 = tpu.memref_slice %arg14[%mul3A_4, %dma_wait3A_69] : memref<4096x128xf32, #tpu.memory_space<vmem_shared>> -> memref<256x128xf32, #tpu.memory_space<vmem_shared>>
      %dma_wait3A_71 = arith.constant 0 : i32
      %dma_wait3A_72 = tpu.memref_slice %arg5[%mul3A_2, %dma_wait3A_71] : memref<4096x128xf32, #tpu.memory_space<hbm>> -> memref<256x128xf32, #tpu.memory_space<hbm>>
      tpu.wait_dma2 semaphore(%run_scoped3A : memref<!tpu.dma_semaphore, #tpu.memory_space<semaphore_mem>>) src(%dma_wait3A_72 : memref<256x128xf32, #tpu.memory_space<hbm>>) dst(%dma_wait3A_70 : memref<256x128xf32, #tpu.memory_space<vmem_shared>>)
      tpu.yield
    }) : () -> ()
    %barrier3A = arith.constant 0 : index
    tpu.barrier barrier_id(%barrier3A)
    %mul3A_5 = arith.constant 16 : i32
    %mul3A_6 = arith.muli %add3A, %mul3A_5 : i32
    %mul3A_7 = arith.constant 128 : i32
    %mul3A_8 = arith.muli %mul3A_6, %mul3A_7 : i32
    %add3A_9 = arith.constant 0 : i32
    %add3A_10 = arith.addi %mul3A_8, %add3A_9 : i32
    %min3A = arith.constant 65408 : i32
    %min3A_11 = arith.minsi %add3A_10, %min3A : i32
    %dma_start3A = tpu.memref_slice %arg3[%min3A_11] : memref<65536xi32, #tpu.memory_space<hbm>> -> memref<128xi32, #tpu.memory_space<hbm>>
    %dma_start3A_12 = tpu.memref_slice %arg3[%min3A_11] : memref<65536xi32, #tpu.memory_space<hbm>> -> memref<128xi32, #tpu.memory_space<hbm>>
    tpu.enqueue_dma source(%dma_start3A_12 : memref<128xi32, #tpu.memory_space<hbm>>) target(%arg7 : memref<128xi32, #tpu.memory_space<vmem>>) target_semaphore(%arg15 : memref<!tpu.dma_semaphore, #tpu.memory_space<semaphore_mem>>)
    %add3A_13 = arith.constant 0 : i32
    %add3A_14 = arith.addi %mul3A_8, %add3A_13 : i32
    %min3A_15 = arith.constant 65408 : i32
    %min3A_16 = arith.minsi %add3A_14, %min3A_15 : i32
    %dma_start3A_17 = tpu.memref_slice %arg4[%min3A_16] : memref<65536xi32, #tpu.memory_space<hbm>> -> memref<128xi32, #tpu.memory_space<hbm>>
    %dma_start3A_18 = tpu.memref_slice %arg4[%min3A_16] : memref<65536xi32, #tpu.memory_space<hbm>> -> memref<128xi32, #tpu.memory_space<hbm>>
    tpu.enqueue_dma source(%dma_start3A_18 : memref<128xi32, #tpu.memory_space<hbm>>) target(%arg9 : memref<128xi32, #tpu.memory_space<vmem>>) target_semaphore(%arg15 : memref<!tpu.dma_semaphore, #tpu.memory_space<semaphore_mem>>)
    %add3A_19 = arith.constant 128 : i32
    %add3A_20 = arith.addi %mul3A_8, %add3A_19 : i32
    %min3A_21 = arith.constant 65408 : i32
    %min3A_22 = arith.minsi %add3A_20, %min3A_21 : i32
    %dma_start3A_23 = tpu.memref_slice %arg3[%min3A_22] : memref<65536xi32, #tpu.memory_space<hbm>> -> memref<128xi32, #tpu.memory_space<hbm>>
    %dma_start3A_24 = tpu.memref_slice %arg3[%min3A_22] : memref<65536xi32, #tpu.memory_space<hbm>> -> memref<128xi32, #tpu.memory_space<hbm>>
    tpu.enqueue_dma source(%dma_start3A_24 : memref<128xi32, #tpu.memory_space<hbm>>) target(%arg8 : memref<128xi32, #tpu.memory_space<vmem>>) target_semaphore(%arg16 : memref<!tpu.dma_semaphore, #tpu.memory_space<semaphore_mem>>)
    %add3A_25 = arith.constant 128 : i32
    %add3A_26 = arith.addi %mul3A_8, %add3A_25 : i32
    %min3A_27 = arith.constant 65408 : i32
    %min3A_28 = arith.minsi %add3A_26, %min3A_27 : i32
    %dma_start3A_29 = tpu.memref_slice %arg4[%min3A_28] : memref<65536xi32, #tpu.memory_space<hbm>> -> memref<128xi32, #tpu.memory_space<hbm>>
    %dma_start3A_30 = tpu.memref_slice %arg4[%min3A_28] : memref<65536xi32, #tpu.memory_space<hbm>> -> memref<128xi32, #tpu.memory_space<hbm>>
    tpu.enqueue_dma source(%dma_start3A_30 : memref<128xi32, #tpu.memory_space<hbm>>) target(%arg10 : memref<128xi32, #tpu.memory_space<vmem>>) target_semaphore(%arg16 : memref<!tpu.dma_semaphore, #tpu.memory_space<semaphore_mem>>)
    %dma_wait3A = arith.constant 0 : i32
    %dma_wait3A_31 = tpu.memref_slice %arg3[%dma_wait3A] : memref<65536xi32, #tpu.memory_space<hbm>> -> memref<128xi32, #tpu.memory_space<hbm>>
    %dma_wait3A_32 = arith.constant 0 : i32
    %dma_wait3A_33 = tpu.memref_slice %arg3[%dma_wait3A_32] : memref<65536xi32, #tpu.memory_space<hbm>> -> memref<128xi32, #tpu.memory_space<hbm>>
    tpu.wait_dma2 semaphore(%arg15 : memref<!tpu.dma_semaphore, #tpu.memory_space<semaphore_mem>>) src(%dma_wait3A_33 : memref<128xi32, #tpu.memory_space<hbm>>) dst(%arg7 : memref<128xi32, #tpu.memory_space<vmem>>)
    %dma_wait3A_34 = arith.constant 0 : i32
    %dma_wait3A_35 = tpu.memref_slice %arg4[%dma_wait3A_34] : memref<65536xi32, #tpu.memory_space<hbm>> -> memref<128xi32, #tpu.memory_space<hbm>>
    %dma_wait3A_36 = arith.constant 0 : i32
    %dma_wait3A_37 = tpu.memref_slice %arg4[%dma_wait3A_36] : memref<65536xi32, #tpu.memory_space<hbm>> -> memref<128xi32, #tpu.memory_space<hbm>>
    tpu.wait_dma2 semaphore(%arg15 : memref<!tpu.dma_semaphore, #tpu.memory_space<semaphore_mem>>) src(%dma_wait3A_37 : memref<128xi32, #tpu.memory_space<hbm>>) dst(%arg9 : memref<128xi32, #tpu.memory_space<vmem>>)
    %dma_start3A_38 = arith.constant 0 : i32
    %dma_start3A_39 = arith.constant 0 : i32
    %dma_start3A_40 = tpu.memref_slice %arg2[%dma_start3A_38, %dma_start3A_39] : memref<4096x128xf32, #tpu.memory_space<hbm>> -> memref<4096x128xf32, #tpu.memory_space<hbm>>
    tpu.enqueue_indirect_dma source(%dma_start3A_40 : memref<4096x128xf32, #tpu.memory_space<hbm>>) target(%arg11 : memref<128x128xf32, #tpu.memory_space<vmem>>) offsets(%arg7 : memref<128xi32, #tpu.memory_space<vmem>>) semaphore(%arg17 : memref<!tpu.dma_semaphore, #tpu.memory_space<semaphore_mem>>)
    %scan3A = arith.constant 0 : i32
    %scan3A_41 = arith.constant 0 : i32
    %scan3A_42 = arith.constant 8 : i32
    %scan3A_43 = arith.addi %scan3A_41, %scan3A_42 : i32
    %scan3A_44 = arith.constant 1 : i32
    scf.for %scan3A_65 = %scan3A_41 to %scan3A_43 step %scan3A_44  : i32 {
      %mul3A_66 = arith.constant 2 : i32
      %mul3A_67 = arith.muli %mul3A_66, %scan3A_65 : i32
      %dma_wait3A_68 = arith.constant 0 : i32
      %dma_wait3A_69 = tpu.memref_slice %arg3[%dma_wait3A_68] : memref<65536xi32, #tpu.memory_space<hbm>> -> memref<128xi32, #tpu.memory_space<hbm>>
      %dma_wait3A_70 = arith.constant 0 : i32
      %dma_wait3A_71 = tpu.memref_slice %arg3[%dma_wait3A_70] : memref<65536xi32, #tpu.memory_space<hbm>> -> memref<128xi32, #tpu.memory_space<hbm>>
      tpu.wait_dma2 semaphore(%arg16 : memref<!tpu.dma_semaphore, #tpu.memory_space<semaphore_mem>>) src(%dma_wait3A_71 : memref<128xi32, #tpu.memory_space<hbm>>) dst(%arg8 : memref<128xi32, #tpu.memory_space<vmem>>)
      %dma_wait3A_72 = arith.constant 0 : i32
      %dma_wait3A_73 = tpu.memref_slice %arg4[%dma_wait3A_72] : memref<65536xi32, #tpu.memory_space<hbm>> -> memref<128xi32, #tpu.memory_space<hbm>>
      %dma_wait3A_74 = arith.constant 0 : i32
      %dma_wait3A_75 = tpu.memref_slice %arg4[%dma_wait3A_74] : memref<65536xi32, #tpu.memory_space<hbm>> -> memref<128xi32, #tpu.memory_space<hbm>>
      tpu.wait_dma2 semaphore(%arg16 : memref<!tpu.dma_semaphore, #tpu.memory_space<semaphore_mem>>) src(%dma_wait3A_75 : memref<128xi32, #tpu.memory_space<hbm>>) dst(%arg10 : memref<128xi32, #tpu.memory_space<vmem>>)
      %dma_start3A_76 = arith.constant 0 : i32
      %dma_start3A_77 = arith.constant 0 : i32
      %dma_start3A_78 = tpu.memref_slice %arg2[%dma_start3A_76, %dma_start3A_77] : memref<4096x128xf32, #tpu.memory_space<hbm>> -> memref<4096x128xf32, #tpu.memory_space<hbm>>
      tpu.enqueue_indirect_dma source(%dma_start3A_78 : memref<4096x128xf32, #tpu.memory_space<hbm>>) target(%arg12 : memref<128x128xf32, #tpu.memory_space<vmem>>) offsets(%arg8 : memref<128xi32, #tpu.memory_space<vmem>>) semaphore(%arg18 : memref<!tpu.dma_semaphore, #tpu.memory_space<semaphore_mem>>)
      %dma_wait3A_79 = arith.constant 0 : i32
      %dma_wait3A_80 = arith.constant 0 : i32
      %dma_wait3A_81 = tpu.memref_slice %arg2[%dma_wait3A_79, %dma_wait3A_80] : memref<4096x128xf32, #tpu.memory_space<hbm>> -> memref<128x128xf32, #tpu.memory_space<hbm>>
      %dma_wait3A_82 = arith.constant 0 : i32
      %dma_wait3A_83 = arith.constant 0 : i32
      %dma_wait3A_84 = tpu.memref_slice %arg2[%dma_wait3A_82, %dma_wait3A_83] : memref<4096x128xf32, #tpu.memory_space<hbm>> -> memref<128x128xf32, #tpu.memory_space<hbm>>
      tpu.wait_dma2 semaphore(%arg17 : memref<!tpu.dma_semaphore, #tpu.memory_space<semaphore_mem>>) src(%dma_wait3A_84 : memref<128x128xf32, #tpu.memory_space<hbm>>) dst(%arg11 : memref<128x128xf32, #tpu.memory_space<vmem>>)
      %add3A_85 = arith.constant 2 : i32
      %add3A_86 = arith.addi %mul3A_67, %add3A_85 : i32
      %mul3A_87 = arith.constant 128 : i32
      %mul3A_88 = arith.muli %add3A_86, %mul3A_87 : i32
      %add3A_89 = arith.addi %mul3A_8, %mul3A_88 : i32
      %min3A_90 = arith.constant 65408 : i32
      %min3A_91 = arith.minsi %add3A_89, %min3A_90 : i32
      %dma_start3A_92 = tpu.memref_slice %arg3[%min3A_91] : memref<65536xi32, #tpu.memory_space<hbm>> -> memref<128xi32, #tpu.memory_space<hbm>>
      %dma_start3A_93 = tpu.memref_slice %arg3[%min3A_91] : memref<65536xi32, #tpu.memory_space<hbm>> -> memref<128xi32, #tpu.memory_space<hbm>>
      tpu.enqueue_dma source(%dma_start3A_93 : memref<128xi32, #tpu.memory_space<hbm>>) target(%arg7 : memref<128xi32, #tpu.memory_space<vmem>>) target_semaphore(%arg15 : memref<!tpu.dma_semaphore, #tpu.memory_space<semaphore_mem>>)
      "tpu.region"() ({
        %run_scoped3A = tpu.sem_alloc : memref<!tpu.dma_semaphore, #tpu.memory_space<semaphore_mem>>
        %dma_start3A_142 = arith.constant 0 : i32
        %dma_start3A_143 = arith.constant 0 : i32
        %dma_start3A_144 = tpu.memref_slice %arg14[%dma_start3A_142, %dma_start3A_143] : memref<4096x128xf32, #tpu.memory_space<vmem_shared>> -> memref<4096x128xf32, #tpu.memory_space<vmem_shared>>
        tpu.enqueue_indirect_dma source(%arg11 : memref<128x128xf32, #tpu.memory_space<vmem>>) target(%dma_start3A_144 : memref<4096x128xf32, #tpu.memory_space<vmem_shared>>) offsets(%arg9 : memref<128xi32, #tpu.memory_space<vmem>>) semaphore(%run_scoped3A : memref<!tpu.dma_semaphore, #tpu.memory_space<semaphore_mem>>) {add = true}
        %dma_wait3A_145 = arith.constant 0 : i32
        %dma_wait3A_146 = arith.constant 0 : i32
        %dma_wait3A_147 = tpu.memref_slice %arg14[%dma_wait3A_145, %dma_wait3A_146] : memref<4096x128xf32, #tpu.memory_space<vmem_shared>> -> memref<4096x128xf32, #tpu.memory_space<vmem_shared>>
        tpu.wait_indirect_dma semaphore(%run_scoped3A : memref<!tpu.dma_semaphore, #tpu.memory_space<semaphore_mem>>) src(%arg11 : memref<128x128xf32, #tpu.memory_space<vmem>>) dst(%dma_wait3A_147 : memref<4096x128xf32, #tpu.memory_space<vmem_shared>>)
        tpu.yield
      }) : () -> ()
      %add3A_94 = arith.constant 2 : i32
      %add3A_95 = arith.addi %mul3A_67, %add3A_94 : i32
      %mul3A_96 = arith.constant 128 : i32
      %mul3A_97 = arith.muli %add3A_95, %mul3A_96 : i32
      %add3A_98 = arith.addi %mul3A_8, %mul3A_97 : i32
      %min3A_99 = arith.constant 65408 : i32
      %min3A_100 = arith.minsi %add3A_98, %min3A_99 : i32
      %dma_start3A_101 = tpu.memref_slice %arg4[%min3A_100] : memref<65536xi32, #tpu.memory_space<hbm>> -> memref<128xi32, #tpu.memory_space<hbm>>
      %dma_start3A_102 = tpu.memref_slice %arg4[%min3A_100] : memref<65536xi32, #tpu.memory_space<hbm>> -> memref<128xi32, #tpu.memory_space<hbm>>
      tpu.enqueue_dma source(%dma_start3A_102 : memref<128xi32, #tpu.memory_space<hbm>>) target(%arg9 : memref<128xi32, #tpu.memory_space<vmem>>) target_semaphore(%arg15 : memref<!tpu.dma_semaphore, #tpu.memory_space<semaphore_mem>>)
      %mul3A_103 = arith.constant 2 : i32
      %mul3A_104 = arith.muli %mul3A_103, %scan3A_65 : i32
      %add3A_105 = arith.constant 1 : i32
      %add3A_106 = arith.addi %mul3A_104, %add3A_105 : i32
      %dma_wait3A_107 = arith.constant 0 : i32
      %dma_wait3A_108 = tpu.memref_slice %arg3[%dma_wait3A_107] : memref<65536xi32, #tpu.memory_space<hbm>> -> memref<128xi32, #tpu.memory_space<hbm>>
      %dma_wait3A_109 = arith.constant 0 : i32
      %dma_wait3A_110 = tpu.memref_slice %arg3[%dma_wait3A_109] : memref<65536xi32, #tpu.memory_space<hbm>> -> memref<128xi32, #tpu.memory_space<hbm>>
      tpu.wait_dma2 semaphore(%arg15 : memref<!tpu.dma_semaphore, #tpu.memory_space<semaphore_mem>>) src(%dma_wait3A_110 : memref<128xi32, #tpu.memory_space<hbm>>) dst(%arg7 : memref<128xi32, #tpu.memory_space<vmem>>)
      %dma_wait3A_111 = arith.constant 0 : i32
      %dma_wait3A_112 = tpu.memref_slice %arg4[%dma_wait3A_111] : memref<65536xi32, #tpu.memory_space<hbm>> -> memref<128xi32, #tpu.memory_space<hbm>>
      %dma_wait3A_113 = arith.constant 0 : i32
      %dma_wait3A_114 = tpu.memref_slice %arg4[%dma_wait3A_113] : memref<65536xi32, #tpu.memory_space<hbm>> -> memref<128xi32, #tpu.memory_space<hbm>>
      tpu.wait_dma2 semaphore(%arg15 : memref<!tpu.dma_semaphore, #tpu.memory_space<semaphore_mem>>) src(%dma_wait3A_114 : memref<128xi32, #tpu.memory_space<hbm>>) dst(%arg9 : memref<128xi32, #tpu.memory_space<vmem>>)
      %dma_start3A_115 = arith.constant 0 : i32
      %dma_start3A_116 = arith.constant 0 : i32
      %dma_start3A_117 = tpu.memref_slice %arg2[%dma_start3A_115, %dma_start3A_116] : memref<4096x128xf32, #tpu.memory_space<hbm>> -> memref<4096x128xf32, #tpu.memory_space<hbm>>
      tpu.enqueue_indirect_dma source(%dma_start3A_117 : memref<4096x128xf32, #tpu.memory_space<hbm>>) target(%arg11 : memref<128x128xf32, #tpu.memory_space<vmem>>) offsets(%arg7 : memref<128xi32, #tpu.memory_space<vmem>>) semaphore(%arg17 : memref<!tpu.dma_semaphore, #tpu.memory_space<semaphore_mem>>)
      %dma_wait3A_118 = arith.constant 0 : i32
      %dma_wait3A_119 = arith.constant 0 : i32
      %dma_wait3A_120 = tpu.memref_slice %arg2[%dma_wait3A_118, %dma_wait3A_119] : memref<4096x128xf32, #tpu.memory_space<hbm>> -> memref<128x128xf32, #tpu.memory_space<hbm>>
      %dma_wait3A_121 = arith.constant 0 : i32
      %dma_wait3A_122 = arith.constant 0 : i32
      %dma_wait3A_123 = tpu.memref_slice %arg2[%dma_wait3A_121, %dma_wait3A_122] : memref<4096x128xf32, #tpu.memory_space<hbm>> -> memref<128x128xf32, #tpu.memory_space<hbm>>
      tpu.wait_dma2 semaphore(%arg18 : memref<!tpu.dma_semaphore, #tpu.memory_space<semaphore_mem>>) src(%dma_wait3A_123 : memref<128x128xf32, #tpu.memory_space<hbm>>) dst(%arg12 : memref<128x128xf32, #tpu.memory_space<vmem>>)
      %add3A_124 = arith.constant 2 : i32
      %add3A_125 = arith.addi %add3A_106, %add3A_124 : i32
      %mul3A_126 = arith.constant 128 : i32
      %mul3A_127 = arith.muli %add3A_125, %mul3A_126 : i32
      %add3A_128 = arith.addi %mul3A_8, %mul3A_127 : i32
      %min3A_129 = arith.constant 65408 : i32
      %min3A_130 = arith.minsi %add3A_128, %min3A_129 : i32
      %dma_start3A_131 = tpu.memref_slice %arg3[%min3A_130] : memref<65536xi32, #tpu.memory_space<hbm>> -> memref<128xi32, #tpu.memory_space<hbm>>
      %dma_start3A_132 = tpu.memref_slice %arg3[%min3A_130] : memref<65536xi32, #tpu.memory_space<hbm>> -> memref<128xi32, #tpu.memory_space<hbm>>
      tpu.enqueue_dma source(%dma_start3A_132 : memref<128xi32, #tpu.memory_space<hbm>>) target(%arg8 : memref<128xi32, #tpu.memory_space<vmem>>) target_semaphore(%arg16 : memref<!tpu.dma_semaphore, #tpu.memory_space<semaphore_mem>>)
      "tpu.region"() ({
        %run_scoped3A = tpu.sem_alloc : memref<!tpu.dma_semaphore, #tpu.memory_space<semaphore_mem>>
        %dma_start3A_142 = arith.constant 0 : i32
        %dma_start3A_143 = arith.constant 0 : i32
        %dma_start3A_144 = tpu.memref_slice %arg14[%dma_start3A_142, %dma_start3A_143] : memref<4096x128xf32, #tpu.memory_space<vmem_shared>> -> memref<4096x128xf32, #tpu.memory_space<vmem_shared>>
        tpu.enqueue_indirect_dma source(%arg12 : memref<128x128xf32, #tpu.memory_space<vmem>>) target(%dma_start3A_144 : memref<4096x128xf32, #tpu.memory_space<vmem_shared>>) offsets(%arg10 : memref<128xi32, #tpu.memory_space<vmem>>) semaphore(%run_scoped3A : memref<!tpu.dma_semaphore, #tpu.memory_space<semaphore_mem>>) {add = true}
        %dma_wait3A_145 = arith.constant 0 : i32
        %dma_wait3A_146 = arith.constant 0 : i32
        %dma_wait3A_147 = tpu.memref_slice %arg14[%dma_wait3A_145, %dma_wait3A_146] : memref<4096x128xf32, #tpu.memory_space<vmem_shared>> -> memref<4096x128xf32, #tpu.memory_space<vmem_shared>>
        tpu.wait_indirect_dma semaphore(%run_scoped3A : memref<!tpu.dma_semaphore, #tpu.memory_space<semaphore_mem>>) src(%arg12 : memref<128x128xf32, #tpu.memory_space<vmem>>) dst(%dma_wait3A_147 : memref<4096x128xf32, #tpu.memory_space<vmem_shared>>)
        tpu.yield
      }) : () -> ()
      %add3A_133 = arith.constant 2 : i32
      %add3A_134 = arith.addi %add3A_106, %add3A_133 : i32
      %mul3A_135 = arith.constant 128 : i32
      %mul3A_136 = arith.muli %add3A_134, %mul3A_135 : i32
      %add3A_137 = arith.addi %mul3A_8, %mul3A_136 : i32
      %min3A_138 = arith.constant 65408 : i32
      %min3A_139 = arith.minsi %add3A_137, %min3A_138 : i32
      %dma_start3A_140 = tpu.memref_slice %arg4[%min3A_139] : memref<65536xi32, #tpu.memory_space<hbm>> -> memref<128xi32, #tpu.memory_space<hbm>>
      %dma_start3A_141 = tpu.memref_slice %arg4[%min3A_139] : memref<65536xi32, #tpu.memory_space<hbm>> -> memref<128xi32, #tpu.memory_space<hbm>>
      tpu.enqueue_dma source(%dma_start3A_141 : memref<128xi32, #tpu.memory_space<hbm>>) target(%arg10 : memref<128xi32, #tpu.memory_space<vmem>>) target_semaphore(%arg16 : memref<!tpu.dma_semaphore, #tpu.memory_space<semaphore_mem>>)
    }
    %scan3A_45 = arith.constant 8 : i32
    %dma_wait3A_46 = arith.constant 0 : i32
    %dma_wait3A_47 = arith.constant 0 : i32
    %dma_wait3A_48 = tpu.memref_slice %arg2[%dma_wait3A_46, %dma_wait3A_47] : memref<4096x128xf32, #tpu.memory_space<hbm>> -> memref<128x128xf32, #tpu.memory_space<hbm>>
    %dma_wait3A_49 = arith.constant 0 : i32
    %dma_wait3A_50 = arith.constant 0 : i32
    %dma_wait3A_51 = tpu.memref_slice %arg2[%dma_wait3A_49, %dma_wait3A_50] : memref<4096x128xf32, #tpu.memory_space<hbm>> -> memref<128x128xf32, #tpu.memory_space<hbm>>
    tpu.wait_dma2 semaphore(%arg17 : memref<!tpu.dma_semaphore, #tpu.memory_space<semaphore_mem>>) src(%dma_wait3A_51 : memref<128x128xf32, #tpu.memory_space<hbm>>) dst(%arg11 : memref<128x128xf32, #tpu.memory_space<vmem>>)
    %dma_wait3A_52 = arith.constant 0 : i32
    %dma_wait3A_53 = tpu.memref_slice %arg3[%dma_wait3A_52] : memref<65536xi32, #tpu.memory_space<hbm>> -> memref<128xi32, #tpu.memory_space<hbm>>
    %dma_wait3A_54 = arith.constant 0 : i32
    %dma_wait3A_55 = tpu.memref_slice %arg3[%dma_wait3A_54] : memref<65536xi32, #tpu.memory_space<hbm>> -> memref<128xi32, #tpu.memory_space<hbm>>
    tpu.wait_dma2 semaphore(%arg16 : memref<!tpu.dma_semaphore, #tpu.memory_space<semaphore_mem>>) src(%dma_wait3A_55 : memref<128xi32, #tpu.memory_space<hbm>>) dst(%arg8 : memref<128xi32, #tpu.memory_space<vmem>>)
    %dma_wait3A_56 = arith.constant 0 : i32
    %dma_wait3A_57 = tpu.memref_slice %arg4[%dma_wait3A_56] : memref<65536xi32, #tpu.memory_space<hbm>> -> memref<128xi32, #tpu.memory_space<hbm>>
    %dma_wait3A_58 = arith.constant 0 : i32
    %dma_wait3A_59 = tpu.memref_slice %arg4[%dma_wait3A_58] : memref<65536xi32, #tpu.memory_space<hbm>> -> memref<128xi32, #tpu.memory_space<hbm>>
    tpu.wait_dma2 semaphore(%arg16 : memref<!tpu.dma_semaphore, #tpu.memory_space<semaphore_mem>>) src(%dma_wait3A_59 : memref<128xi32, #tpu.memory_space<hbm>>) dst(%arg10 : memref<128xi32, #tpu.memory_space<vmem>>)
    %barrier3A_60 = arith.constant 0 : index
    tpu.barrier barrier_id(%barrier3A_60)
    %mul3A_61 = arith.constant 256 : i32
    %mul3A_62 = arith.muli %arg1, %mul3A_61 : i32
    %mul3A_63 = arith.constant 256 : i32
    %mul3A_64 = arith.muli %arg1, %mul3A_63 : i32
    "tpu.region"() ({
      %run_scoped3A = tpu.sem_alloc : memref<!tpu.dma_semaphore, #tpu.memory_space<semaphore_mem>>
      %dma_start3A_65 = arith.constant 0 : i32
      %dma_start3A_66 = tpu.memref_slice %arg6[%arg0, %mul3A_64, %dma_start3A_65] : memref<2x4096x128xf32, #tpu.memory_space<hbm>> -> memref<1x256x128xf32, #tpu.memory_space<hbm>>
      %dma_start3A_67 = tpu.memref_squeeze %dma_start3A_66 : memref<1x256x128xf32, #tpu.memory_space<hbm>> -> memref<256x128xf32, #tpu.memory_space<hbm>>
      %dma_start3A_68 = arith.constant 0 : i32
      %dma_start3A_69 = tpu.memref_slice %arg14[%mul3A_62, %dma_start3A_68] : memref<4096x128xf32, #tpu.memory_space<vmem_shared>> -> memref<256x128xf32, #tpu.memory_space<vmem_shared>>
      tpu.enqueue_dma source(%dma_start3A_69 : memref<256x128xf32, #tpu.memory_space<vmem_shared>>) target(%dma_start3A_67 : memref<256x128xf32, #tpu.memory_space<hbm>>) target_semaphore(%run_scoped3A : memref<!tpu.dma_semaphore, #tpu.memory_space<semaphore_mem>>)
      %dma_wait3A_70 = arith.constant 0 : i32
      %dma_wait3A_71 = tpu.memref_slice %arg6[%arg0, %mul3A_64, %dma_wait3A_70] : memref<2x4096x128xf32, #tpu.memory_space<hbm>> -> memref<1x256x128xf32, #tpu.memory_space<hbm>>
      %dma_wait3A_72 = tpu.memref_squeeze %dma_wait3A_71 : memref<1x256x128xf32, #tpu.memory_space<hbm>> -> memref<256x128xf32, #tpu.memory_space<hbm>>
      %dma_wait3A_73 = arith.constant 0 : i32
      %dma_wait3A_74 = tpu.memref_slice %arg14[%mul3A_62, %dma_wait3A_73] : memref<4096x128xf32, #tpu.memory_space<vmem_shared>> -> memref<256x128xf32, #tpu.memory_space<vmem_shared>>
      tpu.wait_dma2 semaphore(%run_scoped3A : memref<!tpu.dma_semaphore, #tpu.memory_space<semaphore_mem>>) src(%dma_wait3A_74 : memref<256x128xf32, #tpu.memory_space<vmem_shared>>) dst(%dma_wait3A_72 : memref<256x128xf32, #tpu.memory_space<hbm>>)
      tpu.yield
    }) : () -> ()
    return
  }
}

#map = affine_map<(d0, d1) -> (0, 0)>
#map1 = affine_map<(d0, d1) -> (0)>
#map2 = affine_map<(d0, d1) -> (0, 0, 0)>
module attributes {stable_mosaic.version = 14 : i64} {
  func.func @body(%arg0: i32, %arg1: i32, %arg2: memref<4096x128xf32, #tpu.memory_space<hbm>>, %arg3: memref<65536xi32, #tpu.memory_space<hbm>>, %arg4: memref<65536xi32, #tpu.memory_space<hbm>>, %arg5: memref<4096x128xf32, #tpu.memory_space<hbm>>, %arg6: memref<2x4096x128xf32, #tpu.memory_space<hbm>>, %arg7: memref<128xi32, #tpu.memory_space<vmem>>, %arg8: memref<128xi32, #tpu.memory_space<vmem>>, %arg9: memref<128xi32, #tpu.memory_space<vmem>>, %arg10: memref<128xi32, #tpu.memory_space<vmem>>, %arg11: memref<128x128xf32, #tpu.memory_space<vmem>>, %arg12: memref<128x128xf32, #tpu.memory_space<vmem>>, %arg13: memref<8xf32, #tpu.memory_space<vmem_shared>>, %arg14: memref<4096x128xf32, #tpu.memory_space<vmem_shared>>, %arg15: memref<!tpu.dma_semaphore, #tpu.memory_space<semaphore_mem>>, %arg16: memref<!tpu.dma_semaphore, #tpu.memory_space<semaphore_mem>>, %arg17: memref<!tpu.dma_semaphore, #tpu.memory_space<semaphore_mem>>, %arg18: memref<!tpu.dma_semaphore, #tpu.memory_space<semaphore_mem>>) attributes {dimension_semantics = [#tpu.dimension_semantics<core_parallel>, #tpu.dimension_semantics<subcore_parallel>], iteration_bounds = array<i64: 2, 16>, scalar_prefetch = 0 : i64, scratch_operands = 12 : i64, tpu.core_type = #tpu.core_type<sc_vector_subcore>, window_params = [{transform_indices = #map}, {transform_indices = #map1}, {transform_indices = #map1}, {transform_indices = #map}, {transform_indices = #map2}]} {
    %mul3A = arith.constant 2 : i32
    %mul3A_0 = arith.muli %arg1, %mul3A : i32
    %add3A = arith.addi %mul3A_0, %arg0 : i32
    %mul3A_1 = arith.constant 256 : i32
    %mul3A_2 = arith.muli %arg1, %mul3A_1 : i32
    %mul3A_3 = arith.constant 256 : i32
    %mul3A_4 = arith.muli %arg1, %mul3A_3 : i32
    "tpu.region"() ({
      %run_scoped3A = tpu.sem_alloc : memref<!tpu.dma_semaphore, #tpu.memory_space<semaphore_mem>>
      %dma_start3A_65 = arith.constant 0 : i32
      %dma_start3A_66 = tpu.memref_slice %arg14[%mul3A_4, %dma_start3A_65] : memref<4096x128xf32, #tpu.memory_space<vmem_shared>> -> memref<256x128xf32, #tpu.memory_space<vmem_shared>>
      %dma_start3A_67 = arith.constant 0 : i32
      %dma_start3A_68 = tpu.memref_slice %arg5[%mul3A_2, %dma_start3A_67] : memref<4096x128xf32, #tpu.memory_space<hbm>> -> memref<256x128xf32, #tpu.memory_space<hbm>>
      tpu.enqueue_dma source(%dma_start3A_68 : memref<256x128xf32, #tpu.memory_space<hbm>>) target(%dma_start3A_66 : memref<256x128xf32, #tpu.memory_space<vmem_shared>>) target_semaphore(%run_scoped3A : memref<!tpu.dma_semaphore, #tpu.memory_space<semaphore_mem>>)
      %dma_wait3A_69 = arith.constant 0 : i32
      %dma_wait3A_70 = tpu.memref_slice %arg14[%mul3A_4, %dma_wait3A_69] : memref<4096x128xf32, #tpu.memory_space<vmem_shared>> -> memref<256x128xf32, #tpu.memory_space<vmem_shared>>
      %dma_wait3A_71 = arith.constant 0 : i32
      %dma_wait3A_72 = tpu.memref_slice %arg5[%mul3A_2, %dma_wait3A_71] : memref<4096x128xf32, #tpu.memory_space<hbm>> -> memref<256x128xf32, #tpu.memory_space<hbm>>
      tpu.wait_dma2 semaphore(%run_scoped3A : memref<!tpu.dma_semaphore, #tpu.memory_space<semaphore_mem>>) src(%dma_wait3A_72 : memref<256x128xf32, #tpu.memory_space<hbm>>) dst(%dma_wait3A_70 : memref<256x128xf32, #tpu.memory_space<vmem_shared>>)
      tpu.yield
    }) : () -> ()
    %barrier3A = arith.constant 0 : index
    tpu.barrier barrier_id(%barrier3A)
    %mul3A_5 = arith.constant 16 : i32
    %mul3A_6 = arith.muli %add3A, %mul3A_5 : i32
    %mul3A_7 = arith.constant 128 : i32
    %mul3A_8 = arith.muli %mul3A_6, %mul3A_7 : i32
    %add3A_9 = arith.constant 0 : i32
    %add3A_10 = arith.addi %mul3A_8, %add3A_9 : i32
    %min3A = arith.constant 65408 : i32
    %min3A_11 = arith.minsi %add3A_10, %min3A : i32
    %dma_start3A = tpu.memref_slice %arg3[%min3A_11] : memref<65536xi32, #tpu.memory_space<hbm>> -> memref<128xi32, #tpu.memory_space<hbm>>
    %dma_start3A_12 = tpu.memref_slice %arg3[%min3A_11] : memref<65536xi32, #tpu.memory_space<hbm>> -> memref<128xi32, #tpu.memory_space<hbm>>
    tpu.enqueue_dma source(%dma_start3A_12 : memref<128xi32, #tpu.memory_space<hbm>>) target(%arg7 : memref<128xi32, #tpu.memory_space<vmem>>) target_semaphore(%arg15 : memref<!tpu.dma_semaphore, #tpu.memory_space<semaphore_mem>>)
    %add3A_13 = arith.constant 0 : i32
    %add3A_14 = arith.addi %mul3A_8, %add3A_13 : i32
    %min3A_15 = arith.constant 65408 : i32
    %min3A_16 = arith.minsi %add3A_14, %min3A_15 : i32
    %dma_start3A_17 = tpu.memref_slice %arg4[%min3A_16] : memref<65536xi32, #tpu.memory_space<hbm>> -> memref<128xi32, #tpu.memory_space<hbm>>
    %dma_start3A_18 = tpu.memref_slice %arg4[%min3A_16] : memref<65536xi32, #tpu.memory_space<hbm>> -> memref<128xi32, #tpu.memory_space<hbm>>
    tpu.enqueue_dma source(%dma_start3A_18 : memref<128xi32, #tpu.memory_space<hbm>>) target(%arg9 : memref<128xi32, #tpu.memory_space<vmem>>) target_semaphore(%arg15 : memref<!tpu.dma_semaphore, #tpu.memory_space<semaphore_mem>>)
    %add3A_19 = arith.constant 128 : i32
    %add3A_20 = arith.addi %mul3A_8, %add3A_19 : i32
    %min3A_21 = arith.constant 65408 : i32
    %min3A_22 = arith.minsi %add3A_20, %min3A_21 : i32
    %dma_start3A_23 = tpu.memref_slice %arg3[%min3A_22] : memref<65536xi32, #tpu.memory_space<hbm>> -> memref<128xi32, #tpu.memory_space<hbm>>
    %dma_start3A_24 = tpu.memref_slice %arg3[%min3A_22] : memref<65536xi32, #tpu.memory_space<hbm>> -> memref<128xi32, #tpu.memory_space<hbm>>
    tpu.enqueue_dma source(%dma_start3A_24 : memref<128xi32, #tpu.memory_space<hbm>>) target(%arg8 : memref<128xi32, #tpu.memory_space<vmem>>) target_semaphore(%arg16 : memref<!tpu.dma_semaphore, #tpu.memory_space<semaphore_mem>>)
    %add3A_25 = arith.constant 128 : i32
    %add3A_26 = arith.addi %mul3A_8, %add3A_25 : i32
    %min3A_27 = arith.constant 65408 : i32
    %min3A_28 = arith.minsi %add3A_26, %min3A_27 : i32
    %dma_start3A_29 = tpu.memref_slice %arg4[%min3A_28] : memref<65536xi32, #tpu.memory_space<hbm>> -> memref<128xi32, #tpu.memory_space<hbm>>
    %dma_start3A_30 = tpu.memref_slice %arg4[%min3A_28] : memref<65536xi32, #tpu.memory_space<hbm>> -> memref<128xi32, #tpu.memory_space<hbm>>
    tpu.enqueue_dma source(%dma_start3A_30 : memref<128xi32, #tpu.memory_space<hbm>>) target(%arg10 : memref<128xi32, #tpu.memory_space<vmem>>) target_semaphore(%arg16 : memref<!tpu.dma_semaphore, #tpu.memory_space<semaphore_mem>>)
    %dma_wait3A = arith.constant 0 : i32
    %dma_wait3A_31 = tpu.memref_slice %arg3[%dma_wait3A] : memref<65536xi32, #tpu.memory_space<hbm>> -> memref<128xi32, #tpu.memory_space<hbm>>
    %dma_wait3A_32 = arith.constant 0 : i32
    %dma_wait3A_33 = tpu.memref_slice %arg3[%dma_wait3A_32] : memref<65536xi32, #tpu.memory_space<hbm>> -> memref<128xi32, #tpu.memory_space<hbm>>
    tpu.wait_dma2 semaphore(%arg15 : memref<!tpu.dma_semaphore, #tpu.memory_space<semaphore_mem>>) src(%dma_wait3A_33 : memref<128xi32, #tpu.memory_space<hbm>>) dst(%arg7 : memref<128xi32, #tpu.memory_space<vmem>>)
    %dma_wait3A_34 = arith.constant 0 : i32
    %dma_wait3A_35 = tpu.memref_slice %arg4[%dma_wait3A_34] : memref<65536xi32, #tpu.memory_space<hbm>> -> memref<128xi32, #tpu.memory_space<hbm>>
    %dma_wait3A_36 = arith.constant 0 : i32
    %dma_wait3A_37 = tpu.memref_slice %arg4[%dma_wait3A_36] : memref<65536xi32, #tpu.memory_space<hbm>> -> memref<128xi32, #tpu.memory_space<hbm>>
    tpu.wait_dma2 semaphore(%arg15 : memref<!tpu.dma_semaphore, #tpu.memory_space<semaphore_mem>>) src(%dma_wait3A_37 : memref<128xi32, #tpu.memory_space<hbm>>) dst(%arg9 : memref<128xi32, #tpu.memory_space<vmem>>)
    %dma_start3A_38 = arith.constant 0 : i32
    %dma_start3A_39 = arith.constant 0 : i32
    %dma_start3A_40 = tpu.memref_slice %arg2[%dma_start3A_38, %dma_start3A_39] : memref<4096x128xf32, #tpu.memory_space<hbm>> -> memref<4096x128xf32, #tpu.memory_space<hbm>>
    tpu.enqueue_indirect_dma source(%dma_start3A_40 : memref<4096x128xf32, #tpu.memory_space<hbm>>) target(%arg11 : memref<128x128xf32, #tpu.memory_space<vmem>>) offsets(%arg7 : memref<128xi32, #tpu.memory_space<vmem>>) semaphore(%arg17 : memref<!tpu.dma_semaphore, #tpu.memory_space<semaphore_mem>>)
    %scan3A = arith.constant 0 : i32
    %scan3A_41 = arith.constant 0 : i32
    %scan3A_42 = arith.constant 8 : i32
    %scan3A_43 = arith.addi %scan3A_41, %scan3A_42 : i32
    %scan3A_44 = arith.constant 1 : i32
    scf.for %scan3A_65 = %scan3A_41 to %scan3A_43 step %scan3A_44  : i32 {
      %mul3A_66 = arith.constant 2 : i32
      %mul3A_67 = arith.muli %mul3A_66, %scan3A_65 : i32
      %dma_wait3A_68 = arith.constant 0 : i32
      %dma_wait3A_69 = tpu.memref_slice %arg3[%dma_wait3A_68] : memref<65536xi32, #tpu.memory_space<hbm>> -> memref<128xi32, #tpu.memory_space<hbm>>
      %dma_wait3A_70 = arith.constant 0 : i32
      %dma_wait3A_71 = tpu.memref_slice %arg3[%dma_wait3A_70] : memref<65536xi32, #tpu.memory_space<hbm>> -> memref<128xi32, #tpu.memory_space<hbm>>
      tpu.wait_dma2 semaphore(%arg16 : memref<!tpu.dma_semaphore, #tpu.memory_space<semaphore_mem>>) src(%dma_wait3A_71 : memref<128xi32, #tpu.memory_space<hbm>>) dst(%arg8 : memref<128xi32, #tpu.memory_space<vmem>>)
      %dma_wait3A_72 = arith.constant 0 : i32
      %dma_wait3A_73 = tpu.memref_slice %arg4[%dma_wait3A_72] : memref<65536xi32, #tpu.memory_space<hbm>> -> memref<128xi32, #tpu.memory_space<hbm>>
      %dma_wait3A_74 = arith.constant 0 : i32
      %dma_wait3A_75 = tpu.memref_slice %arg4[%dma_wait3A_74] : memref<65536xi32, #tpu.memory_space<hbm>> -> memref<128xi32, #tpu.memory_space<hbm>>
      tpu.wait_dma2 semaphore(%arg16 : memref<!tpu.dma_semaphore, #tpu.memory_space<semaphore_mem>>) src(%dma_wait3A_75 : memref<128xi32, #tpu.memory_space<hbm>>) dst(%arg10 : memref<128xi32, #tpu.memory_space<vmem>>)
      %dma_start3A_76 = arith.constant 0 : i32
      %dma_start3A_77 = arith.constant 0 : i32
      %dma_start3A_78 = tpu.memref_slice %arg2[%dma_start3A_76, %dma_start3A_77] : memref<4096x128xf32, #tpu.memory_space<hbm>> -> memref<4096x128xf32, #tpu.memory_space<hbm>>
      tpu.enqueue_indirect_dma source(%dma_start3A_78 : memref<4096x128xf32, #tpu.memory_space<hbm>>) target(%arg12 : memref<128x128xf32, #tpu.memory_space<vmem>>) offsets(%arg8 : memref<128xi32, #tpu.memory_space<vmem>>) semaphore(%arg18 : memref<!tpu.dma_semaphore, #tpu.memory_space<semaphore_mem>>)
      %dma_wait3A_79 = arith.constant 0 : i32
      %dma_wait3A_80 = arith.constant 0 : i32
      %dma_wait3A_81 = tpu.memref_slice %arg2[%dma_wait3A_79, %dma_wait3A_80] : memref<4096x128xf32, #tpu.memory_space<hbm>> -> memref<128x128xf32, #tpu.memory_space<hbm>>
      %dma_wait3A_82 = arith.constant 0 : i32
      %dma_wait3A_83 = arith.constant 0 : i32
      %dma_wait3A_84 = tpu.memref_slice %arg2[%dma_wait3A_82, %dma_wait3A_83] : memref<4096x128xf32, #tpu.memory_space<hbm>> -> memref<128x128xf32, #tpu.memory_space<hbm>>
      tpu.wait_dma2 semaphore(%arg17 : memref<!tpu.dma_semaphore, #tpu.memory_space<semaphore_mem>>) src(%dma_wait3A_84 : memref<128x128xf32, #tpu.memory_space<hbm>>) dst(%arg11 : memref<128x128xf32, #tpu.memory_space<vmem>>)
      %add3A_85 = arith.constant 2 : i32
      %add3A_86 = arith.addi %mul3A_67, %add3A_85 : i32
      %mul3A_87 = arith.constant 128 : i32
      %mul3A_88 = arith.muli %add3A_86, %mul3A_87 : i32
      %add3A_89 = arith.addi %mul3A_8, %mul3A_88 : i32
      %min3A_90 = arith.constant 65408 : i32
      %min3A_91 = arith.minsi %add3A_89, %min3A_90 : i32
      %dma_start3A_92 = tpu.memref_slice %arg3[%min3A_91] : memref<65536xi32, #tpu.memory_space<hbm>> -> memref<128xi32, #tpu.memory_space<hbm>>
      %dma_start3A_93 = tpu.memref_slice %arg3[%min3A_91] : memref<65536xi32, #tpu.memory_space<hbm>> -> memref<128xi32, #tpu.memory_space<hbm>>
      tpu.enqueue_dma source(%dma_start3A_93 : memref<128xi32, #tpu.memory_space<hbm>>) target(%arg7 : memref<128xi32, #tpu.memory_space<vmem>>) target_semaphore(%arg15 : memref<!tpu.dma_semaphore, #tpu.memory_space<semaphore_mem>>)
      "tpu.region"() ({
        %run_scoped3A = tpu.sem_alloc : memref<!tpu.dma_semaphore, #tpu.memory_space<semaphore_mem>>
        %dma_start3A_142 = arith.constant 0 : i32
        %dma_start3A_143 = arith.constant 0 : i32
        %dma_start3A_144 = tpu.memref_slice %arg14[%dma_start3A_142, %dma_start3A_143] : memref<4096x128xf32, #tpu.memory_space<vmem_shared>> -> memref<4096x128xf32, #tpu.memory_space<vmem_shared>>
        tpu.enqueue_indirect_dma source(%arg11 : memref<128x128xf32, #tpu.memory_space<vmem>>) target(%dma_start3A_144 : memref<4096x128xf32, #tpu.memory_space<vmem_shared>>) offsets(%arg9 : memref<128xi32, #tpu.memory_space<vmem>>) semaphore(%run_scoped3A : memref<!tpu.dma_semaphore, #tpu.memory_space<semaphore_mem>>) {add = true}
        %dma_wait3A_145 = arith.constant 0 : i32
        %dma_wait3A_146 = arith.constant 0 : i32
        %dma_wait3A_147 = tpu.memref_slice %arg14[%dma_wait3A_145, %dma_wait3A_146] : memref<4096x128xf32, #tpu.memory_space<vmem_shared>> -> memref<4096x128xf32, #tpu.memory_space<vmem_shared>>
        tpu.wait_indirect_dma semaphore(%run_scoped3A : memref<!tpu.dma_semaphore, #tpu.memory_space<semaphore_mem>>) src(%arg11 : memref<128x128xf32, #tpu.memory_space<vmem>>) dst(%dma_wait3A_147 : memref<4096x128xf32, #tpu.memory_space<vmem_shared>>)
        tpu.yield
      }) : () -> ()
      %add3A_94 = arith.constant 2 : i32
      %add3A_95 = arith.addi %mul3A_67, %add3A_94 : i32
      %mul3A_96 = arith.constant 128 : i32
      %mul3A_97 = arith.muli %add3A_95, %mul3A_96 : i32
      %add3A_98 = arith.addi %mul3A_8, %mul3A_97 : i32
      %min3A_99 = arith.constant 65408 : i32
      %min3A_100 = arith.minsi %add3A_98, %min3A_99 : i32
      %dma_start3A_101 = tpu.memref_slice %arg4[%min3A_100] : memref<65536xi32, #tpu.memory_space<hbm>> -> memref<128xi32, #tpu.memory_space<hbm>>
      %dma_start3A_102 = tpu.memref_slice %arg4[%min3A_100] : memref<65536xi32, #tpu.memory_space<hbm>> -> memref<128xi32, #tpu.memory_space<hbm>>
      tpu.enqueue_dma source(%dma_start3A_102 : memref<128xi32, #tpu.memory_space<hbm>>) target(%arg9 : memref<128xi32, #tpu.memory_space<vmem>>) target_semaphore(%arg15 : memref<!tpu.dma_semaphore, #tpu.memory_space<semaphore_mem>>)
      %mul3A_103 = arith.constant 2 : i32
      %mul3A_104 = arith.muli %mul3A_103, %scan3A_65 : i32
      %add3A_105 = arith.constant 1 : i32
      %add3A_106 = arith.addi %mul3A_104, %add3A_105 : i32
      %dma_wait3A_107 = arith.constant 0 : i32
      %dma_wait3A_108 = tpu.memref_slice %arg3[%dma_wait3A_107] : memref<65536xi32, #tpu.memory_space<hbm>> -> memref<128xi32, #tpu.memory_space<hbm>>
      %dma_wait3A_109 = arith.constant 0 : i32
      %dma_wait3A_110 = tpu.memref_slice %arg3[%dma_wait3A_109] : memref<65536xi32, #tpu.memory_space<hbm>> -> memref<128xi32, #tpu.memory_space<hbm>>
      tpu.wait_dma2 semaphore(%arg15 : memref<!tpu.dma_semaphore, #tpu.memory_space<semaphore_mem>>) src(%dma_wait3A_110 : memref<128xi32, #tpu.memory_space<hbm>>) dst(%arg7 : memref<128xi32, #tpu.memory_space<vmem>>)
      %dma_wait3A_111 = arith.constant 0 : i32
      %dma_wait3A_112 = tpu.memref_slice %arg4[%dma_wait3A_111] : memref<65536xi32, #tpu.memory_space<hbm>> -> memref<128xi32, #tpu.memory_space<hbm>>
      %dma_wait3A_113 = arith.constant 0 : i32
      %dma_wait3A_114 = tpu.memref_slice %arg4[%dma_wait3A_113] : memref<65536xi32, #tpu.memory_space<hbm>> -> memref<128xi32, #tpu.memory_space<hbm>>
      tpu.wait_dma2 semaphore(%arg15 : memref<!tpu.dma_semaphore, #tpu.memory_space<semaphore_mem>>) src(%dma_wait3A_114 : memref<128xi32, #tpu.memory_space<hbm>>) dst(%arg9 : memref<128xi32, #tpu.memory_space<vmem>>)
      %dma_start3A_115 = arith.constant 0 : i32
      %dma_start3A_116 = arith.constant 0 : i32
      %dma_start3A_117 = tpu.memref_slice %arg2[%dma_start3A_115, %dma_start3A_116] : memref<4096x128xf32, #tpu.memory_space<hbm>> -> memref<4096x128xf32, #tpu.memory_space<hbm>>
      tpu.enqueue_indirect_dma source(%dma_start3A_117 : memref<4096x128xf32, #tpu.memory_space<hbm>>) target(%arg11 : memref<128x128xf32, #tpu.memory_space<vmem>>) offsets(%arg7 : memref<128xi32, #tpu.memory_space<vmem>>) semaphore(%arg17 : memref<!tpu.dma_semaphore, #tpu.memory_space<semaphore_mem>>)
      %dma_wait3A_118 = arith.constant 0 : i32
      %dma_wait3A_119 = arith.constant 0 : i32
      %dma_wait3A_120 = tpu.memref_slice %arg2[%dma_wait3A_118, %dma_wait3A_119] : memref<4096x128xf32, #tpu.memory_space<hbm>> -> memref<128x128xf32, #tpu.memory_space<hbm>>
      %dma_wait3A_121 = arith.constant 0 : i32
      %dma_wait3A_122 = arith.constant 0 : i32
      %dma_wait3A_123 = tpu.memref_slice %arg2[%dma_wait3A_121, %dma_wait3A_122] : memref<4096x128xf32, #tpu.memory_space<hbm>> -> memref<128x128xf32, #tpu.memory_space<hbm>>
      tpu.wait_dma2 semaphore(%arg18 : memref<!tpu.dma_semaphore, #tpu.memory_space<semaphore_mem>>) src(%dma_wait3A_123 : memref<128x128xf32, #tpu.memory_space<hbm>>) dst(%arg12 : memref<128x128xf32, #tpu.memory_space<vmem>>)
      %add3A_124 = arith.constant 2 : i32
      %add3A_125 = arith.addi %add3A_106, %add3A_124 : i32
      %mul3A_126 = arith.constant 128 : i32
      %mul3A_127 = arith.muli %add3A_125, %mul3A_126 : i32
      %add3A_128 = arith.addi %mul3A_8, %mul3A_127 : i32
      %min3A_129 = arith.constant 65408 : i32
      %min3A_130 = arith.minsi %add3A_128, %min3A_129 : i32
      %dma_start3A_131 = tpu.memref_slice %arg3[%min3A_130] : memref<65536xi32, #tpu.memory_space<hbm>> -> memref<128xi32, #tpu.memory_space<hbm>>
      %dma_start3A_132 = tpu.memref_slice %arg3[%min3A_130] : memref<65536xi32, #tpu.memory_space<hbm>> -> memref<128xi32, #tpu.memory_space<hbm>>
      tpu.enqueue_dma source(%dma_start3A_132 : memref<128xi32, #tpu.memory_space<hbm>>) target(%arg8 : memref<128xi32, #tpu.memory_space<vmem>>) target_semaphore(%arg16 : memref<!tpu.dma_semaphore, #tpu.memory_space<semaphore_mem>>)
      "tpu.region"() ({
        %run_scoped3A = tpu.sem_alloc : memref<!tpu.dma_semaphore, #tpu.memory_space<semaphore_mem>>
        %dma_start3A_142 = arith.constant 0 : i32
        %dma_start3A_143 = arith.constant 0 : i32
        %dma_start3A_144 = tpu.memref_slice %arg14[%dma_start3A_142, %dma_start3A_143] : memref<4096x128xf32, #tpu.memory_space<vmem_shared>> -> memref<4096x128xf32, #tpu.memory_space<vmem_shared>>
        tpu.enqueue_indirect_dma source(%arg12 : memref<128x128xf32, #tpu.memory_space<vmem>>) target(%dma_start3A_144 : memref<4096x128xf32, #tpu.memory_space<vmem_shared>>) offsets(%arg10 : memref<128xi32, #tpu.memory_space<vmem>>) semaphore(%run_scoped3A : memref<!tpu.dma_semaphore, #tpu.memory_space<semaphore_mem>>) {add = true}
        %dma_wait3A_145 = arith.constant 0 : i32
        %dma_wait3A_146 = arith.constant 0 : i32
        %dma_wait3A_147 = tpu.memref_slice %arg14[%dma_wait3A_145, %dma_wait3A_146] : memref<4096x128xf32, #tpu.memory_space<vmem_shared>> -> memref<4096x128xf32, #tpu.memory_space<vmem_shared>>
        tpu.wait_indirect_dma semaphore(%run_scoped3A : memref<!tpu.dma_semaphore, #tpu.memory_space<semaphore_mem>>) src(%arg12 : memref<128x128xf32, #tpu.memory_space<vmem>>) dst(%dma_wait3A_147 : memref<4096x128xf32, #tpu.memory_space<vmem_shared>>)
        tpu.yield
      }) : () -> ()
      %add3A_133 = arith.constant 2 : i32
      %add3A_134 = arith.addi %add3A_106, %add3A_133 : i32
      %mul3A_135 = arith.constant 128 : i32
      %mul3A_136 = arith.muli %add3A_134, %mul3A_135 : i32
      %add3A_137 = arith.addi %mul3A_8, %mul3A_136 : i32
      %min3A_138 = arith.constant 65408 : i32
      %min3A_139 = arith.minsi %add3A_137, %min3A_138 : i32
      %dma_start3A_140 = tpu.memref_slice %arg4[%min3A_139] : memref<65536xi32, #tpu.memory_space<hbm>> -> memref<128xi32, #tpu.memory_space<hbm>>
      %dma_start3A_141 = tpu.memref_slice %arg4[%min3A_139] : memref<65536xi32, #tpu.memory_space<hbm>> -> memref<128xi32, #tpu.memory_space<hbm>>
      tpu.enqueue_dma source(%dma_start3A_141 : memref<128xi32, #tpu.memory_space<hbm>>) target(%arg10 : memref<128xi32, #tpu.memory_space<vmem>>) target_semaphore(%arg16 : memref<!tpu.dma_semaphore, #tpu.memory_space<semaphore_mem>>)
    }
    %scan3A_45 = arith.constant 8 : i32
    %dma_wait3A_46 = arith.constant 0 : i32
    %dma_wait3A_47 = arith.constant 0 : i32
    %dma_wait3A_48 = tpu.memref_slice %arg2[%dma_wait3A_46, %dma_wait3A_47] : memref<4096x128xf32, #tpu.memory_space<hbm>> -> memref<128x128xf32, #tpu.memory_space<hbm>>
    %dma_wait3A_49 = arith.constant 0 : i32
    %dma_wait3A_50 = arith.constant 0 : i32
    %dma_wait3A_51 = tpu.memref_slice %arg2[%dma_wait3A_49, %dma_wait3A_50] : memref<4096x128xf32, #tpu.memory_space<hbm>> -> memref<128x128xf32, #tpu.memory_space<hbm>>
    tpu.wait_dma2 semaphore(%arg17 : memref<!tpu.dma_semaphore, #tpu.memory_space<semaphore_mem>>) src(%dma_wait3A_51 : memref<128x128xf32, #tpu.memory_space<hbm>>) dst(%arg11 : memref<128x128xf32, #tpu.memory_space<vmem>>)
    %dma_wait3A_52 = arith.constant 0 : i32
    %dma_wait3A_53 = tpu.memref_slice %arg3[%dma_wait3A_52] : memref<65536xi32, #tpu.memory_space<hbm>> -> memref<128xi32, #tpu.memory_space<hbm>>
    %dma_wait3A_54 = arith.constant 0 : i32
    %dma_wait3A_55 = tpu.memref_slice %arg3[%dma_wait3A_54] : memref<65536xi32, #tpu.memory_space<hbm>> -> memref<128xi32, #tpu.memory_space<hbm>>
    tpu.wait_dma2 semaphore(%arg16 : memref<!tpu.dma_semaphore, #tpu.memory_space<semaphore_mem>>) src(%dma_wait3A_55 : memref<128xi32, #tpu.memory_space<hbm>>) dst(%arg8 : memref<128xi32, #tpu.memory_space<vmem>>)
    %dma_wait3A_56 = arith.constant 0 : i32
    %dma_wait3A_57 = tpu.memref_slice %arg4[%dma_wait3A_56] : memref<65536xi32, #tpu.memory_space<hbm>> -> memref<128xi32, #tpu.memory_space<hbm>>
    %dma_wait3A_58 = arith.constant 0 : i32
    %dma_wait3A_59 = tpu.memref_slice %arg4[%dma_wait3A_58] : memref<65536xi32, #tpu.memory_space<hbm>> -> memref<128xi32, #tpu.memory_space<hbm>>
    tpu.wait_dma2 semaphore(%arg16 : memref<!tpu.dma_semaphore, #tpu.memory_space<semaphore_mem>>) src(%dma_wait3A_59 : memref<128xi32, #tpu.memory_space<hbm>>) dst(%arg10 : memref<128xi32, #tpu.memory_space<vmem>>)
    %barrier3A_60 = arith.constant 0 : index
    tpu.barrier barrier_id(%barrier3A_60)
    %mul3A_61 = arith.constant 256 : i32
    %mul3A_62 = arith.muli %arg1, %mul3A_61 : i32
    %mul3A_63 = arith.constant 256 : i32
    %mul3A_64 = arith.muli %arg1, %mul3A_63 : i32
    "tpu.region"() ({
      %run_scoped3A = tpu.sem_alloc : memref<!tpu.dma_semaphore, #tpu.memory_space<semaphore_mem>>
      %dma_start3A_65 = arith.constant 0 : i32
      %dma_start3A_66 = tpu.memref_slice %arg6[%arg0, %mul3A_64, %dma_start3A_65] : memref<2x4096x128xf32, #tpu.memory_space<hbm>> -> memref<1x256x128xf32, #tpu.memory_space<hbm>>
      %dma_start3A_67 = tpu.memref_squeeze %dma_start3A_66 : memref<1x256x128xf32, #tpu.memory_space<hbm>> -> memref<256x128xf32, #tpu.memory_space<hbm>>
      %dma_start3A_68 = arith.constant 0 : i32
      %dma_start3A_69 = tpu.memref_slice %arg14[%mul3A_62, %dma_start3A_68] : memref<4096x128xf32, #tpu.memory_space<vmem_shared>> -> memref<256x128xf32, #tpu.memory_space<vmem_shared>>
      tpu.enqueue_dma source(%dma_start3A_69 : memref<256x128xf32, #tpu.memory_space<vmem_shared>>) target(%dma_start3A_67 : memref<256x128xf32, #tpu.memory_space<hbm>>) target_semaphore(%run_scoped3A : memref<!tpu.dma_semaphore, #tpu.memory_space<semaphore_mem>>)
      %dma_wait3A_70 = arith.constant 0 : i32
      %dma_wait3A_71 = tpu.memref_slice %arg6[%arg0, %mul3A_64, %dma_wait3A_70] : memref<2x4096x128xf32, #tpu.memory_space<hbm>> -> memref<1x256x128xf32, #tpu.memory_space<hbm>>
      %dma_wait3A_72 = tpu.memref_squeeze %dma_wait3A_71 : memref<1x256x128xf32, #tpu.memory_space<hbm>> -> memref<256x128xf32, #tpu.memory_space<hbm>>
      %dma_wait3A_73 = arith.constant 0 : i32
      %dma_wait3A_74 = tpu.memref_slice %arg14[%mul3A_62, %dma_wait3A_73] : memref<4096x128xf32, #tpu.memory_space<vmem_shared>> -> memref<256x128xf32, #tpu.memory_space<vmem_shared>>
      tpu.wait_dma2 semaphore(%run_scoped3A : memref<!tpu.dma_semaphore, #tpu.memory_space<semaphore_mem>>) src(%dma_wait3A_74 : memref<256x128xf32, #tpu.memory_space<vmem_shared>>) dst(%dma_wait3A_72 : memref<256x128xf32, #tpu.memory_space<hbm>>)
      tpu.yield
    }) : () -> ()
    return
  }
}

module attributes {stable_mosaic.version = 14 : i64} {
  func.func @_c0_body(%arg0: memref<2x8192x1xf32, #tpu.memory_space<vmem>>, %arg1: memref<4096x1xf32, #tpu.memory_space<vmem>>, %arg2: memref<4096x1xf32, #tpu.memory_space<vmem>>, %arg3: memref<4096x1xf32, #tpu.memory_space<vmem>>, %arg4: memref<4096x1xf32, #tpu.memory_space<vmem>>) attributes {dimension_semantics = [], scalar_prefetch = 0 : i64, scratch_operands = 0 : i64, tpu.core_type = #tpu.core_type<tc>} {
    %get3A = arith.constant 0 : index
    %get3A_0 = arith.constant 0 : index
    %get3A_1 = arith.constant 0 : index
    %get3A_2 = vector.load %arg0[%get3A, %get3A_0, %get3A_1] : memref<2x8192x1xf32, #tpu.memory_space<vmem>>, vector<2x8192x1xf32>
    %slice3A = vector.extract_strided_slice %get3A_2 {offsets = [0, 0, 0], sizes = [1, 8192, 1], strides = [1, 1, 1]} : vector<2x8192x1xf32> to vector<1x8192x1xf32>
    %squeeze3A = vector.shape_cast %slice3A : vector<1x8192x1xf32> to vector<8192x1xf32>
    %slice3A_3 = vector.extract_strided_slice %get3A_2 {offsets = [1, 0, 0], sizes = [1, 8192, 1], strides = [1, 1, 1]} : vector<2x8192x1xf32> to vector<1x8192x1xf32>
    %squeeze3A_4 = vector.shape_cast %slice3A_3 : vector<1x8192x1xf32> to vector<8192x1xf32>
    %add3A = arith.addf %squeeze3A, %squeeze3A_4 : vector<8192x1xf32>
    %add3A_5 = arith.constant 1.000000e+00 : f32
    %add3A_6 = vector.broadcast %add3A_5 : f32 to vector<8192x1xf32>
    %add3A_7 = arith.addf %add3A, %add3A_6 : vector<8192x1xf32>
    %rsqrt3A = math.rsqrt %add3A_7 : vector<8192x1xf32>
    %slice3A_8 = vector.extract_strided_slice %rsqrt3A {offsets = [0, 0], sizes = [4096, 1], strides = [1, 1]} : vector<8192x1xf32> to vector<4096x1xf32>
    %swap3A = arith.constant 0 : index
    %swap3A_9 = arith.constant 0 : index
    %swap3A_10 = vector.load %arg2[%swap3A, %swap3A_9] : memref<4096x1xf32, #tpu.memory_space<vmem>>, vector<4096x1xf32>
    tpu.vector_store %arg2[%swap3A, %swap3A_9], %slice3A_8 {strides = array<i32>} : memref<4096x1xf32, #tpu.memory_space<vmem>>, vector<4096x1xf32>,
    %slice3A_11 = vector.extract_strided_slice %rsqrt3A {offsets = [4096, 0], sizes = [4096, 1], strides = [1, 1]} : vector<8192x1xf32> to vector<4096x1xf32>
    %swap3A_12 = arith.constant 0 : index
    %swap3A_13 = arith.constant 0 : index
    %swap3A_14 = vector.load %arg3[%swap3A_12, %swap3A_13] : memref<4096x1xf32, #tpu.memory_space<vmem>>, vector<4096x1xf32>
    tpu.vector_store %arg3[%swap3A_12, %swap3A_13], %slice3A_11 {strides = array<i32>} : memref<4096x1xf32, #tpu.memory_space<vmem>>, vector<4096x1xf32>,
    %get3A_15 = arith.constant 0 : index
    %get3A_16 = arith.constant 0 : index
    %get3A_17 = vector.load %arg1[%get3A_15, %get3A_16] : memref<4096x1xf32, #tpu.memory_space<vmem>>, vector<4096x1xf32>
    %mul3A = arith.mulf %slice3A_8, %get3A_17 : vector<4096x1xf32>
    %swap3A_18 = arith.constant 0 : index
    %swap3A_19 = arith.constant 0 : index
    %swap3A_20 = vector.load %arg4[%swap3A_18, %swap3A_19] : memref<4096x1xf32, #tpu.memory_space<vmem>>, vector<4096x1xf32>
    tpu.vector_store %arg4[%swap3A_18, %swap3A_19], %mul3A {strides = array<i32>} : memref<4096x1xf32, #tpu.memory_space<vmem>>, vector<4096x1xf32>,
    return
  }
}

module attributes {stable_mosaic.version = 14 : i64} {
  func.func @_c1_body(%arg0: memref<2x4096x1xf32, #tpu.memory_space<vmem>>, %arg1: memref<4096x1xf32, #tpu.memory_space<vmem>>, %arg2: memref<4096x1xf32, #tpu.memory_space<vmem>>, %arg3: memref<4096x1xf32, #tpu.memory_space<vmem>>, %arg4: memref<4096x1xf32, #tpu.memory_space<vmem>>, %arg5: memref<4096x128xf32, #tpu.memory_space<vmem>>) attributes {dimension_semantics = [], scalar_prefetch = 0 : i64, scratch_operands = 0 : i64, tpu.core_type = #tpu.core_type<tc>} {
    %get3A = arith.constant 0 : index
    %get3A_0 = arith.constant 0 : index
    %get3A_1 = arith.constant 0 : index
    %get3A_2 = vector.load %arg0[%get3A, %get3A_0, %get3A_1] : memref<2x4096x1xf32, #tpu.memory_space<vmem>>, vector<2x4096x1xf32>
    %get3A_3 = arith.constant 0 : index
    %get3A_4 = arith.constant 0 : index
    %get3A_5 = vector.load %arg3[%get3A_3, %get3A_4] : memref<4096x1xf32, #tpu.memory_space<vmem>>, vector<4096x1xf32>
    %get3A_6 = arith.constant 0 : index
    %get3A_7 = arith.constant 0 : index
    %get3A_8 = vector.load %arg2[%get3A_6, %get3A_7] : memref<4096x1xf32, #tpu.memory_space<vmem>>, vector<4096x1xf32>
    %slice3A = vector.extract_strided_slice %get3A_2 {offsets = [0, 0, 0], sizes = [1, 4096, 1], strides = [1, 1, 1]} : vector<2x4096x1xf32> to vector<1x4096x1xf32>
    %squeeze3A = vector.shape_cast %slice3A : vector<1x4096x1xf32> to vector<4096x1xf32>
    %slice3A_9 = vector.extract_strided_slice %get3A_2 {offsets = [1, 0, 0], sizes = [1, 4096, 1], strides = [1, 1, 1]} : vector<2x4096x1xf32> to vector<1x4096x1xf32>
    %squeeze3A_10 = vector.shape_cast %slice3A_9 : vector<1x4096x1xf32> to vector<4096x1xf32>
    %add3A = arith.addf %squeeze3A, %squeeze3A_10 : vector<4096x1xf32>
    %get3A_11 = arith.constant 0 : index
    %get3A_12 = arith.constant 0 : index
    %get3A_13 = vector.load %arg1[%get3A_11, %get3A_12] : memref<4096x1xf32, #tpu.memory_space<vmem>>, vector<4096x1xf32>
    %add3A_14 = arith.addf %add3A, %get3A_13 : vector<4096x1xf32>
    %mul3A = arith.mulf %get3A_8, %add3A_14 : vector<4096x1xf32>
    %swap3A = arith.constant 0 : index
    %swap3A_15 = arith.constant 0 : index
    %swap3A_16 = vector.load %arg4[%swap3A, %swap3A_15] : memref<4096x1xf32, #tpu.memory_space<vmem>>, vector<4096x1xf32>
    tpu.vector_store %arg4[%swap3A, %swap3A_15], %mul3A {strides = array<i32>} : memref<4096x1xf32, #tpu.memory_space<vmem>>, vector<4096x1xf32>,
    %mul3A_17 = arith.mulf %get3A_5, %mul3A : vector<4096x1xf32>
    %broadcast_in_dim3A = arith.constant 0.000000e+00 : f32
    %broadcast_in_dim3A_18 = vector.broadcast %broadcast_in_dim3A : f32 to vector<4096x1xf32>
    %iota3A = tpu.iota {dimensions = array<i32: 0>} : vector<4096x1xi32>
    %lt3A = arith.constant 2048 : i32
    %lt3A_19 = vector.broadcast %lt3A : i32 to vector<4096x1xi32>
    %lt3A_20 = arith.cmpi slt, %iota3A, %lt3A_19 : vector<4096x1xi32>
    %concatenate3A = tpu.concatenate %mul3A_17, %get3A_5, %broadcast_in_dim3A_18, %broadcast_in_dim3A_18 in 1 : vector<4096x1xf32>, vector<4096x1xf32>, vector<4096x1xf32>, vector<4096x1xf32> -> vector<4096x4xf32>
    %concatenate3A_21 = tpu.concatenate %broadcast_in_dim3A_18, %broadcast_in_dim3A_18, %mul3A_17, %get3A_5 in 1 : vector<4096x1xf32>, vector<4096x1xf32>, vector<4096x1xf32>, vector<4096x1xf32> -> vector<4096x4xf32>
    %broadcast_in_dim3A_22 = vector.shape_cast %lt3A_20 : vector<4096x1xi1> to vector<4096x1xi1>
    %broadcast_in_dim3A_23 = vector.broadcast %broadcast_in_dim3A_22 : vector<4096x1xi1> to vector<4096x4xi1>
    %select_n3A = arith.select %broadcast_in_dim3A_23, %concatenate3A, %concatenate3A_21 : vector<4096x4xi1>, vector<4096x4xf32>
    %broadcast_in_dim3A_24 = arith.constant 0.000000e+00 : f32
    %broadcast_in_dim3A_25 = vector.broadcast %broadcast_in_dim3A_24 : f32 to vector<4096x124xf32>
    %concatenate3A_26 = tpu.concatenate %select_n3A, %broadcast_in_dim3A_25 in 1 : vector<4096x4xf32>, vector<4096x124xf32> -> vector<4096x128xf32>
    %swap3A_27 = arith.constant 0 : index
    %swap3A_28 = arith.constant 0 : index
    %swap3A_29 = vector.load %arg5[%swap3A_27, %swap3A_28] : memref<4096x128xf32, #tpu.memory_space<vmem>>, vector<4096x128xf32>
    tpu.vector_store %arg5[%swap3A_27, %swap3A_28], %concatenate3A_26 {strides = array<i32>} : memref<4096x128xf32, #tpu.memory_space<vmem>>, vector<4096x128xf32>,
    return
  }
}

module attributes {stable_mosaic.version = 14 : i64} {
  func.func @_c2_body(%arg0: memref<2x4096x128xf32, #tpu.memory_space<vmem>>, %arg1: memref<4096x1xf32, #tpu.memory_space<vmem>>, %arg2: memref<4096x1xf32, #tpu.memory_space<vmem>>, %arg3: memref<4096x1xf32, #tpu.memory_space<vmem>>, %arg4: memref<1x64xf32, #tpu.memory_space<vmem>>, %arg5: memref<1x64xf32, #tpu.memory_space<vmem>>, %arg6: memref<1x64xf32, #tpu.memory_space<vmem>>, %arg7: memref<1x64xf32, #tpu.memory_space<vmem>>, %arg8: memref<64x64xf32, #tpu.memory_space<vmem>>, %arg9: memref<1x64xf32, #tpu.memory_space<vmem>>, %arg10: memref<4096x64xf32, #tpu.memory_space<vmem>>, %arg11: memref<4096x128xf32, #tpu.memory_space<vmem>>) attributes {dimension_semantics = [], scalar_prefetch = 0 : i64, scratch_operands = 0 : i64, tpu.core_type = #tpu.core_type<tc>} {
    %get3A = arith.constant 0 : index
    %get3A_0 = arith.constant 0 : index
    %get3A_1 = arith.constant 0 : index
    %get3A_2 = vector.load %arg0[%get3A, %get3A_0, %get3A_1] : memref<2x4096x128xf32, #tpu.memory_space<vmem>>, vector<2x4096x128xf32>
    %slice3A = vector.extract_strided_slice %get3A_2 {offsets = [0, 0, 0], sizes = [1, 4096, 4], strides = [1, 1, 1]} : vector<2x4096x128xf32> to vector<1x4096x4xf32>
    %squeeze3A = vector.shape_cast %slice3A : vector<1x4096x4xf32> to vector<4096x4xf32>
    %slice3A_3 = vector.extract_strided_slice %get3A_2 {offsets = [1, 0, 0], sizes = [1, 4096, 4], strides = [1, 1, 1]} : vector<2x4096x128xf32> to vector<1x4096x4xf32>
    %squeeze3A_4 = vector.shape_cast %slice3A_3 : vector<1x4096x4xf32> to vector<4096x4xf32>
    %add3A = arith.addf %squeeze3A, %squeeze3A_4 : vector<4096x4xf32>
    %get3A_5 = arith.constant 0 : index
    %get3A_6 = arith.constant 0 : index
    %get3A_7 = vector.load %arg3[%get3A_5, %get3A_6] : memref<4096x1xf32, #tpu.memory_space<vmem>>, vector<4096x1xf32>
    %get3A_8 = arith.constant 0 : index
    %get3A_9 = arith.constant 0 : index
    %get3A_10 = vector.load %arg1[%get3A_8, %get3A_9] : memref<4096x1xf32, #tpu.memory_space<vmem>>, vector<4096x1xf32>
    %iota3A = tpu.iota {dimensions = array<i32: 0>} : vector<4096x1xi32>
    %lt3A = arith.constant 2048 : i32
    %lt3A_11 = vector.broadcast %lt3A : i32 to vector<4096x1xi32>
    %lt3A_12 = arith.cmpi slt, %iota3A, %lt3A_11 : vector<4096x1xi32>
    %get3A_13 = arith.constant 0 : index
    %get3A_14 = arith.constant 0 : index
    %get3A_15 = vector.load %arg4[%get3A_13, %get3A_14] : memref<1x64xf32, #tpu.memory_space<vmem>>, vector<1x64xf32>
    %get3A_16 = arith.constant 0 : index
    %get3A_17 = arith.constant 0 : index
    %get3A_18 = vector.load %arg5[%get3A_16, %get3A_17] : memref<1x64xf32, #tpu.memory_space<vmem>>, vector<1x64xf32>
    %get3A_19 = arith.constant 0 : index
    %get3A_20 = arith.constant 0 : index
    %get3A_21 = vector.load %arg6[%get3A_19, %get3A_20] : memref<1x64xf32, #tpu.memory_space<vmem>>, vector<1x64xf32>
    %get3A_22 = arith.constant 0 : index
    %get3A_23 = arith.constant 0 : index
    %get3A_24 = vector.load %arg7[%get3A_22, %get3A_23] : memref<1x64xf32, #tpu.memory_space<vmem>>, vector<1x64xf32>
    %concatenate3A = tpu.concatenate %get3A_15, %get3A_18, %get3A_21, %get3A_24 in 0 : vector<1x64xf32>, vector<1x64xf32>, vector<1x64xf32>, vector<1x64xf32> -> vector<4x64xf32>
    %get3A_25 = arith.constant 0 : index
    %get3A_26 = arith.constant 0 : index
    %get3A_27 = vector.load %arg4[%get3A_25, %get3A_26] : memref<1x64xf32, #tpu.memory_space<vmem>>, vector<1x64xf32>
    %get3A_28 = arith.constant 0 : index
    %get3A_29 = arith.constant 0 : index
    %get3A_30 = vector.load %arg6[%get3A_28, %get3A_29] : memref<1x64xf32, #tpu.memory_space<vmem>>, vector<1x64xf32>
    %broadcast_in_dim3A = vector.shape_cast %lt3A_12 : vector<4096x1xi1> to vector<4096x1xi1>
    %broadcast_in_dim3A_31 = vector.broadcast %broadcast_in_dim3A : vector<4096x1xi1> to vector<4096x64xi1>
    %broadcast_in_dim3A_32 = vector.shape_cast %get3A_27 : vector<1x64xf32> to vector<1x64xf32>
    %broadcast_in_dim3A_33 = vector.broadcast %broadcast_in_dim3A_32 : vector<1x64xf32> to vector<4096x64xf32>
    %broadcast_in_dim3A_34 = vector.shape_cast %get3A_30 : vector<1x64xf32> to vector<1x64xf32>
    %broadcast_in_dim3A_35 = vector.broadcast %broadcast_in_dim3A_34 : vector<1x64xf32> to vector<4096x64xf32>
    %select_n3A = arith.select %broadcast_in_dim3A_31, %broadcast_in_dim3A_33, %broadcast_in_dim3A_35 : vector<4096x64xi1>, vector<4096x64xf32>
    %get3A_36 = arith.constant 0 : index
    %get3A_37 = arith.constant 0 : index
    %get3A_38 = vector.load %arg5[%get3A_36, %get3A_37] : memref<1x64xf32, #tpu.memory_space<vmem>>, vector<1x64xf32>
    %get3A_39 = arith.constant 0 : index
    %get3A_40 = arith.constant 0 : index
    %get3A_41 = vector.load %arg7[%get3A_39, %get3A_40] : memref<1x64xf32, #tpu.memory_space<vmem>>, vector<1x64xf32>
    %broadcast_in_dim3A_42 = vector.shape_cast %lt3A_12 : vector<4096x1xi1> to vector<4096x1xi1>
    %broadcast_in_dim3A_43 = vector.broadcast %broadcast_in_dim3A_42 : vector<4096x1xi1> to vector<4096x64xi1>
    %broadcast_in_dim3A_44 = vector.shape_cast %get3A_38 : vector<1x64xf32> to vector<1x64xf32>
    %broadcast_in_dim3A_45 = vector.broadcast %broadcast_in_dim3A_44 : vector<1x64xf32> to vector<4096x64xf32>
    %broadcast_in_dim3A_46 = vector.shape_cast %get3A_41 : vector<1x64xf32> to vector<1x64xf32>
    %broadcast_in_dim3A_47 = vector.broadcast %broadcast_in_dim3A_46 : vector<1x64xf32> to vector<4096x64xf32>
    %select_n3A_48 = arith.select %broadcast_in_dim3A_43, %broadcast_in_dim3A_45, %broadcast_in_dim3A_47 : vector<4096x64xi1>, vector<4096x64xf32>
    %mul3A = vector.broadcast %get3A_10 : vector<4096x1xf32> to vector<4096x64xf32>
    %mul3A_49 = arith.mulf %mul3A, %select_n3A : vector<4096x64xf32>
    %add3A_50 = arith.addf %mul3A_49, %select_n3A_48 : vector<4096x64xf32>
    %dot_general3A = arith.constant dense<0.000000e+00> : vector<4096x64xf32>
    %dot_general3A_51 = tpu.matmul %add3A, %concatenate3A, %dot_general3A {dimension_numbers = #tpu.dot_dimension_numbers<[1], [0], [0], [1], [0, 0, 1, 1], [], []>, precision = #tpu.contract_precision<fp32>, transpose_lhs_hint = false} : vector<4096x4xf32>, vector<4x64xf32>, vector<4096x64xf32> -> vector<4096x64xf32>
    %mul3A_52 = vector.broadcast %get3A_7 : vector<4096x1xf32> to vector<4096x64xf32>
    %mul3A_53 = arith.mulf %mul3A_52, %dot_general3A_51 : vector<4096x64xf32>
    %mul3A_54 = arith.mulf %get3A_7, %get3A_7 : vector<4096x1xf32>
    %mul3A_55 = vector.broadcast %mul3A_54 : vector<4096x1xf32> to vector<4096x64xf32>
    %mul3A_56 = arith.mulf %mul3A_55, %add3A_50 : vector<4096x64xf32>
    %add3A_57 = arith.addf %mul3A_53, %mul3A_56 : vector<4096x64xf32>
    %get3A_58 = arith.constant 0 : index
    %get3A_59 = arith.constant 0 : index
    %get3A_60 = vector.load %arg8[%get3A_58, %get3A_59] : memref<64x64xf32, #tpu.memory_space<vmem>>, vector<64x64xf32>
    %dot_general3A_61 = arith.constant dense<0.000000e+00> : vector<4096x64xf32>
    %dot_general3A_62 = tpu.matmul %add3A_57, %get3A_60, %dot_general3A_61 {dimension_numbers = #tpu.dot_dimension_numbers<[1], [0], [0], [1], [0, 0, 1, 1], [], []>, precision = #tpu.contract_precision<fp32>, transpose_lhs_hint = false} : vector<4096x64xf32>, vector<64x64xf32>, vector<4096x64xf32> -> vector<4096x64xf32>
    %get3A_63 = arith.constant 0 : index
    %get3A_64 = arith.constant 0 : index
    %get3A_65 = vector.load %arg9[%get3A_63, %get3A_64] : memref<1x64xf32, #tpu.memory_space<vmem>>, vector<1x64xf32>
    %add3A_66 = vector.broadcast %get3A_65 : vector<1x64xf32> to vector<4096x64xf32>
    %add3A_67 = arith.addf %dot_general3A_62, %add3A_66 : vector<4096x64xf32>
    %max3A = arith.constant 0.000000e+00 : f32
    %max3A_68 = vector.broadcast %max3A : f32 to vector<4096x64xf32>
    %max3A_69 = arith.maximumf %add3A_67, %max3A_68 : vector<4096x64xf32>
    %swap3A = arith.constant 0 : index
    %swap3A_70 = arith.constant 0 : index
    %swap3A_71 = vector.load %arg10[%swap3A, %swap3A_70] : memref<4096x64xf32, #tpu.memory_space<vmem>>, vector<4096x64xf32>
    tpu.vector_store %arg10[%swap3A, %swap3A_70], %max3A_69 {strides = array<i32>} : memref<4096x64xf32, #tpu.memory_space<vmem>>, vector<4096x64xf32>,
    %get3A_72 = arith.constant 0 : index
    %get3A_73 = arith.constant 0 : index
    %get3A_74 = vector.load %arg2[%get3A_72, %get3A_73] : memref<4096x1xf32, #tpu.memory_space<vmem>>, vector<4096x1xf32>
    %mul3A_75 = vector.broadcast %get3A_74 : vector<4096x1xf32> to vector<4096x64xf32>
    %mul3A_76 = arith.mulf %mul3A_75, %max3A_69 : vector<4096x64xf32>
    %broadcast_in_dim3A_77 = arith.constant 0.000000e+00 : f32
    %broadcast_in_dim3A_78 = vector.broadcast %broadcast_in_dim3A_77 : f32 to vector<4096x64xf32>
    %concatenate3A_79 = tpu.concatenate %mul3A_76, %broadcast_in_dim3A_78 in 1 : vector<4096x64xf32>, vector<4096x64xf32> -> vector<4096x128xf32>
    %swap3A_80 = arith.constant 0 : index
    %swap3A_81 = arith.constant 0 : index
    %swap3A_82 = vector.load %arg11[%swap3A_80, %swap3A_81] : memref<4096x128xf32, #tpu.memory_space<vmem>>, vector<4096x128xf32>
    tpu.vector_store %arg11[%swap3A_80, %swap3A_81], %concatenate3A_79 {strides = array<i32>} : memref<4096x128xf32, #tpu.memory_space<vmem>>, vector<4096x128xf32>,
    return
  }
}

module attributes {stable_mosaic.version = 14 : i64} {
  func.func @_c3_body(%arg0: memref<2x4096x128xf32, #tpu.memory_space<vmem>>, %arg1: memref<4096x64xf32, #tpu.memory_space<vmem>>, %arg2: memref<4096x1xf32, #tpu.memory_space<vmem>>, %arg3: memref<4096x1xf32, #tpu.memory_space<vmem>>, %arg4: memref<64x64xf32, #tpu.memory_space<vmem>>, %arg5: memref<1x64xf32, #tpu.memory_space<vmem>>, %arg6: memref<64x64xf32, #tpu.memory_space<vmem>>, %arg7: memref<1x64xf32, #tpu.memory_space<vmem>>, %arg8: memref<4096x64xf32, #tpu.memory_space<vmem>>, %arg9: memref<4096x128xf32, #tpu.memory_space<vmem>>) attributes {dimension_semantics = [], scalar_prefetch = 0 : i64, scratch_operands = 0 : i64, tpu.core_type = #tpu.core_type<tc>} {
    %get3A = arith.constant 0 : index
    %get3A_0 = arith.constant 0 : index
    %get3A_1 = arith.constant 0 : index
    %get3A_2 = vector.load %arg0[%get3A, %get3A_0, %get3A_1] : memref<2x4096x128xf32, #tpu.memory_space<vmem>>, vector<2x4096x128xf32>
    %slice3A = vector.extract_strided_slice %get3A_2 {offsets = [0, 0, 0], sizes = [1, 4096, 64], strides = [1, 1, 1]} : vector<2x4096x128xf32> to vector<1x4096x64xf32>
    %squeeze3A = vector.shape_cast %slice3A : vector<1x4096x64xf32> to vector<4096x64xf32>
    %slice3A_3 = vector.extract_strided_slice %get3A_2 {offsets = [1, 0, 0], sizes = [1, 4096, 64], strides = [1, 1, 1]} : vector<2x4096x128xf32> to vector<1x4096x64xf32>
    %squeeze3A_4 = vector.shape_cast %slice3A_3 : vector<1x4096x64xf32> to vector<4096x64xf32>
    %add3A = arith.addf %squeeze3A, %squeeze3A_4 : vector<4096x64xf32>
    %get3A_5 = arith.constant 0 : index
    %get3A_6 = arith.constant 0 : index
    %get3A_7 = vector.load %arg2[%get3A_5, %get3A_6] : memref<4096x1xf32, #tpu.memory_space<vmem>>, vector<4096x1xf32>
    %get3A_8 = arith.constant 0 : index
    %get3A_9 = arith.constant 0 : index
    %get3A_10 = vector.load %arg1[%get3A_8, %get3A_9] : memref<4096x64xf32, #tpu.memory_space<vmem>>, vector<4096x64xf32>
    %mul3A = vector.broadcast %get3A_7 : vector<4096x1xf32> to vector<4096x64xf32>
    %mul3A_11 = arith.mulf %mul3A, %add3A : vector<4096x64xf32>
    %mul3A_12 = arith.mulf %get3A_7, %get3A_7 : vector<4096x1xf32>
    %mul3A_13 = vector.broadcast %mul3A_12 : vector<4096x1xf32> to vector<4096x64xf32>
    %mul3A_14 = arith.mulf %mul3A_13, %get3A_10 : vector<4096x64xf32>
    %add3A_15 = arith.addf %mul3A_11, %mul3A_14 : vector<4096x64xf32>
    %get3A_16 = arith.constant 0 : index
    %get3A_17 = arith.constant 0 : index
    %get3A_18 = vector.load %arg4[%get3A_16, %get3A_17] : memref<64x64xf32, #tpu.memory_space<vmem>>, vector<64x64xf32>
    %dot_general3A = arith.constant dense<0.000000e+00> : vector<4096x64xf32>
    %dot_general3A_19 = tpu.matmul %add3A_15, %get3A_18, %dot_general3A {dimension_numbers = #tpu.dot_dimension_numbers<[1], [0], [0], [1], [0, 0, 1, 1], [], []>, precision = #tpu.contract_precision<fp32>, transpose_lhs_hint = false} : vector<4096x64xf32>, vector<64x64xf32>, vector<4096x64xf32> -> vector<4096x64xf32>
    %get3A_20 = arith.constant 0 : index
    %get3A_21 = arith.constant 0 : index
    %get3A_22 = vector.load %arg5[%get3A_20, %get3A_21] : memref<1x64xf32, #tpu.memory_space<vmem>>, vector<1x64xf32>
    %add3A_23 = vector.broadcast %get3A_22 : vector<1x64xf32> to vector<4096x64xf32>
    %add3A_24 = arith.addf %dot_general3A_19, %add3A_23 : vector<4096x64xf32>
    %get3A_25 = arith.constant 0 : index
    %get3A_26 = arith.constant 0 : index
    %get3A_27 = vector.load %arg6[%get3A_25, %get3A_26] : memref<64x64xf32, #tpu.memory_space<vmem>>, vector<64x64xf32>
    %dot_general3A_28 = arith.constant dense<0.000000e+00> : vector<4096x64xf32>
    %dot_general3A_29 = tpu.matmul %add3A_15, %get3A_27, %dot_general3A_28 {dimension_numbers = #tpu.dot_dimension_numbers<[1], [0], [0], [1], [0, 0, 1, 1], [], []>, precision = #tpu.contract_precision<fp32>, transpose_lhs_hint = false} : vector<4096x64xf32>, vector<64x64xf32>, vector<4096x64xf32> -> vector<4096x64xf32>
    %get3A_30 = arith.constant 0 : index
    %get3A_31 = arith.constant 0 : index
    %get3A_32 = vector.load %arg7[%get3A_30, %get3A_31] : memref<1x64xf32, #tpu.memory_space<vmem>>, vector<1x64xf32>
    %add3A_33 = vector.broadcast %get3A_32 : vector<1x64xf32> to vector<4096x64xf32>
    %add3A_34 = arith.addf %dot_general3A_29, %add3A_33 : vector<4096x64xf32>
    %iota3A = tpu.iota {dimensions = array<i32: 0>} : vector<4096x1xi32>
    %lt3A = arith.constant 2048 : i32
    %lt3A_35 = vector.broadcast %lt3A : i32 to vector<4096x1xi32>
    %lt3A_36 = arith.cmpi slt, %iota3A, %lt3A_35 : vector<4096x1xi32>
    %broadcast_in_dim3A = vector.shape_cast %lt3A_36 : vector<4096x1xi1> to vector<4096x1xi1>
    %broadcast_in_dim3A_37 = vector.broadcast %broadcast_in_dim3A : vector<4096x1xi1> to vector<4096x64xi1>
    %select_n3A = arith.select %broadcast_in_dim3A_37, %add3A_24, %add3A_34 : vector<4096x64xi1>, vector<4096x64xf32>
    %swap3A = arith.constant 0 : index
    %swap3A_38 = arith.constant 0 : index
    %swap3A_39 = vector.load %arg8[%swap3A, %swap3A_38] : memref<4096x64xf32, #tpu.memory_space<vmem>>, vector<4096x64xf32>
    tpu.vector_store %arg8[%swap3A, %swap3A_38], %select_n3A {strides = array<i32>} : memref<4096x64xf32, #tpu.memory_space<vmem>>, vector<4096x64xf32>,
    %get3A_40 = arith.constant 0 : index
    %get3A_41 = arith.constant 0 : index
    %get3A_42 = vector.load %arg3[%get3A_40, %get3A_41] : memref<4096x1xf32, #tpu.memory_space<vmem>>, vector<4096x1xf32>
    %mul3A_43 = vector.broadcast %get3A_42 : vector<4096x1xf32> to vector<4096x64xf32>
    %mul3A_44 = arith.mulf %mul3A_43, %select_n3A : vector<4096x64xf32>
    %broadcast_in_dim3A_45 = arith.constant 0.000000e+00 : f32
    %broadcast_in_dim3A_46 = vector.broadcast %broadcast_in_dim3A_45 : f32 to vector<4096x64xf32>
    %concatenate3A = tpu.concatenate %mul3A_44, %broadcast_in_dim3A_46 in 1 : vector<4096x64xf32>, vector<4096x64xf32> -> vector<4096x128xf32>
    %swap3A_47 = arith.constant 0 : index
    %swap3A_48 = arith.constant 0 : index
    %swap3A_49 = vector.load %arg9[%swap3A_47, %swap3A_48] : memref<4096x128xf32, #tpu.memory_space<vmem>>, vector<4096x128xf32>
    tpu.vector_store %arg9[%swap3A_47, %swap3A_48], %concatenate3A {strides = array<i32>} : memref<4096x128xf32, #tpu.memory_space<vmem>>, vector<4096x128xf32>,
    return
  }
}

module attributes {stable_mosaic.version = 14 : i64} {
  func.func @_c4_body(%arg0: memref<2x4096x128xf32, #tpu.memory_space<vmem>>, %arg1: memref<4096x64xf32, #tpu.memory_space<vmem>>, %arg2: memref<4096x1xf32, #tpu.memory_space<vmem>>, %arg3: memref<64x64xf32, #tpu.memory_space<vmem>>, %arg4: memref<1x64xf32, #tpu.memory_space<vmem>>, %arg5: memref<64x32xf32, #tpu.memory_space<vmem>>, %arg6: memref<1x32xf32, #tpu.memory_space<vmem>>, %arg7: memref<64x32xf32, #tpu.memory_space<vmem>>, %arg8: memref<1x32xf32, #tpu.memory_space<vmem>>, %arg9: memref<2x32x32xf32, #tpu.memory_space<vmem>>, %arg10: memref<5x2xf32, #tpu.memory_space<vmem>>, %arg11: memref<2048x32xf32, #tpu.memory_space<vmem>>, %arg12: memref<5x32x2048xf32, #tpu.memory_space<vmem>>) attributes {dimension_semantics = [], scalar_prefetch = 0 : i64, scratch_operands = 0 : i64, tpu.core_type = #tpu.core_type<tc>} {
    %get3A = arith.constant 0 : index
    %get3A_0 = arith.constant 0 : index
    %get3A_1 = arith.constant 0 : index
    %get3A_2 = vector.load %arg0[%get3A, %get3A_0, %get3A_1] : memref<2x4096x128xf32, #tpu.memory_space<vmem>>, vector<2x4096x128xf32>
    %slice3A = vector.extract_strided_slice %get3A_2 {offsets = [0, 0, 0], sizes = [1, 4096, 64], strides = [1, 1, 1]} : vector<2x4096x128xf32> to vector<1x4096x64xf32>
    %squeeze3A = vector.shape_cast %slice3A : vector<1x4096x64xf32> to vector<4096x64xf32>
    %slice3A_3 = vector.extract_strided_slice %get3A_2 {offsets = [1, 0, 0], sizes = [1, 4096, 64], strides = [1, 1, 1]} : vector<2x4096x128xf32> to vector<1x4096x64xf32>
    %squeeze3A_4 = vector.shape_cast %slice3A_3 : vector<1x4096x64xf32> to vector<4096x64xf32>
    %add3A = arith.addf %squeeze3A, %squeeze3A_4 : vector<4096x64xf32>
    %get3A_5 = arith.constant 0 : index
    %get3A_6 = arith.constant 0 : index
    %get3A_7 = vector.load %arg2[%get3A_5, %get3A_6] : memref<4096x1xf32, #tpu.memory_space<vmem>>, vector<4096x1xf32>
    %get3A_8 = arith.constant 0 : index
    %get3A_9 = arith.constant 0 : index
    %get3A_10 = vector.load %arg1[%get3A_8, %get3A_9] : memref<4096x64xf32, #tpu.memory_space<vmem>>, vector<4096x64xf32>
    %mul3A = vector.broadcast %get3A_7 : vector<4096x1xf32> to vector<4096x64xf32>
    %mul3A_11 = arith.mulf %mul3A, %add3A : vector<4096x64xf32>
    %mul3A_12 = arith.mulf %get3A_7, %get3A_7 : vector<4096x1xf32>
    %mul3A_13 = vector.broadcast %mul3A_12 : vector<4096x1xf32> to vector<4096x64xf32>
    %mul3A_14 = arith.mulf %mul3A_13, %get3A_10 : vector<4096x64xf32>
    %add3A_15 = arith.addf %mul3A_11, %mul3A_14 : vector<4096x64xf32>
    %get3A_16 = arith.constant 0 : index
    %get3A_17 = arith.constant 0 : index
    %get3A_18 = vector.load %arg3[%get3A_16, %get3A_17] : memref<64x64xf32, #tpu.memory_space<vmem>>, vector<64x64xf32>
    %dot_general3A = arith.constant dense<0.000000e+00> : vector<4096x64xf32>
    %dot_general3A_19 = tpu.matmul %add3A_15, %get3A_18, %dot_general3A {dimension_numbers = #tpu.dot_dimension_numbers<[1], [0], [0], [1], [0, 0, 1, 1], [], []>, precision = #tpu.contract_precision<fp32>, transpose_lhs_hint = false} : vector<4096x64xf32>, vector<64x64xf32>, vector<4096x64xf32> -> vector<4096x64xf32>
    %get3A_20 = arith.constant 0 : index
    %get3A_21 = arith.constant 0 : index
    %get3A_22 = vector.load %arg4[%get3A_20, %get3A_21] : memref<1x64xf32, #tpu.memory_space<vmem>>, vector<1x64xf32>
    %add3A_23 = vector.broadcast %get3A_22 : vector<1x64xf32> to vector<4096x64xf32>
    %add3A_24 = arith.addf %dot_general3A_19, %add3A_23 : vector<4096x64xf32>
    %slice3A_25 = vector.extract_strided_slice %add3A_24 {offsets = [0, 0], sizes = [2048, 64], strides = [1, 1]} : vector<4096x64xf32> to vector<2048x64xf32>
    %get3A_26 = arith.constant 0 : index
    %get3A_27 = arith.constant 0 : index
    %get3A_28 = vector.load %arg5[%get3A_26, %get3A_27] : memref<64x32xf32, #tpu.memory_space<vmem>>, vector<64x32xf32>
    %dot_general3A_29 = arith.constant dense<0.000000e+00> : vector<2048x32xf32>
    %dot_general3A_30 = tpu.matmul %slice3A_25, %get3A_28, %dot_general3A_29 {dimension_numbers = #tpu.dot_dimension_numbers<[1], [0], [0], [1], [0, 0, 1, 1], [], []>, precision = #tpu.contract_precision<fp32>, transpose_lhs_hint = false} : vector<2048x64xf32>, vector<64x32xf32>, vector<2048x32xf32> -> vector<2048x32xf32>
    %get3A_31 = arith.constant 0 : index
    %get3A_32 = arith.constant 0 : index
    %get3A_33 = vector.load %arg6[%get3A_31, %get3A_32] : memref<1x32xf32, #tpu.memory_space<vmem>>, vector<1x32xf32>
    %add3A_34 = vector.broadcast %get3A_33 : vector<1x32xf32> to vector<2048x32xf32>
    %add3A_35 = arith.addf %dot_general3A_30, %add3A_34 : vector<2048x32xf32>
    %slice3A_36 = vector.extract_strided_slice %add3A_24 {offsets = [2048, 0], sizes = [2048, 64], strides = [1, 1]} : vector<4096x64xf32> to vector<2048x64xf32>
    %get3A_37 = arith.constant 0 : index
    %get3A_38 = arith.constant 0 : index
    %get3A_39 = vector.load %arg7[%get3A_37, %get3A_38] : memref<64x32xf32, #tpu.memory_space<vmem>>, vector<64x32xf32>
    %dot_general3A_40 = arith.constant dense<0.000000e+00> : vector<2048x32xf32>
    %dot_general3A_41 = tpu.matmul %slice3A_36, %get3A_39, %dot_general3A_40 {dimension_numbers = #tpu.dot_dimension_numbers<[1], [0], [0], [1], [0, 0, 1, 1], [], []>, precision = #tpu.contract_precision<fp32>, transpose_lhs_hint = false} : vector<2048x64xf32>, vector<64x32xf32>, vector<2048x32xf32> -> vector<2048x32xf32>
    %get3A_42 = arith.constant 0 : index
    %get3A_43 = arith.constant 0 : index
    %get3A_44 = vector.load %arg8[%get3A_42, %get3A_43] : memref<1x32xf32, #tpu.memory_space<vmem>>, vector<1x32xf32>
    %add3A_45 = vector.broadcast %get3A_44 : vector<1x32xf32> to vector<2048x32xf32>
    %add3A_46 = arith.addf %dot_general3A_41, %add3A_45 : vector<2048x32xf32>
    %swap3A = arith.constant 0 : index
    %swap3A_47 = arith.constant 0 : index
    %swap3A_48 = vector.load %arg11[%swap3A, %swap3A_47] : memref<2048x32xf32, #tpu.memory_space<vmem>>, vector<2048x32xf32>
    tpu.vector_store %arg11[%swap3A, %swap3A_47], %add3A_35 {strides = array<i32>} : memref<2048x32xf32, #tpu.memory_space<vmem>>, vector<2048x32xf32>,
    %get3A_49 = arith.constant 0 : index
    %get3A_50 = arith.constant 0 : index
    %get3A_51 = arith.constant 0 : index
    %get3A_52 = vector.load %arg9[%get3A_49, %get3A_50, %get3A_51] : memref<2x32x32xf32, #tpu.memory_space<vmem>>, vector<2x32x32xf32>
    %get3A_53 = arith.constant 0 : index
    %get3A_54 = arith.constant 0 : index
    %get3A_55 = vector.load %arg10[%get3A_53, %get3A_54] : memref<5x2xf32, #tpu.memory_space<vmem>>, vector<5x2xf32>
    %slice3A_56 = vector.extract_strided_slice %get3A_55 {offsets = [0, 0], sizes = [1, 1], strides = [1, 1]} : vector<5x2xf32> to vector<1x1xf32>
    %squeeze3A_57 = vector.extract %slice3A_56[0, 0] : f32 from vector<1x1xf32>
    %slice3A_58 = vector.extract_strided_slice %get3A_52 {offsets = [0, 0, 0], sizes = [1, 32, 32], strides = [1, 1, 1]} : vector<2x32x32xf32> to vector<1x32x32xf32>
    %squeeze3A_59 = vector.shape_cast %slice3A_58 : vector<1x32x32xf32> to vector<32x32xf32>
    %mul3A_60 = vector.broadcast %squeeze3A_57 : f32 to vector<32x32xf32>
    %mul3A_61 = arith.mulf %mul3A_60, %squeeze3A_59 : vector<32x32xf32>
    %slice3A_62 = vector.extract_strided_slice %get3A_55 {offsets = [0, 1], sizes = [1, 1], strides = [1, 1]} : vector<5x2xf32> to vector<1x1xf32>
    %squeeze3A_63 = vector.extract %slice3A_62[0, 0] : f32 from vector<1x1xf32>
    %slice3A_64 = vector.extract_strided_slice %get3A_52 {offsets = [1, 0, 0], sizes = [1, 32, 32], strides = [1, 1, 1]} : vector<2x32x32xf32> to vector<1x32x32xf32>
    %squeeze3A_65 = vector.shape_cast %slice3A_64 : vector<1x32x32xf32> to vector<32x32xf32>
    %mul3A_66 = vector.broadcast %squeeze3A_63 : f32 to vector<32x32xf32>
    %mul3A_67 = arith.mulf %mul3A_66, %squeeze3A_65 : vector<32x32xf32>
    %add3A_68 = arith.addf %mul3A_61, %mul3A_67 : vector<32x32xf32>
    %dot_general3A_69 = arith.constant dense<0.000000e+00> : vector<32x2048xf32>
    %dot_general3A_70 = tpu.matmul %add3A_68, %add3A_46, %dot_general3A_69 {dimension_numbers = #tpu.dot_dimension_numbers<[1], [1], [0], [0], [0, 0, 1, 0], [], []>, precision = #tpu.contract_precision<fp32>, transpose_lhs_hint = false} : vector<32x32xf32>, vector<2048x32xf32>, vector<32x2048xf32> -> vector<32x2048xf32>
    %swap3A_71 = arith.constant 0 : index
    %swap3A_72 = arith.constant 0 : index
    %swap3A_73 = arith.constant 0 : index
    %swap3A_74 = vector.load %arg12[%swap3A_71, %swap3A_72, %swap3A_73] : memref<5x32x2048xf32, #tpu.memory_space<vmem>>, vector<1x32x2048xf32>
    %swap3A_75 = vector.shape_cast %swap3A_74 : vector<1x32x2048xf32> to vector<32x2048xf32>
    %swap3A_76 = vector.shape_cast %dot_general3A_70 : vector<32x2048xf32> to vector<1x32x2048xf32>
    tpu.vector_store %arg12[%swap3A_71, %swap3A_72, %swap3A_73], %swap3A_76 {strides = array<i32>} : memref<5x32x2048xf32, #tpu.memory_space<vmem>>, vector<1x32x2048xf32>,
    %slice3A_77 = vector.extract_strided_slice %get3A_55 {offsets = [1, 0], sizes = [1, 1], strides = [1, 1]} : vector<5x2xf32> to vector<1x1xf32>
    %squeeze3A_78 = vector.extract %slice3A_77[0, 0] : f32 from vector<1x1xf32>
    %slice3A_79 = vector.extract_strided_slice %get3A_52 {offsets = [0, 0, 0], sizes = [1, 32, 32], strides = [1, 1, 1]} : vector<2x32x32xf32> to vector<1x32x32xf32>
    %squeeze3A_80 = vector.shape_cast %slice3A_79 : vector<1x32x32xf32> to vector<32x32xf32>
    %mul3A_81 = vector.broadcast %squeeze3A_78 : f32 to vector<32x32xf32>
    %mul3A_82 = arith.mulf %mul3A_81, %squeeze3A_80 : vector<32x32xf32>
    %slice3A_83 = vector.extract_strided_slice %get3A_55 {offsets = [1, 1], sizes = [1, 1], strides = [1, 1]} : vector<5x2xf32> to vector<1x1xf32>
    %squeeze3A_84 = vector.extract %slice3A_83[0, 0] : f32 from vector<1x1xf32>
    %slice3A_85 = vector.extract_strided_slice %get3A_52 {offsets = [1, 0, 0], sizes = [1, 32, 32], strides = [1, 1, 1]} : vector<2x32x32xf32> to vector<1x32x32xf32>
    %squeeze3A_86 = vector.shape_cast %slice3A_85 : vector<1x32x32xf32> to vector<32x32xf32>
    %mul3A_87 = vector.broadcast %squeeze3A_84 : f32 to vector<32x32xf32>
    %mul3A_88 = arith.mulf %mul3A_87, %squeeze3A_86 : vector<32x32xf32>
    %add3A_89 = arith.addf %mul3A_82, %mul3A_88 : vector<32x32xf32>
    %dot_general3A_90 = arith.constant dense<0.000000e+00> : vector<32x2048xf32>
    %dot_general3A_91 = tpu.matmul %add3A_89, %add3A_46, %dot_general3A_90 {dimension_numbers = #tpu.dot_dimension_numbers<[1], [1], [0], [0], [0, 0, 1, 0], [], []>, precision = #tpu.contract_precision<fp32>, transpose_lhs_hint = false} : vector<32x32xf32>, vector<2048x32xf32>, vector<32x2048xf32> -> vector<32x2048xf32>
    %swap3A_92 = arith.constant 1 : index
    %swap3A_93 = arith.constant 0 : index
    %swap3A_94 = arith.constant 0 : index
    %swap3A_95 = vector.load %arg12[%swap3A_92, %swap3A_93, %swap3A_94] : memref<5x32x2048xf32, #tpu.memory_space<vmem>>, vector<1x32x2048xf32>
    %swap3A_96 = vector.shape_cast %swap3A_95 : vector<1x32x2048xf32> to vector<32x2048xf32>
    %swap3A_97 = vector.shape_cast %dot_general3A_91 : vector<32x2048xf32> to vector<1x32x2048xf32>
    tpu.vector_store %arg12[%swap3A_92, %swap3A_93, %swap3A_94], %swap3A_97 {strides = array<i32>} : memref<5x32x2048xf32, #tpu.memory_space<vmem>>, vector<1x32x2048xf32>,
    %slice3A_98 = vector.extract_strided_slice %get3A_55 {offsets = [2, 0], sizes = [1, 1], strides = [1, 1]} : vector<5x2xf32> to vector<1x1xf32>
    %squeeze3A_99 = vector.extract %slice3A_98[0, 0] : f32 from vector<1x1xf32>
    %slice3A_100 = vector.extract_strided_slice %get3A_52 {offsets = [0, 0, 0], sizes = [1, 32, 32], strides = [1, 1, 1]} : vector<2x32x32xf32> to vector<1x32x32xf32>
    %squeeze3A_101 = vector.shape_cast %slice3A_100 : vector<1x32x32xf32> to vector<32x32xf32>
    %mul3A_102 = vector.broadcast %squeeze3A_99 : f32 to vector<32x32xf32>
    %mul3A_103 = arith.mulf %mul3A_102, %squeeze3A_101 : vector<32x32xf32>
    %slice3A_104 = vector.extract_strided_slice %get3A_55 {offsets = [2, 1], sizes = [1, 1], strides = [1, 1]} : vector<5x2xf32> to vector<1x1xf32>
    %squeeze3A_105 = vector.extract %slice3A_104[0, 0] : f32 from vector<1x1xf32>
    %slice3A_106 = vector.extract_strided_slice %get3A_52 {offsets = [1, 0, 0], sizes = [1, 32, 32], strides = [1, 1, 1]} : vector<2x32x32xf32> to vector<1x32x32xf32>
    %squeeze3A_107 = vector.shape_cast %slice3A_106 : vector<1x32x32xf32> to vector<32x32xf32>
    %mul3A_108 = vector.broadcast %squeeze3A_105 : f32 to vector<32x32xf32>
    %mul3A_109 = arith.mulf %mul3A_108, %squeeze3A_107 : vector<32x32xf32>
    %add3A_110 = arith.addf %mul3A_103, %mul3A_109 : vector<32x32xf32>
    %dot_general3A_111 = arith.constant dense<0.000000e+00> : vector<32x2048xf32>
    %dot_general3A_112 = tpu.matmul %add3A_110, %add3A_46, %dot_general3A_111 {dimension_numbers = #tpu.dot_dimension_numbers<[1], [1], [0], [0], [0, 0, 1, 0], [], []>, precision = #tpu.contract_precision<fp32>, transpose_lhs_hint = false} : vector<32x32xf32>, vector<2048x32xf32>, vector<32x2048xf32> -> vector<32x2048xf32>
    %swap3A_113 = arith.constant 2 : index
    %swap3A_114 = arith.constant 0 : index
    %swap3A_115 = arith.constant 0 : index
    %swap3A_116 = vector.load %arg12[%swap3A_113, %swap3A_114, %swap3A_115] : memref<5x32x2048xf32, #tpu.memory_space<vmem>>, vector<1x32x2048xf32>
    %swap3A_117 = vector.shape_cast %swap3A_116 : vector<1x32x2048xf32> to vector<32x2048xf32>
    %swap3A_118 = vector.shape_cast %dot_general3A_112 : vector<32x2048xf32> to vector<1x32x2048xf32>
    tpu.vector_store %arg12[%swap3A_113, %swap3A_114, %swap3A_115], %swap3A_118 {strides = array<i32>} : memref<5x32x2048xf32, #tpu.memory_space<vmem>>, vector<1x32x2048xf32>,
    %slice3A_119 = vector.extract_strided_slice %get3A_55 {offsets = [3, 0], sizes = [1, 1], strides = [1, 1]} : vector<5x2xf32> to vector<1x1xf32>
    %squeeze3A_120 = vector.extract %slice3A_119[0, 0] : f32 from vector<1x1xf32>
    %slice3A_121 = vector.extract_strided_slice %get3A_52 {offsets = [0, 0, 0], sizes = [1, 32, 32], strides = [1, 1, 1]} : vector<2x32x32xf32> to vector<1x32x32xf32>
    %squeeze3A_122 = vector.shape_cast %slice3A_121 : vector<1x32x32xf32> to vector<32x32xf32>
    %mul3A_123 = vector.broadcast %squeeze3A_120 : f32 to vector<32x32xf32>
    %mul3A_124 = arith.mulf %mul3A_123, %squeeze3A_122 : vector<32x32xf32>
    %slice3A_125 = vector.extract_strided_slice %get3A_55 {offsets = [3, 1], sizes = [1, 1], strides = [1, 1]} : vector<5x2xf32> to vector<1x1xf32>
    %squeeze3A_126 = vector.extract %slice3A_125[0, 0] : f32 from vector<1x1xf32>
    %slice3A_127 = vector.extract_strided_slice %get3A_52 {offsets = [1, 0, 0], sizes = [1, 32, 32], strides = [1, 1, 1]} : vector<2x32x32xf32> to vector<1x32x32xf32>
    %squeeze3A_128 = vector.shape_cast %slice3A_127 : vector<1x32x32xf32> to vector<32x32xf32>
    %mul3A_129 = vector.broadcast %squeeze3A_126 : f32 to vector<32x32xf32>
    %mul3A_130 = arith.mulf %mul3A_129, %squeeze3A_128 : vector<32x32xf32>
    %add3A_131 = arith.addf %mul3A_124, %mul3A_130 : vector<32x32xf32>
    %dot_general3A_132 = arith.constant dense<0.000000e+00> : vector<32x2048xf32>
    %dot_general3A_133 = tpu.matmul %add3A_131, %add3A_46, %dot_general3A_132 {dimension_numbers = #tpu.dot_dimension_numbers<[1], [1], [0], [0], [0, 0, 1, 0], [], []>, precision = #tpu.contract_precision<fp32>, transpose_lhs_hint = false} : vector<32x32xf32>, vector<2048x32xf32>, vector<32x2048xf32> -> vector<32x2048xf32>
    %swap3A_134 = arith.constant 3 : index
    %swap3A_135 = arith.constant 0 : index
    %swap3A_136 = arith.constant 0 : index
    %swap3A_137 = vector.load %arg12[%swap3A_134, %swap3A_135, %swap3A_136] : memref<5x32x2048xf32, #tpu.memory_space<vmem>>, vector<1x32x2048xf32>
    %swap3A_138 = vector.shape_cast %swap3A_137 : vector<1x32x2048xf32> to vector<32x2048xf32>
    %swap3A_139 = vector.shape_cast %dot_general3A_133 : vector<32x2048xf32> to vector<1x32x2048xf32>
    tpu.vector_store %arg12[%swap3A_134, %swap3A_135, %swap3A_136], %swap3A_139 {strides = array<i32>} : memref<5x32x2048xf32, #tpu.memory_space<vmem>>, vector<1x32x2048xf32>,
    %slice3A_140 = vector.extract_strided_slice %get3A_55 {offsets = [4, 0], sizes = [1, 1], strides = [1, 1]} : vector<5x2xf32> to vector<1x1xf32>
    %squeeze3A_141 = vector.extract %slice3A_140[0, 0] : f32 from vector<1x1xf32>
    %slice3A_142 = vector.extract_strided_slice %get3A_52 {offsets = [0, 0, 0], sizes = [1, 32, 32], strides = [1, 1, 1]} : vector<2x32x32xf32> to vector<1x32x32xf32>
    %squeeze3A_143 = vector.shape_cast %slice3A_142 : vector<1x32x32xf32> to vector<32x32xf32>
    %mul3A_144 = vector.broadcast %squeeze3A_141 : f32 to vector<32x32xf32>
    %mul3A_145 = arith.mulf %mul3A_144, %squeeze3A_143 : vector<32x32xf32>
    %slice3A_146 = vector.extract_strided_slice %get3A_55 {offsets = [4, 1], sizes = [1, 1], strides = [1, 1]} : vector<5x2xf32> to vector<1x1xf32>
    %squeeze3A_147 = vector.extract %slice3A_146[0, 0] : f32 from vector<1x1xf32>
    %slice3A_148 = vector.extract_strided_slice %get3A_52 {offsets = [1, 0, 0], sizes = [1, 32, 32], strides = [1, 1, 1]} : vector<2x32x32xf32> to vector<1x32x32xf32>
    %squeeze3A_149 = vector.shape_cast %slice3A_148 : vector<1x32x32xf32> to vector<32x32xf32>
    %mul3A_150 = vector.broadcast %squeeze3A_147 : f32 to vector<32x32xf32>
    %mul3A_151 = arith.mulf %mul3A_150, %squeeze3A_149 : vector<32x32xf32>
    %add3A_152 = arith.addf %mul3A_145, %mul3A_151 : vector<32x32xf32>
    %dot_general3A_153 = arith.constant dense<0.000000e+00> : vector<32x2048xf32>
    %dot_general3A_154 = tpu.matmul %add3A_152, %add3A_46, %dot_general3A_153 {dimension_numbers = #tpu.dot_dimension_numbers<[1], [1], [0], [0], [0, 0, 1, 0], [], []>, precision = #tpu.contract_precision<fp32>, transpose_lhs_hint = false} : vector<32x32xf32>, vector<2048x32xf32>, vector<32x2048xf32> -> vector<32x2048xf32>
    %swap3A_155 = arith.constant 4 : index
    %swap3A_156 = arith.constant 0 : index
    %swap3A_157 = arith.constant 0 : index
    %swap3A_158 = vector.load %arg12[%swap3A_155, %swap3A_156, %swap3A_157] : memref<5x32x2048xf32, #tpu.memory_space<vmem>>, vector<1x32x2048xf32>
    %swap3A_159 = vector.shape_cast %swap3A_158 : vector<1x32x2048xf32> to vector<32x2048xf32>
    %swap3A_160 = vector.shape_cast %dot_general3A_154 : vector<32x2048xf32> to vector<1x32x2048xf32>
    tpu.vector_store %arg12[%swap3A_155, %swap3A_156, %swap3A_157], %swap3A_160 {strides = array<i32>} : memref<5x32x2048xf32, #tpu.memory_space<vmem>>, vector<1x32x2048xf32>,
    return
  }
}

module attributes {stable_mosaic.version = 14 : i64} {
  func.func @_c5_body(%arg0: i32, %arg1: memref<2048x32xf32, #tpu.memory_space<vmem>>, %arg2: memref<32x1280xf32, #tpu.memory_space<vmem>>, %arg3: memref<2048x1280xf32, #tpu.memory_space<vmem>>) attributes {dimension_semantics = [#tpu.dimension_semantics<arbitrary>], iteration_bounds = array<i64: 8>, scalar_prefetch = 0 : i64, scratch_operands = 0 : i64, tpu.core_type = #tpu.core_type<tc>, window_params = [{pipeline_mode = #tpu.pipeline_mode<synchronous>, transform_indices = @transform_0, window_bounds = array<i64: 2048, 32>}, {transform_indices = @transform_1, window_bounds = array<i64: 32, 1280>}, {transform_indices = @transform_2, window_bounds = array<i64: 2048, 1280>}]} {
    %get3A = arith.constant 0 : index
    %get3A_0 = arith.constant 0 : index
    %get3A_1 = vector.load %arg1[%get3A, %get3A_0] : memref<2048x32xf32, #tpu.memory_space<vmem>>, vector<2048x32xf32>
    %get3A_2 = arith.constant 0 : index
    %get3A_3 = arith.constant 0 : index
    %get3A_4 = vector.load %arg2[%get3A_2, %get3A_3] : memref<32x1280xf32, #tpu.memory_space<vmem>>, vector<32x1280xf32>
    %dot_general3A = arith.constant dense<0.000000e+00> : vector<2048x1280xf32>
    %dot_general3A_5 = tpu.matmul %get3A_1, %get3A_4, %dot_general3A {dimension_numbers = #tpu.dot_dimension_numbers<[1], [0], [0], [1], [0, 0, 1, 1], [], []>, precision = #tpu.contract_precision<fp32>, transpose_lhs_hint = false} : vector<2048x32xf32>, vector<32x1280xf32>, vector<2048x1280xf32> -> vector<2048x1280xf32>
    %swap3A = arith.constant 0 : index
    %swap3A_6 = arith.constant 0 : index
    %swap3A_7 = vector.load %arg3[%swap3A, %swap3A_6] : memref<2048x1280xf32, #tpu.memory_space<vmem>>, vector<2048x1280xf32>
    tpu.vector_store %arg3[%swap3A, %swap3A_6], %dot_general3A_5 {strides = array<i32>} : memref<2048x1280xf32, #tpu.memory_space<vmem>>, vector<2048x1280xf32>,
    return
  }
  func.func @transform_0(%arg0: i32) -> (i32, i32) {
    %c0_i32 = arith.constant 0 : i32
    %c0_i32_0 = arith.constant 0 : i32
    %c0_i32_1 = arith.constant 0 : i32
    return %c0_i32, %c0_i32_0 : i32, i32
  }
  func.func @transform_1(%arg0: i32) -> (i32, i32) {
    %c0_i32 = arith.constant 0 : i32
    %c0_i32_0 = arith.constant 0 : i32
    return %c0_i32, %arg0 : i32, i32
  }
  func.func @transform_2(%arg0: i32) -> (i32, i32) {
    %c0_i32 = arith.constant 0 : i32
    %c0_i32_0 = arith.constant 0 : i32
    return %c0_i32, %arg0 : i32, i32
  }
}

</mosaic_0001>

<sc_bundles>
// kernel: kernel.13.cloned.1.call-start
scs
__scs_entry_jumppad:
0x0: {  	(pc) =	sbr.rel $0x88, $3  }
0x1: {  	(tag) =	ssettag $0x0;
	lr =	simm.s32 $0x1  }
0x2: {  	[smem:$0x3F8B] =	sst lr;
	_ =	strace $0xD0000000  }
0x3: {  	_ = 	snop  }
0x4: {  	_ = 	snop  }
0x5: {  	_ = 	snop  }
0x6: {  	_ = 	snop  }
0x7: {  	_ = 	snop  }
__scs_overlays_trampoline_lowered:
0x8: {  	[smem:$0x3F9A] =	sst s0  }
0x9: {  	[smem:$0x3F9B] =	sst s1  }
0xa: {  	[smem:$0x3F9C] =	sst s2  }
0xb: {  	[smem:$0x3F9D] =	sst s3  }
0xc: {  	[smem:$0x3F9E] =	sst s4  }
0xd: {  	[smem:$0x3F9F] =	sst s5  }
0xe: {  	[smem:$0x3FA0] =	sst s6  }
0xf: {  	[smem:$0x3FA1] =	sst s7  }
0x10: {  	[smem:$0x3FA2] =	sst s8  }
0x11: {  	[smem:$0x3FA3] =	sst s9;
	s0 =	simm.s32 @!p0 $0x0  }
0x12: {  	s1 =	sld [smem:$0x3F89];
	s0 =	simm.s32 @p0 $0x1  }
0x13: {  	[smem:$0x3FA4] =	sst s0;
	s0 =	simm.s32 @!p1 $0x0  }
0x14: {  	s2 =	sld [smem:$0x3F88];
	s0 =	simm.s32 @p1 $0x1  }
0x15: {  	[smem:$0x3FA5] =	sst s0;
	s0 =	simm.s32 @!p2 $0x0  }
0x16: {  	s3 =	sld [smem:$0x3FDB];
	s0 =	simm.s32 @p2 $0x1  }
0x17: {  	s4 =	simm.s32 $0x1BF5;
	[smem:$0x3FA7] =	sst s0  }
0x18: {  	s0 =	sld [smem:$0x3F8A];
	_ =	swait.ge [sflag:s4], $0x0  }
0x19: {  	s7 =	sld [smem:$0x3F8B]  }
0x1a: {  	s8 =	sadd.s32 $0xFFFFE003, lr  }
0x1b: {  	s9 =	sadd.s32 $0xFFFFFEF7, lr;
	s5 =	simm.s32 $0xFFFFFFFF;
	p2 =	slt.u32 s8, $0xFFFFF086  }
0x1c: {  	p1 =	slt.u32 s9, $0xF7A;
	s5 =	simm.s32 @!p2 $0x0  }
0x1d: {  	s5 =	simm.s32 @p1 $0x1;
	p0 =	seq.s32 s7, s2  }
0x1e: {  	s7 =	smul.u32 @!p0 $0xF7A, s2;
	p2 =	seq.s32 @!p0 s5, $0x0  }
0x1f: {  	s9 =	smul.u32 $0xF7A, s1;
	s8 =	simm.s32 @!p0 $0x1BF5;
	p2 =	por !p2, p0  }
0x20: {  	[sflag:s8] =	ssyncset.s32 @!p0 $0xFFFFF086;
	s6 =	sadd.s32 @!p0 s3, s7;
	s7 =	simm.s32 @!p0 $0x108  }
0x21: {  	s3 =	sadd.s32 s3, s9;
	s6 =	sadd.s32 @!p0 $0x88, s6;
	s7 =	simm.s32 @p2 $0x1082  }
0x22: {  	[simem:s7], [sflag:s8] =	dma.local @!p0 [hbm:s6], $0xF7A  }
0x23: {  	s9 =	sor.u32 $0xD0000000, s2;
	s6 =	simm.s32 $0x108;
	_ =	swait.ge @!p0 [sflag:s8], $0x0  }
0x24: {  	s3 =	sadd.s32 $0x88, s3;
	s6 =	simm.s32 @!p1 $0x1082;
	[sflag:s4] =	ssyncset.s32 $0xFFFFF086  }
0x25: {  	[simem:s6], [sflag:s4] =	dma.local [hbm:s3], $0xF7A  }
0x26: {  	[smem:$0x3F8B] =	sst s1;
	(tag) =	ssettag s2;
	_ =	strace s9  }
0x27: {  	s1 =	sld [smem:$0x3F9B]  }
0x28: {  	s2 =	sld [smem:$0x3F9C]  }
0x29: {  	s4 =	sld [smem:$0x3F9E]  }
0x2a: {  	p0 =	seq.s32 s5, $0x0;
	s5 =	sld [smem:$0x3F9F]  }
0x2b: {  	s6 =	sld [smem:$0x3FA0]  }
0x2c: {  	s7 =	sld [smem:$0x3FA1]  }
0x2d: {  	s3 =	simm.s32 $0x108;
	s8 =	sld [smem:$0x3FA2]  }
0x2e: {  	s3 =	simm.s32 @!p0 $0x1082;
	s9 =	sld [smem:$0x3FA3]  }
0x2f: {  	lr =	sadd.s32 s0, s3;
	s0 =	sld [smem:$0x3F9A]  }
0x30: {  	s3 =	sld [smem:$0x3F9D]  }
0x31: {  	[smem:$0x3FA6] =	sst s10  }
0x32: {  	s10 =	sld [smem:$0x3FA4];
	_ =	sdelay $0x3  }
0x33: {  	p0 =	seq.s32 s10, $0x1;
	s10 =	sld [smem:$0x3FA6];
	_ =	sdelay $0x3  }
0x34: {  	[smem:$0x3FA6] =	sst s10  }
0x35: {  	s10 =	sld [smem:$0x3FA5];
	_ =	sdelay $0x3  }
0x36: {  	p1 =	seq.s32 s10, $0x1;
	s10 =	sld [smem:$0x3FA6];
	_ =	sdelay $0x3  }
0x37: {  	[smem:$0x3FA6] =	sst s10  }
0x38: {  	s10 =	sld [smem:$0x3FA7]  }
0x39: {  	_ = 	snop;
	(pc) =	sbr.ind lr, $3  }
0x3a: {  	_ = 	snop  }
0x3b: {  	_ = 	snop  }
0x3c: {  	p2 =	seq.s32 s10, $0x1;
	s10 =	sld [smem:$0x3FA6]  }
0x3d: {  	_ =	shalt  }
0x3e: {  	_ =	shalt  }
0x3f: {  	_ =	shalt  }
0x40: {  	_ =	shalt  }
0x41: {  	_ =	shalt  }
0x42: {  	_ =	shalt  }
0x43: {  	_ =	shalt  }
0x44: {  	_ =	shalt  }
0x45: {  	_ =	shalt  }
0x46: {  	_ =	shalt  }
0x47: {  	_ =	shalt  }
0x48: {  	_ =	shalt  }
0x49: {  	_ =	shalt  }
0x4a: {  	_ =	shalt  }
0x4b: {  	_ =	shalt  }
0x4c: {  	_ =	shalt  }
0x4d: {  	_ =	shalt  }
0x4e: {  	_ =	shalt  }
0x4f: {  	_ =	shalt  }
0x50: {  	_ =	shalt  }
0x51: {  	_ =	shalt  }
0x52: {  	_ =	shalt  }
0x53: {  	_ =	shalt  }
0x54: {  	_ =	shalt  }
0x55: {  	_ =	shalt  }
0x56: {  	_ =	shalt  }
0x57: {  	_ =	shalt  }
0x58: {  	_ =	shalt  }
0x59: {  	_ =	shalt  }
0x5a: {  	_ =	shalt  }
0x5b: {  	_ =	shalt  }
0x5c: {  	_ =	shalt  }
0x5d: {  	_ =	shalt  }
0x5e: {  	_ =	shalt  }
0x5f: {  	_ =	shalt  }
0x60: {  	_ =	shalt  }
0x61: {  	_ =	shalt  }
0x62: {  	_ =	shalt  }
0x63: {  	_ =	shalt  }
0x64: {  	_ =	shalt  }
0x65: {  	_ =	shalt  }
0x66: {  	_ =	shalt  }
0x67: {  	_ =	shalt  }
0x68: {  	_ =	shalt  }
0x69: {  	_ =	shalt  }
0x6a: {  	_ =	shalt  }
0x6b: {  	_ =	shalt  }
0x6c: {  	_ =	shalt  }
0x6d: {  	_ =	shalt  }
0x6e: {  	_ =	shalt  }
0x6f: {  	_ =	shalt  }
0x70: {  	_ =	shalt  }
0x71: {  	_ =	shalt  }
0x72: {  	_ =	shalt  }
0x73: {  	_ =	shalt  }
0x74: {  	_ =	shalt  }
0x75: {  	_ =	shalt  }
0x76: {  	_ =	shalt  }
0x77: {  	_ =	shalt  }
0x78: {  	_ =	shalt  }
0x79: {  	_ =	shalt  }
0x7a: {  	_ =	shalt  }
0x7b: {  	_ =	shalt  }
0x7c: {  	_ =	shalt  }
0x7d: {  	_ =	shalt  }
0x7e: {  	_ =	shalt  }
0x7f: {  	_ =	shalt  }
0x80: {  	_ =	shalt  }
0x81: {  	_ =	shalt  }
0x82: {  	_ =	shalt  }
0x83: {  	_ =	shalt  }
0x84: {  	_ =	shalt  }
0x85: {  	_ =	shalt  }
0x86: {  	_ =	shalt  }
0x87: {  	_ =	shalt  }
.Lfunc_end0:
.L_simem_size_0:
called_computation.1_lowered:
.L_overlay_start_0:
0x88: {  	s2 =	sld [smem:$0x3FD9]  }
0x89: {  	s3 =	sld [smem:$0x3FFE];
	_ =	sdelay $0x1  }
0x8a: {  	s1 =	srdreg.scid  }
0x8b: {  	s0 =	sand.u32 $0x1, s1  }
0x8c: {  	s16 =	sshll.u32 s0, $0xA;
	s2 =	sadd.s32 s3, s2  }
0x8d: {  	s2 =	sadd.s32 s2, s16  }
0x8e: {  	[smem:$0x3FB2] =	sst s2  }
0x8f: {  	_ = 	snop  }
0x90: {  	(tm) =	ssettm $0x1  }
0x91: {  	s17 =	sld [smem:$0x3FFB];
	_ =	sdelay $0x3  }
0x92: {  	_ =	strace s17  }
0x93: {  	s2 =	sld [smem:$0x3FFC];
	_ =	sdelay $0x3  }
0x94: {  	_ =	strace s2  }
0x95: {  	s2 =	sld [smem:$0x3FFD];
	_ =	sdelay $0x3  }
0x96: {  	_ =	strace s2  }
0x97: {  	_ =	strace $0x8FFFFFFF  }
0x98: {  	s18 =	sld [smem:$0x3FDB];
	_ =	sdelay $0x1  }
0x99: {  	s19 =	simm.s32 $_scs_section_size  }
0x9a: {  	s4 =	simm.s32 $_size__tile_overlayer_lowered;
	s5 =	simm.s32 $_tile_overlayer_lowered  }
0x9b: {  	s22 =	simm.s32 $0x1BFF;
	s21 =	sshll.u32 s5, $0x1;
	s2 =	sadd.s32 s19, s18  }
0x9c: {  	s6 =	simm.s32 $0x0;
	s20 =	sshll.u32 s4, $0x1;
	s4 =	sadd.s32 s21, s2  }
0x9d: {  	[timem:s6], [sflag:s22] =	dma.local [hbm:s4], s20  }
0x9e: {  	_ =	swait.ge [sflag:s22], s20  }
0x9f: {  	s3 =	ssub.s32 $0x0, s20;
	[sflag:s22] =	ssyncset.done $0x0  }
0xa0: {  	[sflag:s22] =	ssyncadd.s32 s3;
	_ =	sdelay $0x1  }
0xa1: {  	s23 =	simm.s32 $0x1B8B  }
0xa2: {  	_ =	swait.ge [sflag:s23], $0x1  }
0xa3: {  	[sflag:s23] =	ssyncset.done $0x0  }
0xa4: {  	s25 =	simm.s32 $0x1B8E;
	s24 =	sld [smem:$0x3FFE];
	[sflag:s23] =	ssyncadd.s32 $0xFFFFFFFF  }
0xa5: {  	s26 =	simm.s32 $execute0_lowered;
	[smem:$0x3FD2] =	sst s25  }
0xa6: {  	s4 =	sshll.u32 s26, $0x1;
	_ =	strace $0x80000046;
	[dreg:$0x1] =	wrdreg $0xFFFFFFFF  }
0xa7: {  	s28 =	simm.s32 $_size_execute0_lowered;
	s2 =	sadd.s32 s2, s4;
	[dreg:$0x0] =	wrdreg $0x0  }
0xa8: {  	s4 =	sshll.u32 s28, $0x1;
	[dreg:$0x2] =	wrdreg s2  }
0xa9: {  	[dreg:$0x3] =	wrdreg s4  }
0xaa: {  	[dreg:$0x4] =	wrdreg $0xC0  }
0xab: {  	_ =	task [dreg:s6], $0x5FFFF  }
0xac: {  	[dreg:$0x1] =	wrdreg $0xFFFFFFFF  }
0xad: {  	[dreg:$0x0] =	wrdreg $0x60  }
0xae: {  	[dreg:$0x2] =	wrdreg s24  }
0xaf: {  	[dreg:$0x3] =	wrdreg $0x1800  }
0xb0: {  	[dreg:$0x4] =	wrdreg $0x9  }
0xb1: {  	_ =	task.clear_ibuf [dreg:s6], $0x5FFFF;
	_ =	strace $0x90000046  }
0xb2: {  	s29 =	simm.s32 $0x9;
	_ =	strace $0x80000048  }
0xb3: {  	_ =	swait.ge [sflag:s29], $0x1  }
0xb4: {  	[sflag:s29] =	ssyncadd.s32 $0xFFFFFFFF  }
0xb5: {  	_ =	strace $0x90000048  }
0xb6: {  	_ =	sfence  }
0xb7: {  	s30 =	sld [smem:$0x0];
	_ =	sdelay $0x2  }
0xb8: {  	s31 =	sshll.u32 s1, $0xD;
	s1 =	sshrl.u32 s1, $0x2  }
0xb9: {  	s3 =	sand.u32 $0x4000, s31;
	s1 =	sadd.s32 s1, s30  }
0xba: {  	s0 =	sor.u32 s3, s0;
	s1 =	sshll.u32 s1, $0x11  }
0xbb: {  	s0 =	sor.u32 s1, s0  }
0xbc: {  	s0 =	sadd.s32 $0x8F2B, s0  }
0xbd: {  	[sflag:s0] =	ssyncadd.remote.s32 $0x1  }
0xbe: {  	_ =	sfence.sel $0xFFFF  }
0xbf: {  	[dreg:$0x0] =	wrdreg $0xFFFFFFFF;
	(pc) =	sbr.abs _section_cstart, $3  }
0xc0: {  	[dreg:$0x1] =	wrdreg $0xFFFFFFFF  }
0xc1: {  	_ =	task.clear_ibuf [dreg:s6], $0x2FFFF;
	_ =	strace $0x9FFFFFFF  }
0xc2: {  	(tm) =	ssettm $0x7FFFFFFF  }
0xc3: {  	_ =	shalt  }
tec
execute0_lowered:
.L_overlay_start_1:
0x0: {  	(tag) =	ssettag $0x1  }
0x1: {  	s6 =	rddreg [dreg:$0x0]  }
0x2: {  	s1 =	rddreg [dreg:$0x1]  }
0x3: {  	s0 =	rddreg [dreg:$0x2];
	s3 =	simm.s32 $0x0;
	s2 =	stileid.u32  }
0x4: {  	s7 =	srdreg.scid;
	s17 =	simm.s32 $0x1;
	s18 =	simm.s32 $0x2  }
0x5: {  	s19 =	simm.s32 $0x20;
	s20 =	simm.s32 $0x10;
	s21 =	simm.s32 $0x0  }
0x6: {  	[smem:$0x7FF] =	sst s3;
	s4 =	sadd.s32 $0x14200, s6;
	s5 =	sadd.s32 $0xA200, s6  }
0x7: {  	s8 =	sshll.u32 s2, $0x6;
	s10 =	sand.u32 $0x1, s7;
	s28 =	sshll.u32 s2, $0x1  }
0x8: {  	s13 =	sshll.u32 s2, $0x7;
	s30 =	sshll.u32 s2, $0x9;
	s15 =	smul.u32 $0x5000, s2  }
0x9: {  	_ =	strace $0x80000047;
	s9 =	sadd.s32 s8, s6;
	s11 =	sshll.u32 s10, $0x4  }
0xa: {  	s12 =	ssub.s32 $0x2, s10;
	s7 =	sor.u32 s10, s28;
	s14 =	sadd.s32 s30, s1  }
0xb: {  	s16 =	smul.u32 $0x2800, s10;
	s8 =	sor.u32 $0x1C03, s8;
	s11 =	sadd.s32 s11, s6  }
0xc: {  	s29 =	sshrl.u32 s12, $0x1;
	s7 =	smul.u32 $0x2800, s7;
	s6 =	sadd.s32 $0x14400, s9  }
0xd: {  	s12 =	ssub.s32 s12, s29;
	s31 =	sadd.s32 s13, s11;
	s13 =	sshrl.u32 s14, $0x3  }
0xe: {  	s14 =	simm.s32 $0x3;
	s7 =	sshrl.u32 s7, $0x3;
	s10 =	sadd.s32 $0x14800, s31  }
0xf: {  	s11 =	smax.u32 s12, $0x1;
	s12 =	sadd.s32 s16, s15;
	s7 =	sadd.s32 s5, s7  }
0x10: {  	s15 =	simm.s32 $0x100;
	s16 =	simm.s32 $0x80;
	s9 =	sadd.s32 $0x10, s7  }
.LBB2_1:
0x11: {  	[spmem:s13], [sflag:s8] =	dma.local [hbm:s6], $0x40  }
0x12: {  	_ =	swait.ge [sflag:s14], $0x40  }
0x13: {  	[sflag:s14] =	ssyncset.done $0x0  }
0x14: {  	[sflag:s14] =	ssyncadd.s32 $0xFFFFFFC0  }
0x15: {  	[tilespmem:s15], [sflag:$0x3] =	stream.linear.gather [hbm4b:s4+s3], $0x80, $0x38;
	[tilespmem:$0x380] =	vst v63  }
0x16: {  	_ =	swait.ge [sflag:s14], $0x80  }
0x17: {  	[sflag:s14] =	ssyncset.done $0x0  }
0x18: {  	[sflag:s14] =	ssyncadd.s32 $0xFFFFFF80  }
0x19: {  	[bflag:$0x0] =	sbarrier.arrive $0xFFFF  }
0x1a: {  	[tilespmem:s3], [sflag:$0x1] =	stream.linear.gather [hbm4b:s7+s3], $0x80, $0x38;
	[tilespmem:$0x380] =	vst v63  }
0x1b: {  	_ = 	snop  }
0x1c: {  	[tilespmem:s16], [sflag:$0x2] =	stream.linear.gather [hbm4b:s9+s3], $0x80, $0x38;
	[tilespmem:$0x380] =	vst v63  }
0x1d: {  	_ =	swait.ge [sflag:s17], $0x80  }
0x1e: {  	[sflag:s17] =	ssyncset.done $0x0  }
0x1f: {  	[sflag:s17] =	ssyncadd.s32 $0xFFFFFF80  }
0x20: {  	s22 =	sadd.s32 $0xFFFFD800, s12;
	_ =	swait.ge [sflag:s18], $0x80  }
0x21: {  	s23 =	sadd.s32 $0x2900, s22;
	[sflag:s18] =	ssyncset.done $0x0  }
0x22: {  	p0 =	slt.s32 s23, $0x4FF80;
	[sflag:s18] =	ssyncadd.s32 $0xFFFFFF80  }
0x23: {  	[spmem:s1] =	stream.indirect.scatter.add.f32 [tilespmem:s15], [sflag:$0x3], $0x1, s3, s16, $0xb8;
	[tilespmem:$0x380] =	vst v63  }
0x24: {  	s23 =	simm.s32 @!p0 $0x4FF80;
	_ =	swait.ge [sflag:s14], $0x80  }
0x25: {  	s23 =	sshrl.u32 s23, $0x3;
	[sflag:s14] =	ssyncset.done $0x0  }
0x26: {  	s23 =	sadd.s32 s5, s23;
	[sflag:s14] =	ssyncadd.s32 $0xFFFFFF80  }
0x27: {  	[tilespmem:s3], [sflag:$0x1] =	stream.linear.gather [hbm4b:s23+s3], $0x80, $0x38;
	[tilespmem:$0x380] =	vst v63  }
0x28: {  	s22 =	sadd.s32 $0x2980, s22;
	_ =	swait.ge [sflag:s17], $0x80  }
0x29: {  	p0 =	slt.s32 s22, $0x4FF80;
	[sflag:s17] =	ssyncset.done $0x0  }
0x2a: {  	s22 =	simm.s32 @!p0 $0x4FF80;
	[sflag:s17] =	ssyncadd.s32 $0xFFFFFF80  }
0x2b: {  	[spmem:s1] =	stream.indirect.scatter.add.f32 [tilespmem:s15], [sflag:$0x3], $0x1, s16, s16, $0xb8;
	[tilespmem:$0x380] =	vst v63  }
0x2c: {  	s31 =	sshrl.u32 s22, $0x3;
	_ =	swait.ge [sflag:s14], $0x80  }
0x2d: {  	s22 =	simm.s32 $0xFFFFD900;
	s23 =	sadd.s32 s5, s31;
	[sflag:s14] =	ssyncset.done $0x0  }
.LBB2_2:
0x2e: {  	p0 =	sne.s32 s22, $0xFFFFFF00  }
0x2f: {  	[sflag:s14] =	ssyncadd.s32 $0xFFFFFF80;
	s24 =	smov.u32 s22;
	s22 =	sadd.s32 $0x100, s22  }
0x30: {  	[tilespmem:s16], [sflag:$0x2] =	stream.linear.gather [hbm4b:s23+s3], $0x80, $0x38;
	[tilespmem:$0x380] =	vst v63  }
0x31: {  	_ =	swait.ge [sflag:s18], $0x80  }
0x32: {  	s23 =	sadd.s32 s24, s12;
	[sflag:s18] =	ssyncset.done $0x0  }
0x33: {  	s24 =	sadd.s32 $0x2900, s23;
	s23 =	sadd.s32 $0x2980, s23;
	[sflag:s18] =	ssyncadd.s32 $0xFFFFFF80  }
0x34: {  	[spmem:s1] =	stream.indirect.scatter.add.f32 [tilespmem:s15], [sflag:$0x3], $0x1, s3, s16, $0xb8;
	[tilespmem:$0x380] =	vst v63  }
0x35: {  	p1 =	slt.s32 s24, $0x4FF80;
	p2 =	slt.s32 s23, $0x4FF80;
	_ =	swait.ge [sflag:s14], $0x80  }
0x36: {  	s24 =	simm.s32 @!p1 $0x4FF80;
	s23 =	simm.s32 @!p2 $0x4FF80;
	[sflag:s14] =	ssyncset.done $0x0  }
0x37: {  	s24 =	sshrl.u32 s24, $0x3;
	s23 =	sshrl.u32 s23, $0x3;
	[sflag:s14] =	ssyncadd.s32 $0xFFFFFF80  }
0x38: {  	s24 =	sadd.s32 s5, s24  }
0x39: {  	[tilespmem:s3], [sflag:$0x1] =	stream.linear.gather [hbm4b:s24+s3], $0x80, $0x38;
	[tilespmem:$0x380] =	vst v63  }
0x3a: {  	_ =	swait.ge [sflag:s17], $0x80  }
.Ltmp0:
0x3b: {  	[sflag:s17] =	ssyncset.done $0x0;
	(pc) =	sbr.rel @p0 .LBB2_2-.Ltmp0, $4  }
0x3c: {  	[sflag:s17] =	ssyncadd.s32 $0xFFFFFF80  }
0x3d: {  	[spmem:s1] =	stream.indirect.scatter.add.f32 [tilespmem:s15], [sflag:$0x3], $0x1, s16, s16, $0xb8;
	[tilespmem:$0x380] =	vst v63  }
0x3e: {  	_ =	swait.ge [sflag:s14], $0x80  }
0x3f: {  	s23 =	sadd.s32 s5, s23;
	[sflag:s14] =	ssyncset.done $0x0  }
0x40: {  	[sflag:s14] =	ssyncadd.s32 $0xFFFFFF80  }
0x41: {  	[tilespmem:s16], [sflag:$0x2] =	stream.linear.gather [hbm4b:s23+s3], $0x80, $0x38;
	[tilespmem:$0x380] =	vst v63  }
0x42: {  	_ =	swait.ge [sflag:s18], $0x80  }
0x43: {  	s21 =	sadd.s32 $0x1, s21;
	[sflag:s18] =	ssyncset.done $0x0  }
0x44: {  	p0 =	sne.s32 s21, s11;
	[sflag:s18] =	ssyncadd.s32 $0xFFFFFF80  }
.Ltmp1:
0x45: {  	[bflag:$0x0] =	sbarrier.arrive $0xFFFF;
	(pc) =	sbr.rel @p0 .LBB2_1-.Ltmp1, $4  }
0x46: {  	[hbm:s10@s19], [sflag:s8] =	dma.strided [spmem:s13@s20], $0x40, s17, $0x10   }
0x47: {  	_ =	swait.ge [sflag:s14], $0x40  }
0x48: {  	[sflag:s14] =	ssyncset.done $0x0  }
0x49: {  	[sflag:s14] =	ssyncadd.s32 $0xFFFFFFC0  }
0x4a: {  	_ =	sfence.sel $0x180000  }
0x4b: {  	[bflag:$0x0] =	sbarrier.arrive $0xFFFF  }
0x4c: {  	p0 =	sne.s32 s2, $0x0;
	_ =	strace $0x90000047  }
0x4d: {  	s0 =	sadd.s32 @!p0 $0x100000, s0;
	[bflag:$0x2] =	sbarrier.arrive $0xFFFF  }
0x4e: {  	[sflag:s0] =	ssyncadd.tile.s32 @!p0 $0x1;
	_ =	shalt  }
.Lfunc_end2:
_tile_overlayer_lowered:
.L_overlay_start_2:
0x4f: {  	(tag) =	ssettag $0x2  }
0x50: {  	s0 =	rddreg [dreg:$0x0];
	s2 =	stileid.u32  }
0x51: {  	s1 =	rddreg [dreg:$0x1];
	p0 =	sne.s32 s2, $0x0  }
0x52: {  	s3 =	rddreg [dreg:$0x2];
	[bflag:$0x3] =	sbarrier.arrive $0xFFFF;
	s2 =	simm.s32 @!p0 $0x1C03  }
0x53: {  	[timem:s3], [sflag:s2] =	dma.local @!p0 [hbm:s0], s1  }
0x54: {  	s0 =	simm.s32 @!p0 $0x3  }
0x55: {  	_ =	swait.ge @!p0 [sflag:s0], s1  }
0x56: {  	s1 =	ssub.s32 @!p0 $0x0, s1;
	[sflag:s0] =	ssyncset.done @!p0 $0x0  }
0x57: {  	[sflag:s0] =	ssyncadd.s32 @!p0 s1  }
0x58: {  	[bflag:$0x3] =	sbarrier.arrive $0xFFFF  }
0x59: {  	_ =	shalt  }

// kernel: kernel.16.cloned.1.call-start
scs
__scs_entry_jumppad:
0x0: {  	(pc) =	sbr.rel $0x88, $3  }
0x1: {  	(tag) =	ssettag $0x0;
	lr =	simm.s32 $0x1  }
0x2: {  	[smem:$0x3F8B] =	sst lr;
	_ =	strace $0xD0000000  }
0x3: {  	_ = 	snop  }
0x4: {  	_ = 	snop  }
0x5: {  	_ = 	snop  }
0x6: {  	_ = 	snop  }
0x7: {  	_ = 	snop  }
__scs_overlays_trampoline_lowered:
0x8: {  	[smem:$0x3F9A] =	sst s0  }
0x9: {  	[smem:$0x3F9B] =	sst s1  }
0xa: {  	[smem:$0x3F9C] =	sst s2  }
0xb: {  	[smem:$0x3F9D] =	sst s3  }
0xc: {  	[smem:$0x3F9E] =	sst s4  }
0xd: {  	[smem:$0x3F9F] =	sst s5  }
0xe: {  	[smem:$0x3FA0] =	sst s6  }
0xf: {  	[smem:$0x3FA1] =	sst s7  }
0x10: {  	[smem:$0x3FA2] =	sst s8  }
0x11: {  	[smem:$0x3FA3] =	sst s9;
	s0 =	simm.s32 @!p0 $0x0  }
0x12: {  	s1 =	sld [smem:$0x3F89];
	s0 =	simm.s32 @p0 $0x1  }
0x13: {  	[smem:$0x3FA4] =	sst s0;
	s0 =	simm.s32 @!p1 $0x0  }
0x14: {  	s2 =	sld [smem:$0x3F88];
	s0 =	simm.s32 @p1 $0x1  }
0x15: {  	[smem:$0x3FA5] =	sst s0;
	s0 =	simm.s32 @!p2 $0x0  }
0x16: {  	s3 =	sld [smem:$0x3FDB];
	s0 =	simm.s32 @p2 $0x1  }
0x17: {  	s4 =	simm.s32 $0x1BF5;
	[smem:$0x3FA7] =	sst s0  }
0x18: {  	s0 =	sld [smem:$0x3F8A];
	_ =	swait.ge [sflag:s4], $0x0  }
0x19: {  	s7 =	sld [smem:$0x3F8B]  }
0x1a: {  	s8 =	sadd.s32 $0xFFFFE003, lr  }
0x1b: {  	s9 =	sadd.s32 $0xFFFFFEF7, lr;
	s5 =	simm.s32 $0xFFFFFFFF;
	p2 =	slt.u32 s8, $0xFFFFF086  }
0x1c: {  	p1 =	slt.u32 s9, $0xF7A;
	s5 =	simm.s32 @!p2 $0x0  }
0x1d: {  	s5 =	simm.s32 @p1 $0x1;
	p0 =	seq.s32 s7, s2  }
0x1e: {  	s7 =	smul.u32 @!p0 $0xF7A, s2;
	p2 =	seq.s32 @!p0 s5, $0x0  }
0x1f: {  	s9 =	smul.u32 $0xF7A, s1;
	s8 =	simm.s32 @!p0 $0x1BF5;
	p2 =	por !p2, p0  }
0x20: {  	[sflag:s8] =	ssyncset.s32 @!p0 $0xFFFFF086;
	s6 =	sadd.s32 @!p0 s3, s7;
	s7 =	simm.s32 @!p0 $0x108  }
0x21: {  	s3 =	sadd.s32 s3, s9;
	s6 =	sadd.s32 @!p0 $0x88, s6;
	s7 =	simm.s32 @p2 $0x1082  }
0x22: {  	[simem:s7], [sflag:s8] =	dma.local @!p0 [hbm:s6], $0xF7A  }
0x23: {  	s9 =	sor.u32 $0xD0000000, s2;
	s6 =	simm.s32 $0x108;
	_ =	swait.ge @!p0 [sflag:s8], $0x0  }
0x24: {  	s3 =	sadd.s32 $0x88, s3;
	s6 =	simm.s32 @!p1 $0x1082;
	[sflag:s4] =	ssyncset.s32 $0xFFFFF086  }
0x25: {  	[simem:s6], [sflag:s4] =	dma.local [hbm:s3], $0xF7A  }
0x26: {  	[smem:$0x3F8B] =	sst s1;
	(tag) =	ssettag s2;
	_ =	strace s9  }
0x27: {  	s1 =	sld [smem:$0x3F9B]  }
0x28: {  	s2 =	sld [smem:$0x3F9C]  }
0x29: {  	s4 =	sld [smem:$0x3F9E]  }
0x2a: {  	p0 =	seq.s32 s5, $0x0;
	s5 =	sld [smem:$0x3F9F]  }
0x2b: {  	s6 =	sld [smem:$0x3FA0]  }
0x2c: {  	s7 =	sld [smem:$0x3FA1]  }
0x2d: {  	s3 =	simm.s32 $0x108;
	s8 =	sld [smem:$0x3FA2]  }
0x2e: {  	s3 =	simm.s32 @!p0 $0x1082;
	s9 =	sld [smem:$0x3FA3]  }
0x2f: {  	lr =	sadd.s32 s0, s3;
	s0 =	sld [smem:$0x3F9A]  }
0x30: {  	s3 =	sld [smem:$0x3F9D]  }
0x31: {  	[smem:$0x3FA6] =	sst s10  }
0x32: {  	s10 =	sld [smem:$0x3FA4];
	_ =	sdelay $0x3  }
0x33: {  	p0 =	seq.s32 s10, $0x1;
	s10 =	sld [smem:$0x3FA6];
	_ =	sdelay $0x3  }
0x34: {  	[smem:$0x3FA6] =	sst s10  }
0x35: {  	s10 =	sld [smem:$0x3FA5];
	_ =	sdelay $0x3  }
0x36: {  	p1 =	seq.s32 s10, $0x1;
	s10 =	sld [smem:$0x3FA6];
	_ =	sdelay $0x3  }
0x37: {  	[smem:$0x3FA6] =	sst s10  }
0x38: {  	s10 =	sld [smem:$0x3FA7]  }
0x39: {  	_ = 	snop;
	(pc) =	sbr.ind lr, $3  }
0x3a: {  	_ = 	snop  }
0x3b: {  	_ = 	snop  }
0x3c: {  	p2 =	seq.s32 s10, $0x1;
	s10 =	sld [smem:$0x3FA6]  }
0x3d: {  	_ =	shalt  }
0x3e: {  	_ =	shalt  }
0x3f: {  	_ =	shalt  }
0x40: {  	_ =	shalt  }
0x41: {  	_ =	shalt  }
0x42: {  	_ =	shalt  }
0x43: {  	_ =	shalt  }
0x44: {  	_ =	shalt  }
0x45: {  	_ =	shalt  }
0x46: {  	_ =	shalt  }
0x47: {  	_ =	shalt  }
0x48: {  	_ =	shalt  }
0x49: {  	_ =	shalt  }
0x4a: {  	_ =	shalt  }
0x4b: {  	_ =	shalt  }
0x4c: {  	_ =	shalt  }
0x4d: {  	_ =	shalt  }
0x4e: {  	_ =	shalt  }
0x4f: {  	_ =	shalt  }
0x50: {  	_ =	shalt  }
0x51: {  	_ =	shalt  }
0x52: {  	_ =	shalt  }
0x53: {  	_ =	shalt  }
0x54: {  	_ =	shalt  }
0x55: {  	_ =	shalt  }
0x56: {  	_ =	shalt  }
0x57: {  	_ =	shalt  }
0x58: {  	_ =	shalt  }
0x59: {  	_ =	shalt  }
0x5a: {  	_ =	shalt  }
0x5b: {  	_ =	shalt  }
0x5c: {  	_ =	shalt  }
0x5d: {  	_ =	shalt  }
0x5e: {  	_ =	shalt  }
0x5f: {  	_ =	shalt  }
0x60: {  	_ =	shalt  }
0x61: {  	_ =	shalt  }
0x62: {  	_ =	shalt  }
0x63: {  	_ =	shalt  }
0x64: {  	_ =	shalt  }
0x65: {  	_ =	shalt  }
0x66: {  	_ =	shalt  }
0x67: {  	_ =	shalt  }
0x68: {  	_ =	shalt  }
0x69: {  	_ =	shalt  }
0x6a: {  	_ =	shalt  }
0x6b: {  	_ =	shalt  }
0x6c: {  	_ =	shalt  }
0x6d: {  	_ =	shalt  }
0x6e: {  	_ =	shalt  }
0x6f: {  	_ =	shalt  }
0x70: {  	_ =	shalt  }
0x71: {  	_ =	shalt  }
0x72: {  	_ =	shalt  }
0x73: {  	_ =	shalt  }
0x74: {  	_ =	shalt  }
0x75: {  	_ =	shalt  }
0x76: {  	_ =	shalt  }
0x77: {  	_ =	shalt  }
0x78: {  	_ =	shalt  }
0x79: {  	_ =	shalt  }
0x7a: {  	_ =	shalt  }
0x7b: {  	_ =	shalt  }
0x7c: {  	_ =	shalt  }
0x7d: {  	_ =	shalt  }
0x7e: {  	_ =	shalt  }
0x7f: {  	_ =	shalt  }
0x80: {  	_ =	shalt  }
0x81: {  	_ =	shalt  }
0x82: {  	_ =	shalt  }
0x83: {  	_ =	shalt  }
0x84: {  	_ =	shalt  }
0x85: {  	_ =	shalt  }
0x86: {  	_ =	shalt  }
0x87: {  	_ =	shalt  }
.Lfunc_end0:
.L_simem_size_0:
called_computation.2_lowered:
.L_overlay_start_0:
0x88: {  	s2 =	sld [smem:$0x3FD9]  }
0x89: {  	s3 =	sld [smem:$0x3FFE];
	_ =	sdelay $0x1  }
0x8a: {  	s1 =	srdreg.scid  }
0x8b: {  	s0 =	sand.u32 $0x1, s1  }
0x8c: {  	s17 =	sshll.u32 s0, $0xA;
	s2 =	sadd.s32 s3, s2  }
0x8d: {  	s2 =	sadd.s32 s2, s17  }
0x8e: {  	[smem:$0x3FB2] =	sst s2  }
0x8f: {  	_ = 	snop  }
0x90: {  	s2 =	sld [smem:$0x3FD0];
	(tm) =	ssettm $0x1  }
0x91: {  	s18 =	sld [smem:$0x3FFB];
	_ =	sdelay $0x3  }
0x92: {  	_ =	strace s18  }
0x93: {  	s3 =	sld [smem:$0x3FFC];
	_ =	sdelay $0x3  }
0x94: {  	_ =	strace s3  }
0x95: {  	s3 =	sld [smem:$0x3FFD];
	_ =	sdelay $0x3  }
0x96: {  	_ =	strace s3  }
0x97: {  	_ =	strace $0x8FFFFFFF  }
0x98: {  	s19 =	sld [smem:$0x3FDB];
	_ =	sdelay $0x1  }
0x99: {  	s4 =	simm.s32 $_scs_section_size  }
0x9a: {  	s5 =	simm.s32 $_size__tile_overlayer_lowered;
	s6 =	simm.s32 $_tile_overlayer_lowered  }
0x9b: {  	s22 =	simm.s32 $0x1BFF;
	s21 =	sshll.u32 s6, $0x1;
	s3 =	sadd.s32 s4, s19  }
0x9c: {  	s7 =	simm.s32 $0x0;
	s20 =	sshll.u32 s5, $0x1;
	s5 =	sadd.s32 s21, s3  }
0x9d: {  	[timem:s7], [sflag:s22] =	dma.local [hbm:s5], s20  }
0x9e: {  	_ =	swait.ge [sflag:s22], s20  }
0x9f: {  	s4 =	ssub.s32 $0x0, s20;
	[sflag:s22] =	ssyncset.done $0x0  }
0xa0: {  	[sflag:s22] =	ssyncadd.s32 s4;
	_ =	sdelay $0x1  }
0xa1: {  	s23 =	simm.s32 $0x1B8B  }
0xa2: {  	_ =	swait.ge [sflag:s23], $0x1  }
0xa3: {  	[sflag:s23] =	ssyncset.done $0x0  }
0xa4: {  	s25 =	simm.s32 $0x1B8E;
	s24 =	sld [smem:$0x3FFE];
	[sflag:s23] =	ssyncadd.s32 $0xFFFFFFFF  }
0xa5: {  	s26 =	simm.s32 $execute0_lowered;
	[smem:$0x3FD2] =	sst s25  }
0xa6: {  	s5 =	sshll.u32 s26, $0x1;
	_ =	strace $0x80000049;
	[dreg:$0x1] =	wrdreg $0xFFFFFFFF  }
0xa7: {  	s28 =	simm.s32 $_size_execute0_lowered;
	s3 =	sadd.s32 s3, s5;
	[dreg:$0x0] =	wrdreg $0x0  }
0xa8: {  	s5 =	sshll.u32 s28, $0x1;
	[dreg:$0x2] =	wrdreg s3  }
0xa9: {  	[dreg:$0x3] =	wrdreg s5  }
0xaa: {  	[dreg:$0x4] =	wrdreg $0xC0  }
0xab: {  	_ =	task [dreg:s7], $0x5FFFF  }
0xac: {  	[dreg:$0x1] =	wrdreg $0xFFFFFFFF  }
0xad: {  	[dreg:$0x0] =	wrdreg $0x60  }
0xae: {  	[dreg:$0x2] =	wrdreg s24  }
0xaf: {  	[dreg:$0x3] =	wrdreg s2  }
0xb0: {  	[dreg:$0x4] =	wrdreg $0x4000  }
0xb1: {  	[dreg:$0x5] =	wrdreg $0x3000  }
0xb2: {  	[dreg:$0x6] =	wrdreg $0x9  }
0xb3: {  	_ =	task.clear_ibuf [dreg:s7], $0x7FFFF;
	_ =	strace $0x90000049  }
0xb4: {  	s29 =	simm.s32 $0x9;
	_ =	strace $0x8000004B  }
0xb5: {  	_ =	swait.ge [sflag:s29], $0x1  }
0xb6: {  	[sflag:s29] =	ssyncadd.s32 $0xFFFFFFFF  }
0xb7: {  	_ =	strace $0x9000004B  }
0xb8: {  	_ =	sfence  }
0xb9: {  	s30 =	sld [smem:$0x0];
	_ =	sdelay $0x2  }
0xba: {  	s31 =	sshll.u32 s1, $0xD;
	s1 =	sshrl.u32 s1, $0x2  }
0xbb: {  	s3 =	sand.u32 $0x4000, s31;
	s1 =	sadd.s32 s1, s30  }
0xbc: {  	s0 =	sor.u32 s3, s0;
	s1 =	sshll.u32 s1, $0x11  }
0xbd: {  	s0 =	sor.u32 s1, s0  }
0xbe: {  	s0 =	sadd.s32 $0x8F2B, s0  }
0xbf: {  	[sflag:s0] =	ssyncadd.remote.s32 $0x1  }
0xc0: {  	_ =	sfence.sel $0xFFFF  }
0xc1: {  	[dreg:$0x0] =	wrdreg $0xFFFFFFFF;
	(pc) =	sbr.abs _section_cstart, $3  }
0xc2: {  	[dreg:$0x1] =	wrdreg $0xFFFFFFFF  }
0xc3: {  	_ =	task.clear_ibuf [dreg:s7], $0x2FFFF;
	_ =	strace $0x9FFFFFFF  }
0xc4: {  	(tm) =	ssettm $0x7FFFFFFF  }
0xc5: {  	_ =	shalt  }
tec
execute0_lowered:
.L_overlay_start_1:
0x0: {  	(tag) =	ssettag $0x1  }
0x1: {  	s0 =	rddreg [dreg:$0x0]  }
0x2: {  	s1 =	rddreg [dreg:$0x1]  }
0x3: {  	s2 =	rddreg [dreg:$0x2]  }
0x4: {  	s3 =	rddreg [dreg:$0x3];
	s4 =	simm.s32 $0x0;
	s9 =	stileid.u32  }
0x5: {  	s5 =	srdreg.scid;
	s18 =	simm.s32 $0x5;
	s20 =	simm.s32 $0x100  }
0x6: {  	s21 =	simm.s32 $0x80;
	s22 =	simm.s32 $0x180;
	s23 =	simm.s32 $0x1  }
0x7: {  	s24 =	simm.s32 $0x200;
	s25 =	simm.s32 $0x2;
	s26 =	simm.s32 $0x280  }
0x8: {  	s28 =	simm.s32 $0x3;
	s29 =	simm.s32 $0x4;
	[smem:$0x7FF] =	sst s4  }
0x9: {  	s6 =	sshll.u32 s9, $0x5;
	s12 =	sand.u32 $0x1, s5;
	s5 =	sadd.s32 $0x15000, s0  }
0xa: {  	s11 =	sshll.u32 s9, $0x8;
	s15 =	sshll.u32 s9, $0x6;
	s9 =	sshll.u32 s9, $0xE  }
0xb: {  	_ =	strace $0x8000004A;
	s10 =	sadd.s32 s6, s0;
	s7 =	ssub.s32 $0x2, s12  }
0xc: {  	s6 =	sadd.s32 $0x1D000, s0;
	s17 =	sadd.s32 s11, s2;
	s13 =	sshll.u32 s12, $0xD  }
0xd: {  	s19 =	sadd.s32 s11, s3;
	s16 =	sshll.u32 s12, $0x4;
	s0 =	simm.s32 $0x0  }
0xe: {  	s8 =	sshrl.u32 s7, $0x1;
	s31 =	sadd.s32 $0xA400, s10;
	s9 =	sor.u32 s13, s9  }
0xf: {  	s10 =	sadd.s32 $0xA200, s10;
	s1 =	sadd.s32 s1, s16;
	s17 =	sshrl.u32 s17, $0x3  }
0x10: {  	s19 =	sshrl.u32 s19, $0x3;
	s30 =	ssub.s32 s7, s8;
	[dreg:$0x5] =	wrdreg s31  }
0x11: {  	s8 =	sor.u32 $0x1C05, s15;
	s13 =	sshrl.u32 s9, $0x3;
	s15 =	sadd.s32 s15, s1  }
0x12: {  	s11 =	sadd.s32 s5, s13;
	s14 =	sor.u32 $0x10, s13;
	s12 =	sadd.s32 s6, s13  }
0x13: {  	s16 =	smax.u32 s30, $0x1;
	s13 =	sadd.s32 s5, s14;
	s14 =	sadd.s32 s6, s14  }
.LBB2_1:
0x14: {  	s1 =	rddreg [dreg:$0x5]  }
0x15: {  	[spmem:s17], [sflag:s8] =	dma.local [hbm:s1], $0x20  }
0x16: {  	_ =	swait.ge [sflag:s18], $0x20  }
0x17: {  	[sflag:s18] =	ssyncset.done $0x0  }
0x18: {  	[sflag:s18] =	ssyncadd.s32 $0xFFFFFFE0  }
0x19: {  	[spmem:s19], [sflag:s8] =	dma.local [hbm:s10], $0x20  }
0x1a: {  	_ =	swait.ge [sflag:s18], $0x20  }
0x1b: {  	[sflag:s18] =	ssyncset.done $0x0  }
0x1c: {  	[sflag:s18] =	ssyncadd.s32 $0xFFFFFFE0  }
0x1d: {  	[bflag:$0x0] =	sbarrier.arrive $0xFFFF  }
0x1e: {  	[tilespmem:s4], [sflag:$0x1] =	stream.linear.gather [hbm4b:s11+s4], $0x80, $0x38;
	[tilespmem:$0x500] =	vst v63  }
0x1f: {  	_ = 	snop  }
0x20: {  	[tilespmem:s20], [sflag:$0x1] =	stream.linear.gather [hbm4b:s12+s4], $0x80, $0x38;
	[tilespmem:$0x500] =	vst v63  }
0x21: {  	_ = 	snop  }
0x22: {  	[tilespmem:s21], [sflag:$0x2] =	stream.linear.gather [hbm4b:s13+s4], $0x80, $0x38;
	[tilespmem:$0x500] =	vst v63  }
0x23: {  	_ = 	snop  }
0x24: {  	[tilespmem:s22], [sflag:$0x2] =	stream.linear.gather [hbm4b:s14+s4], $0x80, $0x38;
	[tilespmem:$0x500] =	vst v63  }
0x25: {  	_ =	swait.ge [sflag:s23], $0x80  }
0x26: {  	[sflag:s23] =	ssyncset.done $0x0  }
0x27: {  	[sflag:s23] =	ssyncadd.s32 $0xFFFFFF80  }
0x28: {  	_ =	swait.ge [sflag:s23], $0x80  }
0x29: {  	[sflag:s23] =	ssyncset.done $0x0  }
0x2a: {  	[sflag:s23] =	ssyncadd.s32 $0xFFFFFF80  }
0x2b: {  	[tilespmem:s24], [sflag:$0x3] =	stream.indirect.gather [spmem:s3], $0x1, s4, s21, $0xb8;
	[tilespmem:$0x500] =	vst v63  }
0x2c: {  	_ =	swait.ge [sflag:s25], $0x80  }
0x2d: {  	[sflag:s25] =	ssyncset.done $0x0  }
0x2e: {  	[sflag:s25] =	ssyncadd.s32 $0xFFFFFF80  }
0x2f: {  	s7 =	sadd.s32 $0xFFFFE000, s9;
	_ =	swait.ge [sflag:s25], $0x80  }
0x30: {  	s30 =	sadd.s32 $0x2100, s7;
	[sflag:s25] =	ssyncset.done $0x0  }
0x31: {  	p0 =	slt.s32 s30, $0x3FF80;
	[sflag:s25] =	ssyncadd.s32 $0xFFFFFF80  }
0x32: {  	[tilespmem:s26], [sflag:$0x4] =	stream.indirect.gather [spmem:s3], $0x1, s21, s21, $0xb8;
	[tilespmem:$0x500] =	vst v63  }
0x33: {  	s30 =	simm.s32 @!p0 $0x3FF80;
	_ =	swait.ge [sflag:s28], $0x80  }
0x34: {  	s30 =	sshrl.u32 s30, $0x3;
	[sflag:s28] =	ssyncset.done $0x0  }
0x35: {  	s31 =	sadd.s32 s5, s30;
	[sflag:s28] =	ssyncadd.s32 $0xFFFFFF80  }
0x36: {  	[tilespmem:s4], [sflag:$0x1] =	stream.linear.gather [hbm4b:s31+s4], $0x80, $0x38;
	[tilespmem:$0x500] =	vst v63  }
0x37: {  	_ = 	snop  }
0x38: {  	[spmem:s2] =	stream.indirect.scatter.add.f32 [tilespmem:s24], [sflag:$0x5], $0x1, s20, s21, $0xb8;
	[tilespmem:$0x500] =	vst v63  }
0x39: {  	_ =	swait.ge [sflag:s18], $0x80  }
0x3a: {  	[sflag:s18] =	ssyncset.done $0x0  }
0x3b: {  	s30 =	sadd.s32 s6, s30;
	[sflag:s18] =	ssyncadd.s32 $0xFFFFFF80  }
0x3c: {  	[tilespmem:s20], [sflag:$0x1] =	stream.linear.gather [hbm4b:s30+s4], $0x80, $0x38;
	[tilespmem:$0x500] =	vst v63  }
0x3d: {  	_ =	swait.ge [sflag:s23], $0x80  }
0x3e: {  	[sflag:s23] =	ssyncset.done $0x0  }
0x3f: {  	[sflag:s23] =	ssyncadd.s32 $0xFFFFFF80  }
0x40: {  	_ =	swait.ge [sflag:s23], $0x80  }
0x41: {  	s1 =	sadd.s32 $0x2180, s7;
	[sflag:s23] =	ssyncset.done $0x0  }
0x42: {  	p0 =	slt.s32 s1, $0x3FF80;
	[sflag:s23] =	ssyncadd.s32 $0xFFFFFF80  }
0x43: {  	[tilespmem:s24], [sflag:$0x3] =	stream.indirect.gather [spmem:s3], $0x1, s4, s21, $0xb8;
	[tilespmem:$0x500] =	vst v63  }
0x44: {  	s1 =	simm.s32 @!p0 $0x3FF80;
	_ =	swait.ge [sflag:s29], $0x80  }
0x45: {  	s30 =	sshrl.u32 s1, $0x3;
	[sflag:s29] =	ssyncset.done $0x0  }
0x46: {  	s1 =	sadd.s32 s5, s30;
	[sflag:s29] =	ssyncadd.s32 $0xFFFFFF80  }
0x47: {  	[tilespmem:s21], [sflag:$0x2] =	stream.linear.gather [hbm4b:s1+s4], $0x80, $0x38;
	[tilespmem:$0x500] =	vst v63  }
0x48: {  	s30 =	sadd.s32 s6, s30;
	s1 =	simm.s32 $0xFFFFE100  }
0x49: {  	[spmem:s2] =	stream.indirect.scatter.add.f32 [tilespmem:s26], [sflag:$0x5], $0x1, s22, s21, $0xb8;
	[tilespmem:$0x500] =	vst v63  }
.LBB2_2:
0x4a: {  	p0 =	sne.s32 s1, $0xFFFFFF00  }
0x4b: {  	_ =	swait.ge [sflag:s18], $0x80;
	s31 =	smov.u32 s1;
	s1 =	sadd.s32 $0x100, s1  }
0x4c: {  	[sflag:s18] =	ssyncset.done $0x0  }
0x4d: {  	[sflag:s18] =	ssyncadd.s32 $0xFFFFFF80  }
0x4e: {  	[tilespmem:s22], [sflag:$0x2] =	stream.linear.gather [hbm4b:s30+s4], $0x80, $0x38;
	[tilespmem:$0x500] =	vst v63  }
0x4f: {  	_ =	swait.ge [sflag:s25], $0x80  }
0x50: {  	s30 =	sadd.s32 s31, s9;
	[sflag:s25] =	ssyncset.done $0x0  }
0x51: {  	s31 =	sadd.s32 $0x2100, s30;
	s30 =	sadd.s32 $0x2180, s30;
	[sflag:s25] =	ssyncadd.s32 $0xFFFFFF80  }
0x52: {  	p1 =	slt.s32 s31, $0x3FF80;
	p2 =	slt.s32 s30, $0x3FF80;
	_ =	swait.ge [sflag:s25], $0x80  }
0x53: {  	s31 =	simm.s32 @!p1 $0x3FF80;
	s30 =	simm.s32 @!p2 $0x3FF80;
	[sflag:s25] =	ssyncset.done $0x0  }
0x54: {  	s31 =	sshrl.u32 s31, $0x3;
	s30 =	sshrl.u32 s30, $0x3;
	[sflag:s25] =	ssyncadd.s32 $0xFFFFFF80  }
0x55: {  	[tilespmem:s26], [sflag:$0x4] =	stream.indirect.gather [spmem:s3], $0x1, s21, s21, $0xb8;
	[tilespmem:$0x500] =	vst v63  }
0x56: {  	_ =	swait.ge [sflag:s28], $0x80  }
0x57: {  	s7 =	sadd.s32 s5, s31;
	[sflag:s28] =	ssyncset.done $0x0  }
0x58: {  	[sflag:s28] =	ssyncadd.s32 $0xFFFFFF80  }
0x59: {  	[tilespmem:s4], [sflag:$0x1] =	stream.linear.gather [hbm4b:s7+s4], $0x80, $0x38;
	[tilespmem:$0x500] =	vst v63  }
0x5a: {  	_ = 	snop  }
0x5b: {  	[spmem:s2] =	stream.indirect.scatter.add.f32 [tilespmem:s24], [sflag:$0x5], $0x1, s20, s21, $0xb8;
	[tilespmem:$0x500] =	vst v63  }
0x5c: {  	s7 =	sadd.s32 s6, s31;
	_ =	swait.ge [sflag:s18], $0x80  }
0x5d: {  	[sflag:s18] =	ssyncset.done $0x0  }
0x5e: {  	[sflag:s18] =	ssyncadd.s32 $0xFFFFFF80  }
0x5f: {  	[tilespmem:s20], [sflag:$0x1] =	stream.linear.gather [hbm4b:s7+s4], $0x80, $0x38;
	[tilespmem:$0x500] =	vst v63  }
0x60: {  	_ =	swait.ge [sflag:s23], $0x80  }
0x61: {  	[sflag:s23] =	ssyncset.done $0x0  }
0x62: {  	[sflag:s23] =	ssyncadd.s32 $0xFFFFFF80  }
0x63: {  	_ =	swait.ge [sflag:s23], $0x80  }
0x64: {  	[sflag:s23] =	ssyncset.done $0x0  }
0x65: {  	s7 =	sadd.s32 s5, s30;
	[sflag:s23] =	ssyncadd.s32 $0xFFFFFF80  }
0x66: {  	[tilespmem:s24], [sflag:$0x3] =	stream.indirect.gather [spmem:s3], $0x1, s4, s21, $0xb8;
	[tilespmem:$0x500] =	vst v63  }
0x67: {  	_ =	swait.ge [sflag:s29], $0x80  }
.Ltmp0:
0x68: {  	[sflag:s29] =	ssyncset.done $0x0;
	(pc) =	sbr.rel @p0 .LBB2_2-.Ltmp0, $4  }
0x69: {  	[sflag:s29] =	ssyncadd.s32 $0xFFFFFF80  }
0x6a: {  	[tilespmem:s21], [sflag:$0x2] =	stream.linear.gather [hbm4b:s7+s4], $0x80, $0x38;
	[tilespmem:$0x500] =	vst v63  }
0x6b: {  	s30 =	sadd.s32 s6, s30  }
0x6c: {  	[spmem:s2] =	stream.indirect.scatter.add.f32 [tilespmem:s26], [sflag:$0x5], $0x1, s22, s21, $0xb8;
	[tilespmem:$0x500] =	vst v63  }
0x6d: {  	_ =	swait.ge [sflag:s18], $0x80  }
0x6e: {  	[sflag:s18] =	ssyncset.done $0x0  }
0x6f: {  	[sflag:s18] =	ssyncadd.s32 $0xFFFFFF80  }
0x70: {  	[tilespmem:s22], [sflag:$0x2] =	stream.linear.gather [hbm4b:s30+s4], $0x80, $0x38;
	[tilespmem:$0x500] =	vst v63  }
0x71: {  	_ =	swait.ge [sflag:s28], $0x80  }
0x72: {  	[sflag:s28] =	ssyncset.done $0x0  }
0x73: {  	[sflag:s28] =	ssyncadd.s32 $0xFFFFFF80  }
0x74: {  	_ =	swait.ge [sflag:s25], $0x80  }
0x75: {  	[sflag:s25] =	ssyncset.done $0x0  }
0x76: {  	[sflag:s25] =	ssyncadd.s32 $0xFFFFFF80  }
0x77: {  	_ =	swait.ge [sflag:s25], $0x80  }
0x78: {  	s0 =	sadd.s32 $0x1, s0;
	[sflag:s25] =	ssyncset.done $0x0  }
0x79: {  	s1 =	simm.s32 $0x20;
	p0 =	sne.s32 s0, s16;
	[sflag:s25] =	ssyncadd.s32 $0xFFFFFF80  }
.Ltmp1:
0x7a: {  	s7 =	simm.s32 $0x10;
	[bflag:$0x0] =	sbarrier.arrive $0xFFFF;
	(pc) =	sbr.rel @p0 .LBB2_1-.Ltmp1, $4  }
0x7b: {  	[hbm:s15@s1], [sflag:s8] =	dma.strided [spmem:s17@s7], $0x20, s23, $0x10   }
0x7c: {  	_ =	swait.ge [sflag:s18], $0x20  }
0x7d: {  	[sflag:s18] =	ssyncset.done $0x0  }
0x7e: {  	[sflag:s18] =	ssyncadd.s32 $0xFFFFFFE0  }
0x7f: {  	_ =	sfence.sel $0x180000  }
0x80: {  	[bflag:$0x0] =	sbarrier.arrive $0xFFFF  }
0x81: {  	_ =	strace $0x9000004A  }
0x82: {  	s0 =	stileid.u32;
	[bflag:$0x2] =	sbarrier.arrive $0xFFFF  }
0x83: {  	p0 =	sne.s32 s0, $0x0;
	s0 =	rddreg [dreg:$0x4]  }
0x84: {  	s0 =	sadd.s32 @!p0 $0x100000, s0  }
0x85: {  	[sflag:s0] =	ssyncadd.tile.s32 @!p0 $0x1;
	_ =	shalt  }
.Lfunc_end2:
_tile_overlayer_lowered:
.L_overlay_start_2:
0x86: {  	(tag) =	ssettag $0x2  }
0x87: {  	s0 =	rddreg [dreg:$0x0];
	s2 =	stileid.u32  }
0x88: {  	s1 =	rddreg [dreg:$0x1];
	p0 =	sne.s32 s2, $0x0  }
0x89: {  	s3 =	rddreg [dreg:$0x2];
	[bflag:$0x3] =	sbarrier.arrive $0xFFFF;
	s2 =	simm.s32 @!p0 $0x1C05  }
0x8a: {  	[timem:s3], [sflag:s2] =	dma.local @!p0 [hbm:s0], s1  }
0x8b: {  	s0 =	simm.s32 @!p0 $0x5  }
0x8c: {  	_ =	swait.ge @!p0 [sflag:s0], s1  }
0x8d: {  	s1 =	ssub.s32 @!p0 $0x0, s1;
	[sflag:s0] =	ssyncset.done @!p0 $0x0  }
0x8e: {  	[sflag:s0] =	ssyncadd.s32 @!p0 s1  }
0x8f: {  	[bflag:$0x3] =	sbarrier.arrive $0xFFFF  }
0x90: {  	_ =	shalt  }

// kernel: kernel.19.cloned.1.call-start
scs
__scs_entry_jumppad:
0x0: {  	(pc) =	sbr.rel $0x88, $3  }
0x1: {  	(tag) =	ssettag $0x0;
	lr =	simm.s32 $0x1  }
0x2: {  	[smem:$0x3F8B] =	sst lr;
	_ =	strace $0xD0000000  }
0x3: {  	_ = 	snop  }
0x4: {  	_ = 	snop  }
0x5: {  	_ = 	snop  }
0x6: {  	_ = 	snop  }
0x7: {  	_ = 	snop  }
__scs_overlays_trampoline_lowered:
0x8: {  	[smem:$0x3F9A] =	sst s0  }
0x9: {  	[smem:$0x3F9B] =	sst s1  }
0xa: {  	[smem:$0x3F9C] =	sst s2  }
0xb: {  	[smem:$0x3F9D] =	sst s3  }
0xc: {  	[smem:$0x3F9E] =	sst s4  }
0xd: {  	[smem:$0x3F9F] =	sst s5  }
0xe: {  	[smem:$0x3FA0] =	sst s6  }
0xf: {  	[smem:$0x3FA1] =	sst s7  }
0x10: {  	[smem:$0x3FA2] =	sst s8  }
0x11: {  	[smem:$0x3FA3] =	sst s9;
	s0 =	simm.s32 @!p0 $0x0  }
0x12: {  	s1 =	sld [smem:$0x3F89];
	s0 =	simm.s32 @p0 $0x1  }
0x13: {  	[smem:$0x3FA4] =	sst s0;
	s0 =	simm.s32 @!p1 $0x0  }
0x14: {  	s2 =	sld [smem:$0x3F88];
	s0 =	simm.s32 @p1 $0x1  }
0x15: {  	[smem:$0x3FA5] =	sst s0;
	s0 =	simm.s32 @!p2 $0x0  }
0x16: {  	s3 =	sld [smem:$0x3FDB];
	s0 =	simm.s32 @p2 $0x1  }
0x17: {  	s4 =	simm.s32 $0x1BF5;
	[smem:$0x3FA7] =	sst s0  }
0x18: {  	s0 =	sld [smem:$0x3F8A];
	_ =	swait.ge [sflag:s4], $0x0  }
0x19: {  	s7 =	sld [smem:$0x3F8B]  }
0x1a: {  	s8 =	sadd.s32 $0xFFFFE003, lr  }
0x1b: {  	s9 =	sadd.s32 $0xFFFFFEF7, lr;
	s5 =	simm.s32 $0xFFFFFFFF;
	p2 =	slt.u32 s8, $0xFFFFF086  }
0x1c: {  	p1 =	slt.u32 s9, $0xF7A;
	s5 =	simm.s32 @!p2 $0x0  }
0x1d: {  	s5 =	simm.s32 @p1 $0x1;
	p0 =	seq.s32 s7, s2  }
0x1e: {  	s7 =	smul.u32 @!p0 $0xF7A, s2;
	p2 =	seq.s32 @!p0 s5, $0x0  }
0x1f: {  	s9 =	smul.u32 $0xF7A, s1;
	s8 =	simm.s32 @!p0 $0x1BF5;
	p2 =	por !p2, p0  }
0x20: {  	[sflag:s8] =	ssyncset.s32 @!p0 $0xFFFFF086;
	s6 =	sadd.s32 @!p0 s3, s7;
	s7 =	simm.s32 @!p0 $0x108  }
0x21: {  	s3 =	sadd.s32 s3, s9;
	s6 =	sadd.s32 @!p0 $0x88, s6;
	s7 =	simm.s32 @p2 $0x1082  }
0x22: {  	[simem:s7], [sflag:s8] =	dma.local @!p0 [hbm:s6], $0xF7A  }
0x23: {  	s9 =	sor.u32 $0xD0000000, s2;
	s6 =	simm.s32 $0x108;
	_ =	swait.ge @!p0 [sflag:s8], $0x0  }
0x24: {  	s3 =	sadd.s32 $0x88, s3;
	s6 =	simm.s32 @!p1 $0x1082;
	[sflag:s4] =	ssyncset.s32 $0xFFFFF086  }
0x25: {  	[simem:s6], [sflag:s4] =	dma.local [hbm:s3], $0xF7A  }
0x26: {  	[smem:$0x3F8B] =	sst s1;
	(tag) =	ssettag s2;
	_ =	strace s9  }
0x27: {  	s1 =	sld [smem:$0x3F9B]  }
0x28: {  	s2 =	sld [smem:$0x3F9C]  }
0x29: {  	s4 =	sld [smem:$0x3F9E]  }
0x2a: {  	p0 =	seq.s32 s5, $0x0;
	s5 =	sld [smem:$0x3F9F]  }
0x2b: {  	s6 =	sld [smem:$0x3FA0]  }
0x2c: {  	s7 =	sld [smem:$0x3FA1]  }
0x2d: {  	s3 =	simm.s32 $0x108;
	s8 =	sld [smem:$0x3FA2]  }
0x2e: {  	s3 =	simm.s32 @!p0 $0x1082;
	s9 =	sld [smem:$0x3FA3]  }
0x2f: {  	lr =	sadd.s32 s0, s3;
	s0 =	sld [smem:$0x3F9A]  }
0x30: {  	s3 =	sld [smem:$0x3F9D]  }
0x31: {  	[smem:$0x3FA6] =	sst s10  }
0x32: {  	s10 =	sld [smem:$0x3FA4];
	_ =	sdelay $0x3  }
0x33: {  	p0 =	seq.s32 s10, $0x1;
	s10 =	sld [smem:$0x3FA6];
	_ =	sdelay $0x3  }
0x34: {  	[smem:$0x3FA6] =	sst s10  }
0x35: {  	s10 =	sld [smem:$0x3FA5];
	_ =	sdelay $0x3  }
0x36: {  	p1 =	seq.s32 s10, $0x1;
	s10 =	sld [smem:$0x3FA6];
	_ =	sdelay $0x3  }
0x37: {  	[smem:$0x3FA6] =	sst s10  }
0x38: {  	s10 =	sld [smem:$0x3FA7]  }
0x39: {  	_ = 	snop;
	(pc) =	sbr.ind lr, $3  }
0x3a: {  	_ = 	snop  }
0x3b: {  	_ = 	snop  }
0x3c: {  	p2 =	seq.s32 s10, $0x1;
	s10 =	sld [smem:$0x3FA6]  }
0x3d: {  	_ =	shalt  }
0x3e: {  	_ =	shalt  }
0x3f: {  	_ =	shalt  }
0x40: {  	_ =	shalt  }
0x41: {  	_ =	shalt  }
0x42: {  	_ =	shalt  }
0x43: {  	_ =	shalt  }
0x44: {  	_ =	shalt  }
0x45: {  	_ =	shalt  }
0x46: {  	_ =	shalt  }
0x47: {  	_ =	shalt  }
0x48: {  	_ =	shalt  }
0x49: {  	_ =	shalt  }
0x4a: {  	_ =	shalt  }
0x4b: {  	_ =	shalt  }
0x4c: {  	_ =	shalt  }
0x4d: {  	_ =	shalt  }
0x4e: {  	_ =	shalt  }
0x4f: {  	_ =	shalt  }
0x50: {  	_ =	shalt  }
0x51: {  	_ =	shalt  }
0x52: {  	_ =	shalt  }
0x53: {  	_ =	shalt  }
0x54: {  	_ =	shalt  }
0x55: {  	_ =	shalt  }
0x56: {  	_ =	shalt  }
0x57: {  	_ =	shalt  }
0x58: {  	_ =	shalt  }
0x59: {  	_ =	shalt  }
0x5a: {  	_ =	shalt  }
0x5b: {  	_ =	shalt  }
0x5c: {  	_ =	shalt  }
0x5d: {  	_ =	shalt  }
0x5e: {  	_ =	shalt  }
0x5f: {  	_ =	shalt  }
0x60: {  	_ =	shalt  }
0x61: {  	_ =	shalt  }
0x62: {  	_ =	shalt  }
0x63: {  	_ =	shalt  }
0x64: {  	_ =	shalt  }
0x65: {  	_ =	shalt  }
0x66: {  	_ =	shalt  }
0x67: {  	_ =	shalt  }
0x68: {  	_ =	shalt  }
0x69: {  	_ =	shalt  }
0x6a: {  	_ =	shalt  }
0x6b: {  	_ =	shalt  }
0x6c: {  	_ =	shalt  }
0x6d: {  	_ =	shalt  }
0x6e: {  	_ =	shalt  }
0x6f: {  	_ =	shalt  }
0x70: {  	_ =	shalt  }
0x71: {  	_ =	shalt  }
0x72: {  	_ =	shalt  }
0x73: {  	_ =	shalt  }
0x74: {  	_ =	shalt  }
0x75: {  	_ =	shalt  }
0x76: {  	_ =	shalt  }
0x77: {  	_ =	shalt  }
0x78: {  	_ =	shalt  }
0x79: {  	_ =	shalt  }
0x7a: {  	_ =	shalt  }
0x7b: {  	_ =	shalt  }
0x7c: {  	_ =	shalt  }
0x7d: {  	_ =	shalt  }
0x7e: {  	_ =	shalt  }
0x7f: {  	_ =	shalt  }
0x80: {  	_ =	shalt  }
0x81: {  	_ =	shalt  }
0x82: {  	_ =	shalt  }
0x83: {  	_ =	shalt  }
0x84: {  	_ =	shalt  }
0x85: {  	_ =	shalt  }
0x86: {  	_ =	shalt  }
0x87: {  	_ =	shalt  }
.Lfunc_end0:
.L_simem_size_0:
called_computation.3_lowered:
.L_overlay_start_0:
0x88: {  	s2 =	sld [smem:$0x3FD9]  }
0x89: {  	s3 =	sld [smem:$0x3FFE];
	_ =	sdelay $0x1  }
0x8a: {  	s1 =	srdreg.scid  }
0x8b: {  	s0 =	sand.u32 $0x1, s1  }
0x8c: {  	s17 =	sshll.u32 s0, $0xA;
	s2 =	sadd.s32 s3, s2  }
0x8d: {  	s2 =	sadd.s32 s2, s17  }
0x8e: {  	[smem:$0x3FB2] =	sst s2  }
0x8f: {  	_ = 	snop  }
0x90: {  	s2 =	sld [smem:$0x3FD0];
	(tm) =	ssettm $0x1  }
0x91: {  	s18 =	sld [smem:$0x3FFB];
	_ =	sdelay $0x3  }
0x92: {  	_ =	strace s18  }
0x93: {  	s3 =	sld [smem:$0x3FFC];
	_ =	sdelay $0x3  }
0x94: {  	_ =	strace s3  }
0x95: {  	s3 =	sld [smem:$0x3FFD];
	_ =	sdelay $0x3  }
0x96: {  	_ =	strace s3  }
0x97: {  	_ =	strace $0x8FFFFFFF  }
0x98: {  	s19 =	sld [smem:$0x3FDB];
	_ =	sdelay $0x1  }
0x99: {  	s4 =	simm.s32 $_scs_section_size  }
0x9a: {  	s5 =	simm.s32 $_size__tile_overlayer_lowered;
	s6 =	simm.s32 $_tile_overlayer_lowered  }
0x9b: {  	s22 =	simm.s32 $0x1BFF;
	s21 =	sshll.u32 s6, $0x1;
	s3 =	sadd.s32 s4, s19  }
0x9c: {  	s7 =	simm.s32 $0x0;
	s20 =	sshll.u32 s5, $0x1;
	s5 =	sadd.s32 s21, s3  }
0x9d: {  	[timem:s7], [sflag:s22] =	dma.local [hbm:s5], s20  }
0x9e: {  	_ =	swait.ge [sflag:s22], s20  }
0x9f: {  	s4 =	ssub.s32 $0x0, s20;
	[sflag:s22] =	ssyncset.done $0x0  }
0xa0: {  	[sflag:s22] =	ssyncadd.s32 s4;
	_ =	sdelay $0x1  }
0xa1: {  	s23 =	simm.s32 $0x1B8B  }
0xa2: {  	_ =	swait.ge [sflag:s23], $0x1  }
0xa3: {  	[sflag:s23] =	ssyncset.done $0x0  }
0xa4: {  	s25 =	simm.s32 $0x1B8E;
	s24 =	sld [smem:$0x3FFE];
	[sflag:s23] =	ssyncadd.s32 $0xFFFFFFFF  }
0xa5: {  	s26 =	simm.s32 $execute0_lowered;
	[smem:$0x3FD2] =	sst s25  }
0xa6: {  	s5 =	sshll.u32 s26, $0x1;
	_ =	strace $0x8000004C;
	[dreg:$0x1] =	wrdreg $0xFFFFFFFF  }
0xa7: {  	s28 =	simm.s32 $_size_execute0_lowered;
	s3 =	sadd.s32 s3, s5;
	[dreg:$0x0] =	wrdreg $0x0  }
0xa8: {  	s5 =	sshll.u32 s28, $0x1;
	[dreg:$0x2] =	wrdreg s3  }
0xa9: {  	[dreg:$0x3] =	wrdreg s5  }
0xaa: {  	[dreg:$0x4] =	wrdreg $0xC0  }
0xab: {  	_ =	task [dreg:s7], $0x5FFFF  }
0xac: {  	[dreg:$0x1] =	wrdreg $0xFFFFFFFF  }
0xad: {  	[dreg:$0x0] =	wrdreg $0x60  }
0xae: {  	[dreg:$0x2] =	wrdreg s24  }
0xaf: {  	[dreg:$0x3] =	wrdreg s2  }
0xb0: {  	[dreg:$0x4] =	wrdreg $0x82000  }
0xb1: {  	[dreg:$0x5] =	wrdreg $0x9  }
0xb2: {  	_ =	task.clear_ibuf [dreg:s7], $0x6FFFF;
	_ =	strace $0x9000004C  }
0xb3: {  	s29 =	simm.s32 $0x9;
	_ =	strace $0x8000004E  }
0xb4: {  	_ =	swait.ge [sflag:s29], $0x1  }
0xb5: {  	[sflag:s29] =	ssyncadd.s32 $0xFFFFFFFF  }
0xb6: {  	_ =	strace $0x9000004E  }
0xb7: {  	_ =	sfence  }
0xb8: {  	s30 =	sld [smem:$0x0];
	_ =	sdelay $0x2  }
0xb9: {  	s31 =	sshll.u32 s1, $0xD;
	s1 =	sshrl.u32 s1, $0x2  }
0xba: {  	s3 =	sand.u32 $0x4000, s31;
	s1 =	sadd.s32 s1, s30  }
0xbb: {  	s0 =	sor.u32 s3, s0;
	s1 =	sshll.u32 s1, $0x11  }
0xbc: {  	s0 =	sor.u32 s1, s0  }
0xbd: {  	s0 =	sadd.s32 $0x8F2B, s0  }
0xbe: {  	[sflag:s0] =	ssyncadd.remote.s32 $0x1  }
0xbf: {  	_ =	sfence.sel $0xFFFF  }
0xc0: {  	[dreg:$0x0] =	wrdreg $0xFFFFFFFF;
	(pc) =	sbr.abs _section_cstart, $3  }
0xc1: {  	[dreg:$0x1] =	wrdreg $0xFFFFFFFF  }
0xc2: {  	_ =	task.clear_ibuf [dreg:s7], $0x2FFFF;
	_ =	strace $0x9FFFFFFF  }
0xc3: {  	(tm) =	ssettm $0x7FFFFFFF  }
tec
execute0_lowered:
.L_overlay_start_1:
0x0: {  	(tag) =	ssettag $0x1  }
0x1: {  	s7 =	rddreg [dreg:$0x0]  }
0x2: {  	s13 =	rddreg [dreg:$0x1]  }
0x3: {  	s1 =	rddreg [dreg:$0x2];
	s2 =	simm.s32 $0x0  }
0x4: {  	s5 =	srdreg.scid;
	s3 =	stileid.u32;
	s19 =	simm.s32 $0x80  }
0x5: {  	s20 =	simm.s32 $0x180;
	s21 =	simm.s32 $0x1;
	s22 =	simm.s32 $0x200  }
0x6: {  	s23 =	simm.s32 $0x2;
	s24 =	simm.s32 $0x4200;
	s25 =	simm.s32 $0x3  }
0x7: {  	s26 =	simm.s32 $0x4;
	s28 =	simm.s32 $0x0;
	[smem:$0x7FF] =	sst s2  }
0x8: {  	s4 =	sadd.s32 $0x25000, s7;
	s14 =	sand.u32 $0x1, s5;
	s5 =	sadd.s32 $0x8200, s7  }
0x9: {  	s15 =	sshll.u32 s3, $0xC;
	s6 =	sadd.s32 $0x6200, s7;
	s30 =	sshll.u32 s3, $0xF  }
0xa: {  	s10 =	sshll.u32 s3, $0x6;
	_ =	strace $0x8000004D;
	s8 =	ssub.s32 $0x2, s14  }
0xb: {  	s9 =	sadd.s32 s15, s7;
	s31 =	sshll.u32 s14, $0xB;
	s17 =	sadd.s32 s30, s1  }
0xc: {  	s14 =	sshll.u32 s14, $0x10;
	s29 =	sshrl.u32 s8, $0x1;
	s7 =	sor.u32 s31, s15  }
0xd: {  	s15 =	sadd.s32 s13, s15;
	s16 =	ssub.s32 s8, s29;
	s8 =	sadd.s32 $0x35000, s9  }
0xe: {  	s9 =	sor.u32 $0x1C05, s10;
	s12 =	sshrl.u32 s7, $0x3;
	s14 =	sadd.s32 s14, s15  }
0xf: {  	s10 =	sadd.s32 s5, s12;
	s11 =	sadd.s32 s6, s12;
	s18 =	sor.u32 $0x10, s12  }
0x10: {  	s15 =	smax.u32 s16, $0x1;
	s16 =	sshrl.u32 s17, $0x3;
	s17 =	simm.s32 $0x5  }
0x11: {  	s12 =	sadd.s32 s5, s18;
	s13 =	sadd.s32 s6, s18;
	s18 =	simm.s32 $0x100  }
.LBB2_1:
0x12: {  	[spmem:s16], [sflag:s9] =	dma.local [hbm:s8], $0x1000  }
0x13: {  	_ =	swait.ge [sflag:s17], $0x1000  }
0x14: {  	[sflag:s17] =	ssyncset.done $0x0  }
0x15: {  	[sflag:s17] =	ssyncadd.s32 $0xFFFFF000  }
0x16: {  	[bflag:$0x0] =	sbarrier.arrive $0xFFFF  }
0x17: {  	[tilespmem:s2], [sflag:$0x1] =	stream.linear.gather [hbm4b:s10+s2], $0x80, $0x38;
	[tilespmem:$0x10200] =	vst v63  }
0x18: {  	_ = 	snop  }
0x19: {  	[tilespmem:s18], [sflag:$0x1] =	stream.linear.gather [hbm4b:s11+s2], $0x80, $0x38;
	[tilespmem:$0x10200] =	vst v63  }
0x1a: {  	_ = 	snop  }
0x1b: {  	[tilespmem:s19], [sflag:$0x2] =	stream.linear.gather [hbm4b:s12+s2], $0x80, $0x38;
	[tilespmem:$0x10200] =	vst v63  }
0x1c: {  	_ = 	snop  }
0x1d: {  	[tilespmem:s20], [sflag:$0x2] =	stream.linear.gather [hbm4b:s13+s2], $0x80, $0x38;
	[tilespmem:$0x10200] =	vst v63  }
0x1e: {  	_ =	swait.ge [sflag:s21], $0x80  }
0x1f: {  	[sflag:s21] =	ssyncset.done $0x0  }
0x20: {  	[sflag:s21] =	ssyncadd.s32 $0xFFFFFF80  }
0x21: {  	_ =	swait.ge [sflag:s21], $0x80  }
0x22: {  	[sflag:s21] =	ssyncset.done $0x0  }
0x23: {  	[sflag:s21] =	ssyncadd.s32 $0xFFFFFF80  }
0x24: {  	[tilespmem:s22], [sflag:$0x3] =	stream.indirect.gather [hbm4b:s4+s19], $0x80, s2, s19, $0xb8;
	[tilespmem:$0x10200] =	vst v63  }
0x25: {  	_ =	swait.ge [sflag:s23], $0x80  }
0x26: {  	[sflag:s23] =	ssyncset.done $0x0  }
0x27: {  	[sflag:s23] =	ssyncadd.s32 $0xFFFFFF80  }
0x28: {  	s29 =	sadd.s32 $0xFFFFF800, s7;
	_ =	swait.ge [sflag:s23], $0x80  }
0x29: {  	s30 =	sadd.s32 $0x900, s29;
	[sflag:s23] =	ssyncset.done $0x0  }
0x2a: {  	p0 =	slt.s32 s30, $0xFF80;
	[sflag:s23] =	ssyncadd.s32 $0xFFFFFF80  }
0x2b: {  	[tilespmem:s24], [sflag:$0x4] =	stream.indirect.gather [hbm4b:s4+s19], $0x80, s19, s19, $0xb8;
	[tilespmem:$0x10200] =	vst v63  }
0x2c: {  	s30 =	simm.s32 @!p0 $0xFF80;
	_ =	swait.ge [sflag:s25], $0x4000  }
0x2d: {  	s30 =	sshrl.u32 s30, $0x3;
	[sflag:s25] =	ssyncset.done $0x0  }
0x2e: {  	s31 =	sadd.s32 s5, s30;
	[sflag:s25] =	ssyncadd.s32 $0xFFFFC000  }
0x2f: {  	[tilespmem:s2], [sflag:$0x1] =	stream.linear.gather [hbm4b:s31+s2], $0x80, $0x38;
	[tilespmem:$0x10200] =	vst v63  }
0x30: {  	_ = 	snop  }
0x31: {  	[spmem:s1] =	stream.indirect.scatter.add.f32 [tilespmem:s22], [sflag:$0x5], $0x80, s18, s19, $0xb8;
	[tilespmem:$0x10200] =	vst v63  }
0x32: {  	_ =	swait.ge [sflag:s17], $0x4000  }
0x33: {  	[sflag:s17] =	ssyncset.done $0x0  }
0x34: {  	s30 =	sadd.s32 s6, s30;
	[sflag:s17] =	ssyncadd.s32 $0xFFFFC000  }
0x35: {  	[tilespmem:s18], [sflag:$0x1] =	stream.linear.gather [hbm4b:s30+s2], $0x80, $0x38;
	[tilespmem:$0x10200] =	vst v63  }
0x36: {  	_ =	swait.ge [sflag:s21], $0x80  }
0x37: {  	[sflag:s21] =	ssyncset.done $0x0  }
0x38: {  	[sflag:s21] =	ssyncadd.s32 $0xFFFFFF80  }
0x39: {  	_ =	swait.ge [sflag:s21], $0x80  }
0x3a: {  	s29 =	sadd.s32 $0x980, s29;
	[sflag:s21] =	ssyncset.done $0x0  }
0x3b: {  	p0 =	slt.s32 s29, $0xFF80;
	[sflag:s21] =	ssyncadd.s32 $0xFFFFFF80  }
0x3c: {  	[tilespmem:s22], [sflag:$0x3] =	stream.indirect.gather [hbm4b:s4+s19], $0x80, s2, s19, $0xb8;
	[tilespmem:$0x10200] =	vst v63  }
0x3d: {  	s29 =	simm.s32 @!p0 $0xFF80;
	_ =	swait.ge [sflag:s26], $0x4000  }
0x3e: {  	s30 =	sshrl.u32 s29, $0x3;
	[sflag:s26] =	ssyncset.done $0x0  }
0x3f: {  	s29 =	sadd.s32 s5, s30;
	[sflag:s26] =	ssyncadd.s32 $0xFFFFC000  }
0x40: {  	[tilespmem:s19], [sflag:$0x2] =	stream.linear.gather [hbm4b:s29+s2], $0x80, $0x38;
	[tilespmem:$0x10200] =	vst v63  }
0x41: {  	s30 =	sadd.s32 s6, s30;
	s29 =	simm.s32 $0xFFFFF900  }
0x42: {  	[spmem:s1] =	stream.indirect.scatter.add.f32 [tilespmem:s24], [sflag:$0x5], $0x80, s20, s19, $0xb8;
	[tilespmem:$0x10200] =	vst v63  }
.LBB2_2:
0x43: {  	p0 =	sne.s32 s29, $0xFFFFFF00  }
0x44: {  	_ =	swait.ge [sflag:s17], $0x4000;
	s31 =	smov.u32 s29;
	s29 =	sadd.s32 $0x100, s29  }
0x45: {  	[sflag:s17] =	ssyncset.done $0x0  }
0x46: {  	[sflag:s17] =	ssyncadd.s32 $0xFFFFC000  }
0x47: {  	[tilespmem:s20], [sflag:$0x2] =	stream.linear.gather [hbm4b:s30+s2], $0x80, $0x38;
	[tilespmem:$0x10200] =	vst v63  }
0x48: {  	_ =	swait.ge [sflag:s23], $0x80  }
0x49: {  	s30 =	sadd.s32 s31, s7;
	[sflag:s23] =	ssyncset.done $0x0  }
0x4a: {  	s31 =	sadd.s32 $0x900, s30;
	s30 =	sadd.s32 $0x980, s30;
	[sflag:s23] =	ssyncadd.s32 $0xFFFFFF80  }
0x4b: {  	p1 =	slt.s32 s31, $0xFF80;
	p2 =	slt.s32 s30, $0xFF80;
	_ =	swait.ge [sflag:s23], $0x80  }
0x4c: {  	s31 =	simm.s32 @!p1 $0xFF80;
	s30 =	simm.s32 @!p2 $0xFF80;
	[sflag:s23] =	ssyncset.done $0x0  }
0x4d: {  	s31 =	sshrl.u32 s31, $0x3;
	s30 =	sshrl.u32 s30, $0x3;
	[sflag:s23] =	ssyncadd.s32 $0xFFFFFF80  }
0x4e: {  	[tilespmem:s24], [sflag:$0x4] =	stream.indirect.gather [hbm4b:s4+s19], $0x80, s19, s19, $0xb8;
	[tilespmem:$0x10200] =	vst v63  }
0x4f: {  	_ =	swait.ge [sflag:s25], $0x4000  }
0x50: {  	s0 =	sadd.s32 s5, s31;
	[sflag:s25] =	ssyncset.done $0x0  }
0x51: {  	[sflag:s25] =	ssyncadd.s32 $0xFFFFC000  }
0x52: {  	[tilespmem:s2], [sflag:$0x1] =	stream.linear.gather [hbm4b:s0+s2], $0x80, $0x38;
	[tilespmem:$0x10200] =	vst v63  }
0x53: {  	_ = 	snop  }
0x54: {  	[spmem:s1] =	stream.indirect.scatter.add.f32 [tilespmem:s22], [sflag:$0x5], $0x80, s18, s19, $0xb8;
	[tilespmem:$0x10200] =	vst v63  }
0x55: {  	s0 =	sadd.s32 s6, s31;
	_ =	swait.ge [sflag:s17], $0x4000  }
0x56: {  	[sflag:s17] =	ssyncset.done $0x0  }
0x57: {  	[sflag:s17] =	ssyncadd.s32 $0xFFFFC000  }
0x58: {  	[tilespmem:s18], [sflag:$0x1] =	stream.linear.gather [hbm4b:s0+s2], $0x80, $0x38;
	[tilespmem:$0x10200] =	vst v63  }
0x59: {  	_ =	swait.ge [sflag:s21], $0x80  }
0x5a: {  	[sflag:s21] =	ssyncset.done $0x0  }
0x5b: {  	[sflag:s21] =	ssyncadd.s32 $0xFFFFFF80  }
0x5c: {  	_ =	swait.ge [sflag:s21], $0x80  }
0x5d: {  	[sflag:s21] =	ssyncset.done $0x0  }
0x5e: {  	s0 =	sadd.s32 s5, s30;
	[sflag:s21] =	ssyncadd.s32 $0xFFFFFF80  }
0x5f: {  	[tilespmem:s22], [sflag:$0x3] =	stream.indirect.gather [hbm4b:s4+s19], $0x80, s2, s19, $0xb8;
	[tilespmem:$0x10200] =	vst v63  }
0x60: {  	_ =	swait.ge [sflag:s26], $0x4000  }
.Ltmp0:
0x61: {  	[sflag:s26] =	ssyncset.done $0x0;
	(pc) =	sbr.rel @p0 .LBB2_2-.Ltmp0, $4  }
0x62: {  	[sflag:s26] =	ssyncadd.s32 $0xFFFFC000  }
0x63: {  	[tilespmem:s19], [sflag:$0x2] =	stream.linear.gather [hbm4b:s0+s2], $0x80, $0x38;
	[tilespmem:$0x10200] =	vst v63  }
0x64: {  	s30 =	sadd.s32 s6, s30  }
0x65: {  	[spmem:s1] =	stream.indirect.scatter.add.f32 [tilespmem:s24], [sflag:$0x5], $0x80, s20, s19, $0xb8;
	[tilespmem:$0x10200] =	vst v63  }
0x66: {  	_ =	swait.ge [sflag:s17], $0x4000  }
0x67: {  	[sflag:s17] =	ssyncset.done $0x0  }
0x68: {  	[sflag:s17] =	ssyncadd.s32 $0xFFFFC000  }
0x69: {  	[tilespmem:s20], [sflag:$0x2] =	stream.linear.gather [hbm4b:s30+s2], $0x80, $0x38;
	[tilespmem:$0x10200] =	vst v63  }
0x6a: {  	_ =	swait.ge [sflag:s25], $0x4000  }
0x6b: {  	[sflag:s25] =	ssyncset.done $0x0  }
0x6c: {  	[sflag:s25] =	ssyncadd.s32 $0xFFFFC000  }
0x6d: {  	_ =	swait.ge [sflag:s23], $0x80  }
0x6e: {  	[sflag:s23] =	ssyncset.done $0x0  }
0x6f: {  	[sflag:s23] =	ssyncadd.s32 $0xFFFFFF80  }
0x70: {  	_ =	swait.ge [sflag:s23], $0x80  }
0x71: {  	s28 =	sadd.s32 $0x1, s28;
	[sflag:s23] =	ssyncset.done $0x0  }
0x72: {  	p0 =	sne.s32 s28, s15;
	[sflag:s23] =	ssyncadd.s32 $0xFFFFFF80  }
.Ltmp1:
0x73: {  	[bflag:$0x0] =	sbarrier.arrive $0xFFFF;
	(pc) =	sbr.rel @p0 .LBB2_1-.Ltmp1, $4  }
0x74: {  	[hbm:s14], [sflag:s9] =	dma.local [spmem:s16], $0x1000  }
0x75: {  	_ =	swait.ge [sflag:s17], $0x1000  }
0x76: {  	[sflag:s17] =	ssyncset.done $0x0  }
0x77: {  	[sflag:s17] =	ssyncadd.s32 $0xFFFFF000  }
0x78: {  	_ =	sfence.sel $0x180000  }
0x79: {  	[bflag:$0x0] =	sbarrier.arrive $0xFFFF  }
0x7a: {  	_ =	strace $0x9000004D  }
0x7b: {  	[bflag:$0x2] =	sbarrier.arrive $0xFFFF  }
0x7c: {  	p0 =	sne.s32 s3, $0x0;
	s0 =	rddreg [dreg:$0x3]  }
0x7d: {  	s0 =	sadd.s32 @!p0 $0x100000, s0  }
0x7e: {  	[sflag:s0] =	ssyncadd.tile.s32 @!p0 $0x1;
	_ =	shalt  }
.Lfunc_end2:
_tile_overlayer_lowered:
.L_overlay_start_2:
0x7f: {  	(tag) =	ssettag $0x2  }
0x80: {  	s0 =	rddreg [dreg:$0x0];
	s2 =	stileid.u32  }
0x81: {  	s1 =	rddreg [dreg:$0x1];
	p0 =	sne.s32 s2, $0x0  }
0x82: {  	s3 =	rddreg [dreg:$0x2];
	[bflag:$0x3] =	sbarrier.arrive $0xFFFF;
	s2 =	simm.s32 @!p0 $0x1C05  }
0x83: {  	[timem:s3], [sflag:s2] =	dma.local @!p0 [hbm:s0], s1  }
0x84: {  	s0 =	simm.s32 @!p0 $0x5  }
0x85: {  	_ =	swait.ge @!p0 [sflag:s0], s1  }
0x86: {  	s1 =	ssub.s32 @!p0 $0x0, s1;
	[sflag:s0] =	ssyncset.done @!p0 $0x0  }
0x87: {  	[sflag:s0] =	ssyncadd.s32 @!p0 s1  }
0x88: {  	[bflag:$0x3] =	sbarrier.arrive $0xFFFF  }
0x89: {  	_ =	shalt  }

// kernel: kernel.22.cloned.1.call-start
scs
__scs_entry_jumppad:
0x0: {  	(pc) =	sbr.rel $0x88, $3  }
0x1: {  	(tag) =	ssettag $0x0;
	lr =	simm.s32 $0x1  }
0x2: {  	[smem:$0x3F8B] =	sst lr;
	_ =	strace $0xD0000000  }
0x3: {  	_ = 	snop  }
0x4: {  	_ = 	snop  }
0x5: {  	_ = 	snop  }
0x6: {  	_ = 	snop  }
0x7: {  	_ = 	snop  }
__scs_overlays_trampoline_lowered:
0x8: {  	[smem:$0x3F9A] =	sst s0  }
0x9: {  	[smem:$0x3F9B] =	sst s1  }
0xa: {  	[smem:$0x3F9C] =	sst s2  }
0xb: {  	[smem:$0x3F9D] =	sst s3  }
0xc: {  	[smem:$0x3F9E] =	sst s4  }
0xd: {  	[smem:$0x3F9F] =	sst s5  }
0xe: {  	[smem:$0x3FA0] =	sst s6  }
0xf: {  	[smem:$0x3FA1] =	sst s7  }
0x10: {  	[smem:$0x3FA2] =	sst s8  }
0x11: {  	[smem:$0x3FA3] =	sst s9;
	s0 =	simm.s32 @!p0 $0x0  }
0x12: {  	s1 =	sld [smem:$0x3F89];
	s0 =	simm.s32 @p0 $0x1  }
0x13: {  	[smem:$0x3FA4] =	sst s0;
	s0 =	simm.s32 @!p1 $0x0  }
0x14: {  	s2 =	sld [smem:$0x3F88];
	s0 =	simm.s32 @p1 $0x1  }
0x15: {  	[smem:$0x3FA5] =	sst s0;
	s0 =	simm.s32 @!p2 $0x0  }
0x16: {  	s3 =	sld [smem:$0x3FDB];
	s0 =	simm.s32 @p2 $0x1  }
0x17: {  	s4 =	simm.s32 $0x1BF5;
	[smem:$0x3FA7] =	sst s0  }
0x18: {  	s0 =	sld [smem:$0x3F8A];
	_ =	swait.ge [sflag:s4], $0x0  }
0x19: {  	s7 =	sld [smem:$0x3F8B]  }
0x1a: {  	s8 =	sadd.s32 $0xFFFFE003, lr  }
0x1b: {  	s9 =	sadd.s32 $0xFFFFFEF7, lr;
	s5 =	simm.s32 $0xFFFFFFFF;
	p2 =	slt.u32 s8, $0xFFFFF086  }
0x1c: {  	p1 =	slt.u32 s9, $0xF7A;
	s5 =	simm.s32 @!p2 $0x0  }
0x1d: {  	s5 =	simm.s32 @p1 $0x1;
	p0 =	seq.s32 s7, s2  }
0x1e: {  	s7 =	smul.u32 @!p0 $0xF7A, s2;
	p2 =	seq.s32 @!p0 s5, $0x0  }
0x1f: {  	s9 =	smul.u32 $0xF7A, s1;
	s8 =	simm.s32 @!p0 $0x1BF5;
	p2 =	por !p2, p0  }
0x20: {  	[sflag:s8] =	ssyncset.s32 @!p0 $0xFFFFF086;
	s6 =	sadd.s32 @!p0 s3, s7;
	s7 =	simm.s32 @!p0 $0x108  }
0x21: {  	s3 =	sadd.s32 s3, s9;
	s6 =	sadd.s32 @!p0 $0x88, s6;
	s7 =	simm.s32 @p2 $0x1082  }
0x22: {  	[simem:s7], [sflag:s8] =	dma.local @!p0 [hbm:s6], $0xF7A  }
0x23: {  	s9 =	sor.u32 $0xD0000000, s2;
	s6 =	simm.s32 $0x108;
	_ =	swait.ge @!p0 [sflag:s8], $0x0  }
0x24: {  	s3 =	sadd.s32 $0x88, s3;
	s6 =	simm.s32 @!p1 $0x1082;
	[sflag:s4] =	ssyncset.s32 $0xFFFFF086  }
0x25: {  	[simem:s6], [sflag:s4] =	dma.local [hbm:s3], $0xF7A  }
0x26: {  	[smem:$0x3F8B] =	sst s1;
	(tag) =	ssettag s2;
	_ =	strace s9  }
0x27: {  	s1 =	sld [smem:$0x3F9B]  }
0x28: {  	s2 =	sld [smem:$0x3F9C]  }
0x29: {  	s4 =	sld [smem:$0x3F9E]  }
0x2a: {  	p0 =	seq.s32 s5, $0x0;
	s5 =	sld [smem:$0x3F9F]  }
0x2b: {  	s6 =	sld [smem:$0x3FA0]  }
0x2c: {  	s7 =	sld [smem:$0x3FA1]  }
0x2d: {  	s3 =	simm.s32 $0x108;
	s8 =	sld [smem:$0x3FA2]  }
0x2e: {  	s3 =	simm.s32 @!p0 $0x1082;
	s9 =	sld [smem:$0x3FA3]  }
0x2f: {  	lr =	sadd.s32 s0, s3;
	s0 =	sld [smem:$0x3F9A]  }
0x30: {  	s3 =	sld [smem:$0x3F9D]  }
0x31: {  	[smem:$0x3FA6] =	sst s10  }
0x32: {  	s10 =	sld [smem:$0x3FA4];
	_ =	sdelay $0x3  }
0x33: {  	p0 =	seq.s32 s10, $0x1;
	s10 =	sld [smem:$0x3FA6];
	_ =	sdelay $0x3  }
0x34: {  	[smem:$0x3FA6] =	sst s10  }
0x35: {  	s10 =	sld [smem:$0x3FA5];
	_ =	sdelay $0x3  }
0x36: {  	p1 =	seq.s32 s10, $0x1;
	s10 =	sld [smem:$0x3FA6];
	_ =	sdelay $0x3  }
0x37: {  	[smem:$0x3FA6] =	sst s10  }
0x38: {  	s10 =	sld [smem:$0x3FA7]  }
0x39: {  	_ = 	snop;
	(pc) =	sbr.ind lr, $3  }
0x3a: {  	_ = 	snop  }
0x3b: {  	_ = 	snop  }
0x3c: {  	p2 =	seq.s32 s10, $0x1;
	s10 =	sld [smem:$0x3FA6]  }
0x3d: {  	_ =	shalt  }
0x3e: {  	_ =	shalt  }
0x3f: {  	_ =	shalt  }
0x40: {  	_ =	shalt  }
0x41: {  	_ =	shalt  }
0x42: {  	_ =	shalt  }
0x43: {  	_ =	shalt  }
0x44: {  	_ =	shalt  }
0x45: {  	_ =	shalt  }
0x46: {  	_ =	shalt  }
0x47: {  	_ =	shalt  }
0x48: {  	_ =	shalt  }
0x49: {  	_ =	shalt  }
0x4a: {  	_ =	shalt  }
0x4b: {  	_ =	shalt  }
0x4c: {  	_ =	shalt  }
0x4d: {  	_ =	shalt  }
0x4e: {  	_ =	shalt  }
0x4f: {  	_ =	shalt  }
0x50: {  	_ =	shalt  }
0x51: {  	_ =	shalt  }
0x52: {  	_ =	shalt  }
0x53: {  	_ =	shalt  }
0x54: {  	_ =	shalt  }
0x55: {  	_ =	shalt  }
0x56: {  	_ =	shalt  }
0x57: {  	_ =	shalt  }
0x58: {  	_ =	shalt  }
0x59: {  	_ =	shalt  }
0x5a: {  	_ =	shalt  }
0x5b: {  	_ =	shalt  }
0x5c: {  	_ =	shalt  }
0x5d: {  	_ =	shalt  }
0x5e: {  	_ =	shalt  }
0x5f: {  	_ =	shalt  }
0x60: {  	_ =	shalt  }
0x61: {  	_ =	shalt  }
0x62: {  	_ =	shalt  }
0x63: {  	_ =	shalt  }
0x64: {  	_ =	shalt  }
0x65: {  	_ =	shalt  }
0x66: {  	_ =	shalt  }
0x67: {  	_ =	shalt  }
0x68: {  	_ =	shalt  }
0x69: {  	_ =	shalt  }
0x6a: {  	_ =	shalt  }
0x6b: {  	_ =	shalt  }
0x6c: {  	_ =	shalt  }
0x6d: {  	_ =	shalt  }
0x6e: {  	_ =	shalt  }
0x6f: {  	_ =	shalt  }
0x70: {  	_ =	shalt  }
0x71: {  	_ =	shalt  }
0x72: {  	_ =	shalt  }
0x73: {  	_ =	shalt  }
0x74: {  	_ =	shalt  }
0x75: {  	_ =	shalt  }
0x76: {  	_ =	shalt  }
0x77: {  	_ =	shalt  }
0x78: {  	_ =	shalt  }
0x79: {  	_ =	shalt  }
0x7a: {  	_ =	shalt  }
0x7b: {  	_ =	shalt  }
0x7c: {  	_ =	shalt  }
0x7d: {  	_ =	shalt  }
0x7e: {  	_ =	shalt  }
0x7f: {  	_ =	shalt  }
0x80: {  	_ =	shalt  }
0x81: {  	_ =	shalt  }
0x82: {  	_ =	shalt  }
0x83: {  	_ =	shalt  }
0x84: {  	_ =	shalt  }
0x85: {  	_ =	shalt  }
0x86: {  	_ =	shalt  }
0x87: {  	_ =	shalt  }
.Lfunc_end0:
.L_simem_size_0:
called_computation.4_lowered:
.L_overlay_start_0:
0x88: {  	s2 =	sld [smem:$0x3FD9]  }
0x89: {  	s3 =	sld [smem:$0x3FFE];
	_ =	sdelay $0x1  }
0x8a: {  	s1 =	srdreg.scid  }
0x8b: {  	s0 =	sand.u32 $0x1, s1  }
0x8c: {  	s17 =	sshll.u32 s0, $0xA;
	s2 =	sadd.s32 s3, s2  }
0x8d: {  	s2 =	sadd.s32 s2, s17  }
0x8e: {  	[smem:$0x3FB2] =	sst s2  }
0x8f: {  	_ = 	snop  }
0x90: {  	s2 =	sld [smem:$0x3FD0];
	(tm) =	ssettm $0x1  }
0x91: {  	s18 =	sld [smem:$0x3FFB];
	_ =	sdelay $0x3  }
0x92: {  	_ =	strace s18  }
0x93: {  	s3 =	sld [smem:$0x3FFC];
	_ =	sdelay $0x3  }
0x94: {  	_ =	strace s3  }
0x95: {  	s3 =	sld [smem:$0x3FFD];
	_ =	sdelay $0x3  }
0x96: {  	_ =	strace s3  }
0x97: {  	_ =	strace $0x8FFFFFFF  }
0x98: {  	s19 =	sld [smem:$0x3FDB];
	_ =	sdelay $0x1  }
0x99: {  	s4 =	simm.s32 $_scs_section_size  }
0x9a: {  	s5 =	simm.s32 $_size__tile_overlayer_lowered;
	s6 =	simm.s32 $_tile_overlayer_lowered  }
0x9b: {  	s22 =	simm.s32 $0x1BFF;
	s21 =	sshll.u32 s6, $0x1;
	s3 =	sadd.s32 s4, s19  }
0x9c: {  	s7 =	simm.s32 $0x0;
	s20 =	sshll.u32 s5, $0x1;
	s5 =	sadd.s32 s21, s3  }
0x9d: {  	[timem:s7], [sflag:s22] =	dma.local [hbm:s5], s20  }
0x9e: {  	_ =	swait.ge [sflag:s22], s20  }
0x9f: {  	s4 =	ssub.s32 $0x0, s20;
	[sflag:s22] =	ssyncset.done $0x0  }
0xa0: {  	[sflag:s22] =	ssyncadd.s32 s4;
	_ =	sdelay $0x1  }
0xa1: {  	s23 =	simm.s32 $0x1B8B  }
0xa2: {  	_ =	swait.ge [sflag:s23], $0x1  }
0xa3: {  	[sflag:s23] =	ssyncset.done $0x0  }
0xa4: {  	s25 =	simm.s32 $0x1B8E;
	s24 =	sld [smem:$0x3FFE];
	[sflag:s23] =	ssyncadd.s32 $0xFFFFFFFF  }
0xa5: {  	s26 =	simm.s32 $execute0_lowered;
	[smem:$0x3FD2] =	sst s25  }
0xa6: {  	s5 =	sshll.u32 s26, $0x1;
	_ =	strace $0x8000004F;
	[dreg:$0x1] =	wrdreg $0xFFFFFFFF  }
0xa7: {  	s28 =	simm.s32 $_size_execute0_lowered;
	s3 =	sadd.s32 s3, s5;
	[dreg:$0x0] =	wrdreg $0x0  }
0xa8: {  	s5 =	sshll.u32 s28, $0x1;
	[dreg:$0x2] =	wrdreg s3  }
0xa9: {  	[dreg:$0x3] =	wrdreg s5  }
0xaa: {  	[dreg:$0x4] =	wrdreg $0xC0  }
0xab: {  	_ =	task [dreg:s7], $0x5FFFF  }
0xac: {  	[dreg:$0x1] =	wrdreg $0xFFFFFFFF  }
0xad: {  	[dreg:$0x0] =	wrdreg $0x60  }
0xae: {  	[dreg:$0x2] =	wrdreg s24  }
0xaf: {  	[dreg:$0x3] =	wrdreg s2  }
0xb0: {  	[dreg:$0x4] =	wrdreg $0x82000  }
0xb1: {  	[dreg:$0x5] =	wrdreg $0x9  }
0xb2: {  	_ =	task.clear_ibuf [dreg:s7], $0x6FFFF;
	_ =	strace $0x9000004F  }
0xb3: {  	s29 =	simm.s32 $0x9;
	_ =	strace $0x80000051  }
0xb4: {  	_ =	swait.ge [sflag:s29], $0x1  }
0xb5: {  	[sflag:s29] =	ssyncadd.s32 $0xFFFFFFFF  }
0xb6: {  	_ =	strace $0x90000051  }
0xb7: {  	_ =	sfence  }
0xb8: {  	s30 =	sld [smem:$0x0];
	_ =	sdelay $0x2  }
0xb9: {  	s31 =	sshll.u32 s1, $0xD;
	s1 =	sshrl.u32 s1, $0x2  }
0xba: {  	s3 =	sand.u32 $0x4000, s31;
	s1 =	sadd.s32 s1, s30  }
0xbb: {  	s0 =	sor.u32 s3, s0;
	s1 =	sshll.u32 s1, $0x11  }
0xbc: {  	s0 =	sor.u32 s1, s0  }
0xbd: {  	s0 =	sadd.s32 $0x8F2B, s0  }
0xbe: {  	[sflag:s0] =	ssyncadd.remote.s32 $0x1  }
0xbf: {  	_ =	sfence.sel $0xFFFF  }
0xc0: {  	[dreg:$0x0] =	wrdreg $0xFFFFFFFF;
	(pc) =	sbr.abs _section_cstart, $3  }
0xc1: {  	[dreg:$0x1] =	wrdreg $0xFFFFFFFF  }
0xc2: {  	_ =	task.clear_ibuf [dreg:s7], $0x2FFFF;
	_ =	strace $0x9FFFFFFF  }
0xc3: {  	(tm) =	ssettm $0x7FFFFFFF  }
tec
execute0_lowered:
.L_overlay_start_1:
0x0: {  	(tag) =	ssettag $0x1  }
0x1: {  	s7 =	rddreg [dreg:$0x0]  }
0x2: {  	s13 =	rddreg [dreg:$0x1]  }
0x3: {  	s1 =	rddreg [dreg:$0x2];
	s2 =	simm.s32 $0x0;
	s3 =	srdreg.scid  }
0x4: {  	s19 =	simm.s32 $0x80;
	s20 =	simm.s32 $0x180;
	s21 =	simm.s32 $0x1  }
0x5: {  	s22 =	simm.s32 $0x200;
	s23 =	simm.s32 $0x2;
	s24 =	simm.s32 $0x4200  }
0x6: {  	s25 =	simm.s32 $0x3;
	s26 =	simm.s32 $0x4;
	s28 =	simm.s32 $0x0  }
0x7: {  	[smem:$0x7FF] =	sst s2;
	s14 =	sand.u32 $0x1, s3;
	s4 =	sadd.s32 $0x25000, s7  }
0x8: {  	s3 =	stileid.u32;
	s5 =	sadd.s32 $0x15000, s7;
	s6 =	sadd.s32 $0x1D000, s7  }
0x9: {  	_ =	strace $0x80000050;
	s8 =	ssub.s32 $0x2, s14;
	s15 =	sshll.u32 s3, $0xC  }
0xa: {  	s29 =	sshll.u32 s3, $0xF;
	s30 =	sshll.u32 s3, $0xE;
	s31 =	sshll.u32 s14, $0xD  }
0xb: {  	s11 =	sshll.u32 s3, $0x6;
	s14 =	sshll.u32 s14, $0x10;
	s9 =	sshrl.u32 s8, $0x1  }
0xc: {  	s10 =	sadd.s32 s15, s7;
	s17 =	sadd.s32 s29, s1;
	s7 =	sor.u32 s31, s30  }
0xd: {  	s15 =	sadd.s32 s13, s15;
	s16 =	ssub.s32 s8, s9;
	s8 =	sadd.s32 $0x35000, s10  }
0xe: {  	s9 =	sor.u32 $0x1C05, s11;
	s12 =	sshrl.u32 s7, $0x3;
	s14 =	sadd.s32 s14, s15  }
0xf: {  	s10 =	sadd.s32 s5, s12;
	s11 =	sadd.s32 s6, s12;
	s18 =	sor.u32 $0x10, s12  }
0x10: {  	s15 =	smax.u32 s16, $0x1;
	s16 =	sshrl.u32 s17, $0x3;
	s17 =	simm.s32 $0x5  }
0x11: {  	s12 =	sadd.s32 s5, s18;
	s13 =	sadd.s32 s6, s18;
	s18 =	simm.s32 $0x100  }
.LBB2_1:
0x12: {  	[spmem:s16], [sflag:s9] =	dma.local [hbm:s8], $0x1000  }
0x13: {  	_ =	swait.ge [sflag:s17], $0x1000  }
0x14: {  	[sflag:s17] =	ssyncset.done $0x0  }
0x15: {  	[sflag:s17] =	ssyncadd.s32 $0xFFFFF000  }
0x16: {  	[bflag:$0x0] =	sbarrier.arrive $0xFFFF  }
0x17: {  	[tilespmem:s2], [sflag:$0x1] =	stream.linear.gather [hbm4b:s10+s2], $0x80, $0x38;
	[tilespmem:$0x10200] =	vst v63  }
0x18: {  	_ = 	snop  }
0x19: {  	[tilespmem:s18], [sflag:$0x1] =	stream.linear.gather [hbm4b:s11+s2], $0x80, $0x38;
	[tilespmem:$0x10200] =	vst v63  }
0x1a: {  	_ = 	snop  }
0x1b: {  	[tilespmem:s19], [sflag:$0x2] =	stream.linear.gather [hbm4b:s12+s2], $0x80, $0x38;
	[tilespmem:$0x10200] =	vst v63  }
0x1c: {  	_ = 	snop  }
0x1d: {  	[tilespmem:s20], [sflag:$0x2] =	stream.linear.gather [hbm4b:s13+s2], $0x80, $0x38;
	[tilespmem:$0x10200] =	vst v63  }
0x1e: {  	_ =	swait.ge [sflag:s21], $0x80  }
0x1f: {  	[sflag:s21] =	ssyncset.done $0x0  }
0x20: {  	[sflag:s21] =	ssyncadd.s32 $0xFFFFFF80  }
0x21: {  	_ =	swait.ge [sflag:s21], $0x80  }
0x22: {  	[sflag:s21] =	ssyncset.done $0x0  }
0x23: {  	[sflag:s21] =	ssyncadd.s32 $0xFFFFFF80  }
0x24: {  	[tilespmem:s22], [sflag:$0x3] =	stream.indirect.gather [hbm4b:s4+s19], $0x80, s2, s19, $0xb8;
	[tilespmem:$0x10200] =	vst v63  }
0x25: {  	_ =	swait.ge [sflag:s23], $0x80  }
0x26: {  	[sflag:s23] =	ssyncset.done $0x0  }
0x27: {  	[sflag:s23] =	ssyncadd.s32 $0xFFFFFF80  }
0x28: {  	s29 =	sadd.s32 $0xFFFFE000, s7;
	_ =	swait.ge [sflag:s23], $0x80  }
0x29: {  	s30 =	sadd.s32 $0x2100, s29;
	[sflag:s23] =	ssyncset.done $0x0  }
0x2a: {  	p0 =	slt.s32 s30, $0x3FF80;
	[sflag:s23] =	ssyncadd.s32 $0xFFFFFF80  }
0x2b: {  	[tilespmem:s24], [sflag:$0x4] =	stream.indirect.gather [hbm4b:s4+s19], $0x80, s19, s19, $0xb8;
	[tilespmem:$0x10200] =	vst v63  }
0x2c: {  	s30 =	simm.s32 @!p0 $0x3FF80;
	_ =	swait.ge [sflag:s25], $0x4000  }
0x2d: {  	s30 =	sshrl.u32 s30, $0x3;
	[sflag:s25] =	ssyncset.done $0x0  }
0x2e: {  	s31 =	sadd.s32 s5, s30;
	[sflag:s25] =	ssyncadd.s32 $0xFFFFC000  }
0x2f: {  	[tilespmem:s2], [sflag:$0x1] =	stream.linear.gather [hbm4b:s31+s2], $0x80, $0x38;
	[tilespmem:$0x10200] =	vst v63  }
0x30: {  	_ = 	snop  }
0x31: {  	[spmem:s1] =	stream.indirect.scatter.add.f32 [tilespmem:s22], [sflag:$0x5], $0x80, s18, s19, $0xb8;
	[tilespmem:$0x10200] =	vst v63  }
0x32: {  	_ =	swait.ge [sflag:s17], $0x4000  }
0x33: {  	[sflag:s17] =	ssyncset.done $0x0  }
0x34: {  	s30 =	sadd.s32 s6, s30;
	[sflag:s17] =	ssyncadd.s32 $0xFFFFC000  }
0x35: {  	[tilespmem:s18], [sflag:$0x1] =	stream.linear.gather [hbm4b:s30+s2], $0x80, $0x38;
	[tilespmem:$0x10200] =	vst v63  }
0x36: {  	_ =	swait.ge [sflag:s21], $0x80  }
0x37: {  	[sflag:s21] =	ssyncset.done $0x0  }
0x38: {  	[sflag:s21] =	ssyncadd.s32 $0xFFFFFF80  }
0x39: {  	_ =	swait.ge [sflag:s21], $0x80  }
0x3a: {  	s29 =	sadd.s32 $0x2180, s29;
	[sflag:s21] =	ssyncset.done $0x0  }
0x3b: {  	p0 =	slt.s32 s29, $0x3FF80;
	[sflag:s21] =	ssyncadd.s32 $0xFFFFFF80  }
0x3c: {  	[tilespmem:s22], [sflag:$0x3] =	stream.indirect.gather [hbm4b:s4+s19], $0x80, s2, s19, $0xb8;
	[tilespmem:$0x10200] =	vst v63  }
0x3d: {  	s29 =	simm.s32 @!p0 $0x3FF80;
	_ =	swait.ge [sflag:s26], $0x4000  }
0x3e: {  	s30 =	sshrl.u32 s29, $0x3;
	[sflag:s26] =	ssyncset.done $0x0  }
0x3f: {  	s29 =	sadd.s32 s5, s30;
	[sflag:s26] =	ssyncadd.s32 $0xFFFFC000  }
0x40: {  	[tilespmem:s19], [sflag:$0x2] =	stream.linear.gather [hbm4b:s29+s2], $0x80, $0x38;
	[tilespmem:$0x10200] =	vst v63  }
0x41: {  	s30 =	sadd.s32 s6, s30;
	s29 =	simm.s32 $0xFFFFE100  }
0x42: {  	[spmem:s1] =	stream.indirect.scatter.add.f32 [tilespmem:s24], [sflag:$0x5], $0x80, s20, s19, $0xb8;
	[tilespmem:$0x10200] =	vst v63  }
.LBB2_2:
0x43: {  	p0 =	sne.s32 s29, $0xFFFFFF00  }
0x44: {  	_ =	swait.ge [sflag:s17], $0x4000;
	s31 =	smov.u32 s29;
	s29 =	sadd.s32 $0x100, s29  }
0x45: {  	[sflag:s17] =	ssyncset.done $0x0  }
0x46: {  	[sflag:s17] =	ssyncadd.s32 $0xFFFFC000  }
0x47: {  	[tilespmem:s20], [sflag:$0x2] =	stream.linear.gather [hbm4b:s30+s2], $0x80, $0x38;
	[tilespmem:$0x10200] =	vst v63  }
0x48: {  	_ =	swait.ge [sflag:s23], $0x80  }
0x49: {  	s30 =	sadd.s32 s31, s7;
	[sflag:s23] =	ssyncset.done $0x0  }
0x4a: {  	s31 =	sadd.s32 $0x2100, s30;
	s30 =	sadd.s32 $0x2180, s30;
	[sflag:s23] =	ssyncadd.s32 $0xFFFFFF80  }
0x4b: {  	p1 =	slt.s32 s31, $0x3FF80;
	p2 =	slt.s32 s30, $0x3FF80;
	_ =	swait.ge [sflag:s23], $0x80  }
0x4c: {  	s31 =	simm.s32 @!p1 $0x3FF80;
	s30 =	simm.s32 @!p2 $0x3FF80;
	[sflag:s23] =	ssyncset.done $0x0  }
0x4d: {  	s31 =	sshrl.u32 s31, $0x3;
	s30 =	sshrl.u32 s30, $0x3;
	[sflag:s23] =	ssyncadd.s32 $0xFFFFFF80  }
0x4e: {  	[tilespmem:s24], [sflag:$0x4] =	stream.indirect.gather [hbm4b:s4+s19], $0x80, s19, s19, $0xb8;
	[tilespmem:$0x10200] =	vst v63  }
0x4f: {  	_ =	swait.ge [sflag:s25], $0x4000  }
0x50: {  	s0 =	sadd.s32 s5, s31;
	[sflag:s25] =	ssyncset.done $0x0  }
0x51: {  	[sflag:s25] =	ssyncadd.s32 $0xFFFFC000  }
0x52: {  	[tilespmem:s2], [sflag:$0x1] =	stream.linear.gather [hbm4b:s0+s2], $0x80, $0x38;
	[tilespmem:$0x10200] =	vst v63  }
0x53: {  	_ = 	snop  }
0x54: {  	[spmem:s1] =	stream.indirect.scatter.add.f32 [tilespmem:s22], [sflag:$0x5], $0x80, s18, s19, $0xb8;
	[tilespmem:$0x10200] =	vst v63  }
0x55: {  	s0 =	sadd.s32 s6, s31;
	_ =	swait.ge [sflag:s17], $0x4000  }
0x56: {  	[sflag:s17] =	ssyncset.done $0x0  }
0x57: {  	[sflag:s17] =	ssyncadd.s32 $0xFFFFC000  }
0x58: {  	[tilespmem:s18], [sflag:$0x1] =	stream.linear.gather [hbm4b:s0+s2], $0x80, $0x38;
	[tilespmem:$0x10200] =	vst v63  }
0x59: {  	_ =	swait.ge [sflag:s21], $0x80  }
0x5a: {  	[sflag:s21] =	ssyncset.done $0x0  }
0x5b: {  	[sflag:s21] =	ssyncadd.s32 $0xFFFFFF80  }
0x5c: {  	_ =	swait.ge [sflag:s21], $0x80  }
0x5d: {  	[sflag:s21] =	ssyncset.done $0x0  }
0x5e: {  	s0 =	sadd.s32 s5, s30;
	[sflag:s21] =	ssyncadd.s32 $0xFFFFFF80  }
0x5f: {  	[tilespmem:s22], [sflag:$0x3] =	stream.indirect.gather [hbm4b:s4+s19], $0x80, s2, s19, $0xb8;
	[tilespmem:$0x10200] =	vst v63  }
0x60: {  	_ =	swait.ge [sflag:s26], $0x4000  }
.Ltmp0:
0x61: {  	[sflag:s26] =	ssyncset.done $0x0;
	(pc) =	sbr.rel @p0 .LBB2_2-.Ltmp0, $4  }
0x62: {  	[sflag:s26] =	ssyncadd.s32 $0xFFFFC000  }
0x63: {  	[tilespmem:s19], [sflag:$0x2] =	stream.linear.gather [hbm4b:s0+s2], $0x80, $0x38;
	[tilespmem:$0x10200] =	vst v63  }
0x64: {  	s30 =	sadd.s32 s6, s30  }
0x65: {  	[spmem:s1] =	stream.indirect.scatter.add.f32 [tilespmem:s24], [sflag:$0x5], $0x80, s20, s19, $0xb8;
	[tilespmem:$0x10200] =	vst v63  }
0x66: {  	_ =	swait.ge [sflag:s17], $0x4000  }
0x67: {  	[sflag:s17] =	ssyncset.done $0x0  }
0x68: {  	[sflag:s17] =	ssyncadd.s32 $0xFFFFC000  }
0x69: {  	[tilespmem:s20], [sflag:$0x2] =	stream.linear.gather [hbm4b:s30+s2], $0x80, $0x38;
	[tilespmem:$0x10200] =	vst v63  }
0x6a: {  	_ =	swait.ge [sflag:s25], $0x4000  }
0x6b: {  	[sflag:s25] =	ssyncset.done $0x0  }
0x6c: {  	[sflag:s25] =	ssyncadd.s32 $0xFFFFC000  }
0x6d: {  	_ =	swait.ge [sflag:s23], $0x80  }
0x6e: {  	[sflag:s23] =	ssyncset.done $0x0  }
0x6f: {  	[sflag:s23] =	ssyncadd.s32 $0xFFFFFF80  }
0x70: {  	_ =	swait.ge [sflag:s23], $0x80  }
0x71: {  	s28 =	sadd.s32 $0x1, s28;
	[sflag:s23] =	ssyncset.done $0x0  }
0x72: {  	p0 =	sne.s32 s28, s15;
	[sflag:s23] =	ssyncadd.s32 $0xFFFFFF80  }
.Ltmp1:
0x73: {  	[bflag:$0x0] =	sbarrier.arrive $0xFFFF;
	(pc) =	sbr.rel @p0 .LBB2_1-.Ltmp1, $4  }
0x74: {  	[hbm:s14], [sflag:s9] =	dma.local [spmem:s16], $0x1000  }
0x75: {  	_ =	swait.ge [sflag:s17], $0x1000  }
0x76: {  	[sflag:s17] =	ssyncset.done $0x0  }
0x77: {  	[sflag:s17] =	ssyncadd.s32 $0xFFFFF000  }
0x78: {  	_ =	sfence.sel $0x180000  }
0x79: {  	[bflag:$0x0] =	sbarrier.arrive $0xFFFF  }
0x7a: {  	_ =	strace $0x90000050  }
0x7b: {  	[bflag:$0x2] =	sbarrier.arrive $0xFFFF  }
0x7c: {  	p0 =	sne.s32 s3, $0x0;
	s0 =	rddreg [dreg:$0x3]  }
0x7d: {  	s0 =	sadd.s32 @!p0 $0x100000, s0  }
0x7e: {  	[sflag:s0] =	ssyncadd.tile.s32 @!p0 $0x1;
	_ =	shalt  }
.Lfunc_end2:
_tile_overlayer_lowered:
.L_overlay_start_2:
0x7f: {  	(tag) =	ssettag $0x2  }
0x80: {  	s0 =	rddreg [dreg:$0x0];
	s2 =	stileid.u32  }
0x81: {  	s1 =	rddreg [dreg:$0x1];
	p0 =	sne.s32 s2, $0x0  }
0x82: {  	s3 =	rddreg [dreg:$0x2];
	[bflag:$0x3] =	sbarrier.arrive $0xFFFF;
	s2 =	simm.s32 @!p0 $0x1C05  }
0x83: {  	[timem:s3], [sflag:s2] =	dma.local @!p0 [hbm:s0], s1  }
0x84: {  	s0 =	simm.s32 @!p0 $0x5  }
0x85: {  	_ =	swait.ge @!p0 [sflag:s0], s1  }
0x86: {  	s1 =	ssub.s32 @!p0 $0x0, s1;
	[sflag:s0] =	ssyncset.done @!p0 $0x0  }
0x87: {  	[sflag:s0] =	ssyncadd.s32 @!p0 s1  }
0x88: {  	[bflag:$0x3] =	sbarrier.arrive $0xFFFF  }
0x89: {  	_ =	shalt  }

// kernel: kernel.25.cloned.1.call-start
scs
__scs_entry_jumppad:
0x0: {  	(pc) =	sbr.rel $0x88, $3  }
0x1: {  	(tag) =	ssettag $0x0;
	lr =	simm.s32 $0x1  }
0x2: {  	[smem:$0x3F8B] =	sst lr;
	_ =	strace $0xD0000000  }
0x3: {  	_ = 	snop  }
0x4: {  	_ = 	snop  }
0x5: {  	_ = 	snop  }
0x6: {  	_ = 	snop  }
0x7: {  	_ = 	snop  }
__scs_overlays_trampoline_lowered:
0x8: {  	[smem:$0x3F9A] =	sst s0  }
0x9: {  	[smem:$0x3F9B] =	sst s1  }
0xa: {  	[smem:$0x3F9C] =	sst s2  }
0xb: {  	[smem:$0x3F9D] =	sst s3  }
0xc: {  	[smem:$0x3F9E] =	sst s4  }
0xd: {  	[smem:$0x3F9F] =	sst s5  }
0xe: {  	[smem:$0x3FA0] =	sst s6  }
0xf: {  	[smem:$0x3FA1] =	sst s7  }
0x10: {  	[smem:$0x3FA2] =	sst s8  }
0x11: {  	[smem:$0x3FA3] =	sst s9;
	s0 =	simm.s32 @!p0 $0x0  }
0x12: {  	s1 =	sld [smem:$0x3F89];
	s0 =	simm.s32 @p0 $0x1  }
0x13: {  	[smem:$0x3FA4] =	sst s0;
	s0 =	simm.s32 @!p1 $0x0  }
0x14: {  	s2 =	sld [smem:$0x3F88];
	s0 =	simm.s32 @p1 $0x1  }
0x15: {  	[smem:$0x3FA5] =	sst s0;
	s0 =	simm.s32 @!p2 $0x0  }
0x16: {  	s3 =	sld [smem:$0x3FDB];
	s0 =	simm.s32 @p2 $0x1  }
0x17: {  	s4 =	simm.s32 $0x1BF5;
	[smem:$0x3FA7] =	sst s0  }
0x18: {  	s0 =	sld [smem:$0x3F8A];
	_ =	swait.ge [sflag:s4], $0x0  }
0x19: {  	s7 =	sld [smem:$0x3F8B]  }
0x1a: {  	s8 =	sadd.s32 $0xFFFFE003, lr  }
0x1b: {  	s9 =	sadd.s32 $0xFFFFFEF7, lr;
	s5 =	simm.s32 $0xFFFFFFFF;
	p2 =	slt.u32 s8, $0xFFFFF086  }
0x1c: {  	p1 =	slt.u32 s9, $0xF7A;
	s5 =	simm.s32 @!p2 $0x0  }
0x1d: {  	s5 =	simm.s32 @p1 $0x1;
	p0 =	seq.s32 s7, s2  }
0x1e: {  	s7 =	smul.u32 @!p0 $0xF7A, s2;
	p2 =	seq.s32 @!p0 s5, $0x0  }
0x1f: {  	s9 =	smul.u32 $0xF7A, s1;
	s8 =	simm.s32 @!p0 $0x1BF5;
	p2 =	por !p2, p0  }
0x20: {  	[sflag:s8] =	ssyncset.s32 @!p0 $0xFFFFF086;
	s6 =	sadd.s32 @!p0 s3, s7;
	s7 =	simm.s32 @!p0 $0x108  }
0x21: {  	s3 =	sadd.s32 s3, s9;
	s6 =	sadd.s32 @!p0 $0x88, s6;
	s7 =	simm.s32 @p2 $0x1082  }
0x22: {  	[simem:s7], [sflag:s8] =	dma.local @!p0 [hbm:s6], $0xF7A  }
0x23: {  	s9 =	sor.u32 $0xD0000000, s2;
	s6 =	simm.s32 $0x108;
	_ =	swait.ge @!p0 [sflag:s8], $0x0  }
0x24: {  	s3 =	sadd.s32 $0x88, s3;
	s6 =	simm.s32 @!p1 $0x1082;
	[sflag:s4] =	ssyncset.s32 $0xFFFFF086  }
0x25: {  	[simem:s6], [sflag:s4] =	dma.local [hbm:s3], $0xF7A  }
0x26: {  	[smem:$0x3F8B] =	sst s1;
	(tag) =	ssettag s2;
	_ =	strace s9  }
0x27: {  	s1 =	sld [smem:$0x3F9B]  }
0x28: {  	s2 =	sld [smem:$0x3F9C]  }
0x29: {  	s4 =	sld [smem:$0x3F9E]  }
0x2a: {  	p0 =	seq.s32 s5, $0x0;
	s5 =	sld [smem:$0x3F9F]  }
0x2b: {  	s6 =	sld [smem:$0x3FA0]  }
0x2c: {  	s7 =	sld [smem:$0x3FA1]  }
0x2d: {  	s3 =	simm.s32 $0x108;
	s8 =	sld [smem:$0x3FA2]  }
0x2e: {  	s3 =	simm.s32 @!p0 $0x1082;
	s9 =	sld [smem:$0x3FA3]  }
0x2f: {  	lr =	sadd.s32 s0, s3;
	s0 =	sld [smem:$0x3F9A]  }
0x30: {  	s3 =	sld [smem:$0x3F9D]  }
0x31: {  	[smem:$0x3FA6] =	sst s10  }
0x32: {  	s10 =	sld [smem:$0x3FA4];
	_ =	sdelay $0x3  }
0x33: {  	p0 =	seq.s32 s10, $0x1;
	s10 =	sld [smem:$0x3FA6];
	_ =	sdelay $0x3  }
0x34: {  	[smem:$0x3FA6] =	sst s10  }
0x35: {  	s10 =	sld [smem:$0x3FA5];
	_ =	sdelay $0x3  }
0x36: {  	p1 =	seq.s32 s10, $0x1;
	s10 =	sld [smem:$0x3FA6];
	_ =	sdelay $0x3  }
0x37: {  	[smem:$0x3FA6] =	sst s10  }
0x38: {  	s10 =	sld [smem:$0x3FA7]  }
0x39: {  	_ = 	snop;
	(pc) =	sbr.ind lr, $3  }
0x3a: {  	_ = 	snop  }
0x3b: {  	_ = 	snop  }
0x3c: {  	p2 =	seq.s32 s10, $0x1;
	s10 =	sld [smem:$0x3FA6]  }
0x3d: {  	_ =	shalt  }
0x3e: {  	_ =	shalt  }
0x3f: {  	_ =	shalt  }
0x40: {  	_ =	shalt  }
0x41: {  	_ =	shalt  }
0x42: {  	_ =	shalt  }
0x43: {  	_ =	shalt  }
0x44: {  	_ =	shalt  }
0x45: {  	_ =	shalt  }
0x46: {  	_ =	shalt  }
0x47: {  	_ =	shalt  }
0x48: {  	_ =	shalt  }
0x49: {  	_ =	shalt  }
0x4a: {  	_ =	shalt  }
0x4b: {  	_ =	shalt  }
0x4c: {  	_ =	shalt  }
0x4d: {  	_ =	shalt  }
0x4e: {  	_ =	shalt  }
0x4f: {  	_ =	shalt  }
0x50: {  	_ =	shalt  }
0x51: {  	_ =	shalt  }
0x52: {  	_ =	shalt  }
0x53: {  	_ =	shalt  }
0x54: {  	_ =	shalt  }
0x55: {  	_ =	shalt  }
0x56: {  	_ =	shalt  }
0x57: {  	_ =	shalt  }
0x58: {  	_ =	shalt  }
0x59: {  	_ =	shalt  }
0x5a: {  	_ =	shalt  }
0x5b: {  	_ =	shalt  }
0x5c: {  	_ =	shalt  }
0x5d: {  	_ =	shalt  }
0x5e: {  	_ =	shalt  }
0x5f: {  	_ =	shalt  }
0x60: {  	_ =	shalt  }
0x61: {  	_ =	shalt  }
0x62: {  	_ =	shalt  }
0x63: {  	_ =	shalt  }
0x64: {  	_ =	shalt  }
0x65: {  	_ =	shalt  }
0x66: {  	_ =	shalt  }
0x67: {  	_ =	shalt  }
0x68: {  	_ =	shalt  }
0x69: {  	_ =	shalt  }
0x6a: {  	_ =	shalt  }
0x6b: {  	_ =	shalt  }
0x6c: {  	_ =	shalt  }
0x6d: {  	_ =	shalt  }
0x6e: {  	_ =	shalt  }
0x6f: {  	_ =	shalt  }
0x70: {  	_ =	shalt  }
0x71: {  	_ =	shalt  }
0x72: {  	_ =	shalt  }
0x73: {  	_ =	shalt  }
0x74: {  	_ =	shalt  }
0x75: {  	_ =	shalt  }
0x76: {  	_ =	shalt  }
0x77: {  	_ =	shalt  }
0x78: {  	_ =	shalt  }
0x79: {  	_ =	shalt  }
0x7a: {  	_ =	shalt  }
0x7b: {  	_ =	shalt  }
0x7c: {  	_ =	shalt  }
0x7d: {  	_ =	shalt  }
0x7e: {  	_ =	shalt  }
0x7f: {  	_ =	shalt  }
0x80: {  	_ =	shalt  }
0x81: {  	_ =	shalt  }
0x82: {  	_ =	shalt  }
0x83: {  	_ =	shalt  }
0x84: {  	_ =	shalt  }
0x85: {  	_ =	shalt  }
0x86: {  	_ =	shalt  }
0x87: {  	_ =	shalt  }
.Lfunc_end0:
.L_simem_size_0:
called_computation.5_lowered:
.L_overlay_start_0:
0x88: {  	s2 =	sld [smem:$0x3FD9]  }
0x89: {  	s3 =	sld [smem:$0x3FFE];
	_ =	sdelay $0x1  }
0x8a: {  	s1 =	srdreg.scid  }
0x8b: {  	s0 =	sand.u32 $0x1, s1  }
0x8c: {  	s17 =	sshll.u32 s0, $0xA;
	s2 =	sadd.s32 s3, s2  }
0x8d: {  	s2 =	sadd.s32 s2, s17  }
0x8e: {  	[smem:$0x3FB2] =	sst s2  }
0x8f: {  	_ = 	snop  }
0x90: {  	s2 =	sld [smem:$0x3FD0];
	(tm) =	ssettm $0x1  }
0x91: {  	s18 =	sld [smem:$0x3FFB];
	_ =	sdelay $0x3  }
0x92: {  	_ =	strace s18  }
0x93: {  	s3 =	sld [smem:$0x3FFC];
	_ =	sdelay $0x3  }
0x94: {  	_ =	strace s3  }
0x95: {  	s3 =	sld [smem:$0x3FFD];
	_ =	sdelay $0x3  }
0x96: {  	_ =	strace s3  }
0x97: {  	_ =	strace $0x8FFFFFFF  }
0x98: {  	s19 =	sld [smem:$0x3FDB];
	_ =	sdelay $0x1  }
0x99: {  	s4 =	simm.s32 $_scs_section_size  }
0x9a: {  	s5 =	simm.s32 $_size__tile_overlayer_lowered;
	s6 =	simm.s32 $_tile_overlayer_lowered  }
0x9b: {  	s22 =	simm.s32 $0x1BFF;
	s21 =	sshll.u32 s6, $0x1;
	s3 =	sadd.s32 s4, s19  }
0x9c: {  	s7 =	simm.s32 $0x0;
	s20 =	sshll.u32 s5, $0x1;
	s5 =	sadd.s32 s21, s3  }
0x9d: {  	[timem:s7], [sflag:s22] =	dma.local [hbm:s5], s20  }
0x9e: {  	_ =	swait.ge [sflag:s22], s20  }
0x9f: {  	s4 =	ssub.s32 $0x0, s20;
	[sflag:s22] =	ssyncset.done $0x0  }
0xa0: {  	[sflag:s22] =	ssyncadd.s32 s4;
	_ =	sdelay $0x1  }
0xa1: {  	s23 =	simm.s32 $0x1B8B  }
0xa2: {  	_ =	swait.ge [sflag:s23], $0x1  }
0xa3: {  	[sflag:s23] =	ssyncset.done $0x0  }
0xa4: {  	s25 =	simm.s32 $0x1B8E;
	s24 =	sld [smem:$0x3FFE];
	[sflag:s23] =	ssyncadd.s32 $0xFFFFFFFF  }
0xa5: {  	s26 =	simm.s32 $execute0_lowered;
	[smem:$0x3FD2] =	sst s25  }
0xa6: {  	s5 =	sshll.u32 s26, $0x1;
	_ =	strace $0x80000052;
	[dreg:$0x1] =	wrdreg $0xFFFFFFFF  }
0xa7: {  	s28 =	simm.s32 $_size_execute0_lowered;
	s3 =	sadd.s32 s3, s5;
	[dreg:$0x0] =	wrdreg $0x0  }
0xa8: {  	s5 =	sshll.u32 s28, $0x1;
	[dreg:$0x2] =	wrdreg s3  }
0xa9: {  	[dreg:$0x3] =	wrdreg s5  }
0xaa: {  	[dreg:$0x4] =	wrdreg $0xC0  }
0xab: {  	_ =	task [dreg:s7], $0x5FFFF  }
0xac: {  	[dreg:$0x1] =	wrdreg $0xFFFFFFFF  }
0xad: {  	[dreg:$0x0] =	wrdreg $0x60  }
0xae: {  	[dreg:$0x2] =	wrdreg s24  }
0xaf: {  	[dreg:$0x3] =	wrdreg s2  }
0xb0: {  	[dreg:$0x4] =	wrdreg $0x82000  }
0xb1: {  	[dreg:$0x5] =	wrdreg $0x9  }
0xb2: {  	_ =	task.clear_ibuf [dreg:s7], $0x6FFFF;
	_ =	strace $0x90000052  }
0xb3: {  	s29 =	simm.s32 $0x9;
	_ =	strace $0x80000054  }
0xb4: {  	_ =	swait.ge [sflag:s29], $0x1  }
0xb5: {  	[sflag:s29] =	ssyncadd.s32 $0xFFFFFFFF  }
0xb6: {  	_ =	strace $0x90000054  }
0xb7: {  	_ =	sfence  }
0xb8: {  	s30 =	sld [smem:$0x0];
	_ =	sdelay $0x2  }
0xb9: {  	s31 =	sshll.u32 s1, $0xD;
	s1 =	sshrl.u32 s1, $0x2  }
0xba: {  	s3 =	sand.u32 $0x4000, s31;
	s1 =	sadd.s32 s1, s30  }
0xbb: {  	s0 =	sor.u32 s3, s0;
	s1 =	sshll.u32 s1, $0x11  }
0xbc: {  	s0 =	sor.u32 s1, s0  }
0xbd: {  	s0 =	sadd.s32 $0x8F2B, s0  }
0xbe: {  	[sflag:s0] =	ssyncadd.remote.s32 $0x1  }
0xbf: {  	_ =	sfence.sel $0xFFFF  }
0xc0: {  	[dreg:$0x0] =	wrdreg $0xFFFFFFFF;
	(pc) =	sbr.abs _section_cstart, $3  }
0xc1: {  	[dreg:$0x1] =	wrdreg $0xFFFFFFFF  }
0xc2: {  	_ =	task.clear_ibuf [dreg:s7], $0x2FFFF;
	_ =	strace $0x9FFFFFFF  }
0xc3: {  	(tm) =	ssettm $0x7FFFFFFF  }
tec
execute0_lowered:
.L_overlay_start_1:
0x0: {  	(tag) =	ssettag $0x1  }
0x1: {  	s7 =	rddreg [dreg:$0x0]  }
0x2: {  	s13 =	rddreg [dreg:$0x1]  }
0x3: {  	s1 =	rddreg [dreg:$0x2];
	s2 =	simm.s32 $0x0  }
0x4: {  	s5 =	srdreg.scid;
	s3 =	stileid.u32;
	s19 =	simm.s32 $0x80  }
0x5: {  	s20 =	simm.s32 $0x180;
	s21 =	simm.s32 $0x1;
	s22 =	simm.s32 $0x200  }
0x6: {  	s23 =	simm.s32 $0x2;
	s24 =	simm.s32 $0x4200;
	s25 =	simm.s32 $0x3  }
0x7: {  	s26 =	simm.s32 $0x4;
	s28 =	simm.s32 $0x0;
	[smem:$0x7FF] =	sst s2  }
0x8: {  	s4 =	sadd.s32 $0xA200, s7;
	s14 =	sand.u32 $0x1, s5;
	s5 =	sadd.s32 $0x8200, s7  }
0x9: {  	s15 =	sshll.u32 s3, $0xC;
	s6 =	sadd.s32 $0x6200, s7;
	s30 =	sshll.u32 s3, $0xF  }
0xa: {  	s10 =	sshll.u32 s3, $0x6;
	_ =	strace $0x80000053;
	s8 =	ssub.s32 $0x2, s14  }
0xb: {  	s9 =	sadd.s32 s15, s7;
	s31 =	sshll.u32 s14, $0xB;
	s17 =	sadd.s32 s30, s1  }
0xc: {  	s14 =	sshll.u32 s14, $0x10;
	s29 =	sshrl.u32 s8, $0x1;
	s7 =	sor.u32 s31, s15  }
0xd: {  	s15 =	sadd.s32 s13, s15;
	s16 =	ssub.s32 s8, s29;
	s8 =	sadd.s32 $0x35000, s9  }
0xe: {  	s9 =	sor.u32 $0x1C05, s10;
	s12 =	sshrl.u32 s7, $0x3;
	s14 =	sadd.s32 s14, s15  }
0xf: {  	s10 =	sadd.s32 s5, s12;
	s11 =	sadd.s32 s6, s12;
	s18 =	sor.u32 $0x10, s12  }
0x10: {  	s15 =	smax.u32 s16, $0x1;
	s16 =	sshrl.u32 s17, $0x3;
	s17 =	simm.s32 $0x5  }
0x11: {  	s12 =	sadd.s32 s5, s18;
	s13 =	sadd.s32 s6, s18;
	s18 =	simm.s32 $0x100  }
.LBB2_1:
0x12: {  	[spmem:s16], [sflag:s9] =	dma.local [hbm:s8], $0x1000  }
0x13: {  	_ =	swait.ge [sflag:s17], $0x1000  }
0x14: {  	[sflag:s17] =	ssyncset.done $0x0  }
0x15: {  	[sflag:s17] =	ssyncadd.s32 $0xFFFFF000  }
0x16: {  	[bflag:$0x0] =	sbarrier.arrive $0xFFFF  }
0x17: {  	[tilespmem:s2], [sflag:$0x1] =	stream.linear.gather [hbm4b:s10+s2], $0x80, $0x38;
	[tilespmem:$0x10200] =	vst v63  }
0x18: {  	_ = 	snop  }
0x19: {  	[tilespmem:s18], [sflag:$0x1] =	stream.linear.gather [hbm4b:s11+s2], $0x80, $0x38;
	[tilespmem:$0x10200] =	vst v63  }
0x1a: {  	_ = 	snop  }
0x1b: {  	[tilespmem:s19], [sflag:$0x2] =	stream.linear.gather [hbm4b:s12+s2], $0x80, $0x38;
	[tilespmem:$0x10200] =	vst v63  }
0x1c: {  	_ = 	snop  }
0x1d: {  	[tilespmem:s20], [sflag:$0x2] =	stream.linear.gather [hbm4b:s13+s2], $0x80, $0x38;
	[tilespmem:$0x10200] =	vst v63  }
0x1e: {  	_ =	swait.ge [sflag:s21], $0x80  }
0x1f: {  	[sflag:s21] =	ssyncset.done $0x0  }
0x20: {  	[sflag:s21] =	ssyncadd.s32 $0xFFFFFF80  }
0x21: {  	_ =	swait.ge [sflag:s21], $0x80  }
0x22: {  	[sflag:s21] =	ssyncset.done $0x0  }
0x23: {  	[sflag:s21] =	ssyncadd.s32 $0xFFFFFF80  }
0x24: {  	[tilespmem:s22], [sflag:$0x3] =	stream.indirect.gather [hbm4b:s4+s19], $0x80, s2, s19, $0xb8;
	[tilespmem:$0x10200] =	vst v63  }
0x25: {  	_ =	swait.ge [sflag:s23], $0x80  }
0x26: {  	[sflag:s23] =	ssyncset.done $0x0  }
0x27: {  	[sflag:s23] =	ssyncadd.s32 $0xFFFFFF80  }
0x28: {  	s29 =	sadd.s32 $0xFFFFF800, s7;
	_ =	swait.ge [sflag:s23], $0x80  }
0x29: {  	s30 =	sadd.s32 $0x900, s29;
	[sflag:s23] =	ssyncset.done $0x0  }
0x2a: {  	p0 =	slt.s32 s30, $0xFF80;
	[sflag:s23] =	ssyncadd.s32 $0xFFFFFF80  }
0x2b: {  	[tilespmem:s24], [sflag:$0x4] =	stream.indirect.gather [hbm4b:s4+s19], $0x80, s19, s19, $0xb8;
	[tilespmem:$0x10200] =	vst v63  }
0x2c: {  	s30 =	simm.s32 @!p0 $0xFF80;
	_ =	swait.ge [sflag:s25], $0x4000  }
0x2d: {  	s30 =	sshrl.u32 s30, $0x3;
	[sflag:s25] =	ssyncset.done $0x0  }
0x2e: {  	s31 =	sadd.s32 s5, s30;
	[sflag:s25] =	ssyncadd.s32 $0xFFFFC000  }
0x2f: {  	[tilespmem:s2], [sflag:$0x1] =	stream.linear.gather [hbm4b:s31+s2], $0x80, $0x38;
	[tilespmem:$0x10200] =	vst v63  }
0x30: {  	_ = 	snop  }
0x31: {  	[spmem:s1] =	stream.indirect.scatter.add.f32 [tilespmem:s22], [sflag:$0x5], $0x80, s18, s19, $0xb8;
	[tilespmem:$0x10200] =	vst v63  }
0x32: {  	_ =	swait.ge [sflag:s17], $0x4000  }
0x33: {  	[sflag:s17] =	ssyncset.done $0x0  }
0x34: {  	s30 =	sadd.s32 s6, s30;
	[sflag:s17] =	ssyncadd.s32 $0xFFFFC000  }
0x35: {  	[tilespmem:s18], [sflag:$0x1] =	stream.linear.gather [hbm4b:s30+s2], $0x80, $0x38;
	[tilespmem:$0x10200] =	vst v63  }
0x36: {  	_ =	swait.ge [sflag:s21], $0x80  }
0x37: {  	[sflag:s21] =	ssyncset.done $0x0  }
0x38: {  	[sflag:s21] =	ssyncadd.s32 $0xFFFFFF80  }
0x39: {  	_ =	swait.ge [sflag:s21], $0x80  }
0x3a: {  	s29 =	sadd.s32 $0x980, s29;
	[sflag:s21] =	ssyncset.done $0x0  }
0x3b: {  	p0 =	slt.s32 s29, $0xFF80;
	[sflag:s21] =	ssyncadd.s32 $0xFFFFFF80  }
0x3c: {  	[tilespmem:s22], [sflag:$0x3] =	stream.indirect.gather [hbm4b:s4+s19], $0x80, s2, s19, $0xb8;
	[tilespmem:$0x10200] =	vst v63  }
0x3d: {  	s29 =	simm.s32 @!p0 $0xFF80;
	_ =	swait.ge [sflag:s26], $0x4000  }
0x3e: {  	s30 =	sshrl.u32 s29, $0x3;
	[sflag:s26] =	ssyncset.done $0x0  }
0x3f: {  	s29 =	sadd.s32 s5, s30;
	[sflag:s26] =	ssyncadd.s32 $0xFFFFC000  }
0x40: {  	[tilespmem:s19], [sflag:$0x2] =	stream.linear.gather [hbm4b:s29+s2], $0x80, $0x38;
	[tilespmem:$0x10200] =	vst v63  }
0x41: {  	s30 =	sadd.s32 s6, s30;
	s29 =	simm.s32 $0xFFFFF900  }
0x42: {  	[spmem:s1] =	stream.indirect.scatter.add.f32 [tilespmem:s24], [sflag:$0x5], $0x80, s20, s19, $0xb8;
	[tilespmem:$0x10200] =	vst v63  }
.LBB2_2:
0x43: {  	p0 =	sne.s32 s29, $0xFFFFFF00  }
0x44: {  	_ =	swait.ge [sflag:s17], $0x4000;
	s31 =	smov.u32 s29;
	s29 =	sadd.s32 $0x100, s29  }
0x45: {  	[sflag:s17] =	ssyncset.done $0x0  }
0x46: {  	[sflag:s17] =	ssyncadd.s32 $0xFFFFC000  }
0x47: {  	[tilespmem:s20], [sflag:$0x2] =	stream.linear.gather [hbm4b:s30+s2], $0x80, $0x38;
	[tilespmem:$0x10200] =	vst v63  }
0x48: {  	_ =	swait.ge [sflag:s23], $0x80  }
0x49: {  	s30 =	sadd.s32 s31, s7;
	[sflag:s23] =	ssyncset.done $0x0  }
0x4a: {  	s31 =	sadd.s32 $0x900, s30;
	s30 =	sadd.s32 $0x980, s30;
	[sflag:s23] =	ssyncadd.s32 $0xFFFFFF80  }
0x4b: {  	p1 =	slt.s32 s31, $0xFF80;
	p2 =	slt.s32 s30, $0xFF80;
	_ =	swait.ge [sflag:s23], $0x80  }
0x4c: {  	s31 =	simm.s32 @!p1 $0xFF80;
	s30 =	simm.s32 @!p2 $0xFF80;
	[sflag:s23] =	ssyncset.done $0x0  }
0x4d: {  	s31 =	sshrl.u32 s31, $0x3;
	s30 =	sshrl.u32 s30, $0x3;
	[sflag:s23] =	ssyncadd.s32 $0xFFFFFF80  }
0x4e: {  	[tilespmem:s24], [sflag:$0x4] =	stream.indirect.gather [hbm4b:s4+s19], $0x80, s19, s19, $0xb8;
	[tilespmem:$0x10200] =	vst v63  }
0x4f: {  	_ =	swait.ge [sflag:s25], $0x4000  }
0x50: {  	s0 =	sadd.s32 s5, s31;
	[sflag:s25] =	ssyncset.done $0x0  }
0x51: {  	[sflag:s25] =	ssyncadd.s32 $0xFFFFC000  }
0x52: {  	[tilespmem:s2], [sflag:$0x1] =	stream.linear.gather [hbm4b:s0+s2], $0x80, $0x38;
	[tilespmem:$0x10200] =	vst v63  }
0x53: {  	_ = 	snop  }
0x54: {  	[spmem:s1] =	stream.indirect.scatter.add.f32 [tilespmem:s22], [sflag:$0x5], $0x80, s18, s19, $0xb8;
	[tilespmem:$0x10200] =	vst v63  }
0x55: {  	s0 =	sadd.s32 s6, s31;
	_ =	swait.ge [sflag:s17], $0x4000  }
0x56: {  	[sflag:s17] =	ssyncset.done $0x0  }
0x57: {  	[sflag:s17] =	ssyncadd.s32 $0xFFFFC000  }
0x58: {  	[tilespmem:s18], [sflag:$0x1] =	stream.linear.gather [hbm4b:s0+s2], $0x80, $0x38;
	[tilespmem:$0x10200] =	vst v63  }
0x59: {  	_ =	swait.ge [sflag:s21], $0x80  }
0x5a: {  	[sflag:s21] =	ssyncset.done $0x0  }
0x5b: {  	[sflag:s21] =	ssyncadd.s32 $0xFFFFFF80  }
0x5c: {  	_ =	swait.ge [sflag:s21], $0x80  }
0x5d: {  	[sflag:s21] =	ssyncset.done $0x0  }
0x5e: {  	s0 =	sadd.s32 s5, s30;
	[sflag:s21] =	ssyncadd.s32 $0xFFFFFF80  }
0x5f: {  	[tilespmem:s22], [sflag:$0x3] =	stream.indirect.gather [hbm4b:s4+s19], $0x80, s2, s19, $0xb8;
	[tilespmem:$0x10200] =	vst v63  }
0x60: {  	_ =	swait.ge [sflag:s26], $0x4000  }
.Ltmp0:
0x61: {  	[sflag:s26] =	ssyncset.done $0x0;
	(pc) =	sbr.rel @p0 .LBB2_2-.Ltmp0, $4  }
0x62: {  	[sflag:s26] =	ssyncadd.s32 $0xFFFFC000  }
0x63: {  	[tilespmem:s19], [sflag:$0x2] =	stream.linear.gather [hbm4b:s0+s2], $0x80, $0x38;
	[tilespmem:$0x10200] =	vst v63  }
0x64: {  	s30 =	sadd.s32 s6, s30  }
0x65: {  	[spmem:s1] =	stream.indirect.scatter.add.f32 [tilespmem:s24], [sflag:$0x5], $0x80, s20, s19, $0xb8;
	[tilespmem:$0x10200] =	vst v63  }
0x66: {  	_ =	swait.ge [sflag:s17], $0x4000  }
0x67: {  	[sflag:s17] =	ssyncset.done $0x0  }
0x68: {  	[sflag:s17] =	ssyncadd.s32 $0xFFFFC000  }
0x69: {  	[tilespmem:s20], [sflag:$0x2] =	stream.linear.gather [hbm4b:s30+s2], $0x80, $0x38;
	[tilespmem:$0x10200] =	vst v63  }
0x6a: {  	_ =	swait.ge [sflag:s25], $0x4000  }
0x6b: {  	[sflag:s25] =	ssyncset.done $0x0  }
0x6c: {  	[sflag:s25] =	ssyncadd.s32 $0xFFFFC000  }
0x6d: {  	_ =	swait.ge [sflag:s23], $0x80  }
0x6e: {  	[sflag:s23] =	ssyncset.done $0x0  }
0x6f: {  	[sflag:s23] =	ssyncadd.s32 $0xFFFFFF80  }
0x70: {  	_ =	swait.ge [sflag:s23], $0x80  }
0x71: {  	s28 =	sadd.s32 $0x1, s28;
	[sflag:s23] =	ssyncset.done $0x0  }
0x72: {  	p0 =	sne.s32 s28, s15;
	[sflag:s23] =	ssyncadd.s32 $0xFFFFFF80  }
.Ltmp1:
0x73: {  	[bflag:$0x0] =	sbarrier.arrive $0xFFFF;
	(pc) =	sbr.rel @p0 .LBB2_1-.Ltmp1, $4  }
0x74: {  	[hbm:s14], [sflag:s9] =	dma.local [spmem:s16], $0x1000  }
0x75: {  	_ =	swait.ge [sflag:s17], $0x1000  }
0x76: {  	[sflag:s17] =	ssyncset.done $0x0  }
0x77: {  	[sflag:s17] =	ssyncadd.s32 $0xFFFFF000  }
0x78: {  	_ =	sfence.sel $0x180000  }
0x79: {  	[bflag:$0x0] =	sbarrier.arrive $0xFFFF  }
0x7a: {  	_ =	strace $0x90000053  }
0x7b: {  	[bflag:$0x2] =	sbarrier.arrive $0xFFFF  }
0x7c: {  	p0 =	sne.s32 s3, $0x0;
	s0 =	rddreg [dreg:$0x3]  }
0x7d: {  	s0 =	sadd.s32 @!p0 $0x100000, s0  }
0x7e: {  	[sflag:s0] =	ssyncadd.tile.s32 @!p0 $0x1;
	_ =	shalt  }
.Lfunc_end2:
_tile_overlayer_lowered:
.L_overlay_start_2:
0x7f: {  	(tag) =	ssettag $0x2  }
0x80: {  	s0 =	rddreg [dreg:$0x0];
	s2 =	stileid.u32  }
0x81: {  	s1 =	rddreg [dreg:$0x1];
	p0 =	sne.s32 s2, $0x0  }
0x82: {  	s3 =	rddreg [dreg:$0x2];
	[bflag:$0x3] =	sbarrier.arrive $0xFFFF;
	s2 =	simm.s32 @!p0 $0x1C05  }
0x83: {  	[timem:s3], [sflag:s2] =	dma.local @!p0 [hbm:s0], s1  }
0x84: {  	s0 =	simm.s32 @!p0 $0x5  }
0x85: {  	_ =	swait.ge @!p0 [sflag:s0], s1  }
0x86: {  	s1 =	ssub.s32 @!p0 $0x0, s1;
	[sflag:s0] =	ssyncset.done @!p0 $0x0  }
0x87: {  	[sflag:s0] =	ssyncadd.s32 @!p0 s1  }
0x88: {  	[bflag:$0x3] =	sbarrier.arrive $0xFFFF  }
0x89: {  	_ =	shalt  }

// kernel: sparse-core-data-format-call.cloned.1.call-start
scs
called_computation_lowered:
.L_overlay_start_0:
0x0: {  	s2 =	sld [smem:$0x3FD9]  }
0x1: {  	s3 =	sld [smem:$0x3FFE];
	_ =	sdelay $0x1  }
0x2: {  	s1 =	srdreg.scid  }
0x3: {  	s0 =	sand.u32 $0x1, s1  }
0x4: {  	s18 =	sshll.u32 s0, $0xA;
	s2 =	sadd.s32 s3, s2  }
0x5: {  	s2 =	sadd.s32 s2, s18  }
0x6: {  	[smem:$0x3FB2] =	sst s2  }
0x7: {  	_ = 	snop  }
0x8: {  	s2 =	sld [smem:$0x3FD0];
	(tm) =	ssettm $0x1  }
0x9: {  	s19 =	sld [smem:$0x3FFB];
	_ =	sdelay $0x3  }
0xa: {  	_ =	strace s19  }
0xb: {  	s3 =	sld [smem:$0x3FFC];
	_ =	sdelay $0x3  }
0xc: {  	_ =	strace s3  }
0xd: {  	s3 =	sld [smem:$0x3FFD];
	_ =	sdelay $0x3  }
0xe: {  	_ =	strace s3  }
0xf: {  	_ =	strace $0x8FFFFFFF  }
0x10: {  	s20 =	sld [smem:$0x3FDB];
	_ =	sdelay $0x1  }
0x11: {  	s4 =	simm.s32 $_scs_section_size  }
0x12: {  	s5 =	simm.s32 $_size__tile_overlayer_lowered;
	s6 =	simm.s32 $_tile_overlayer_lowered  }
0x13: {  	s23 =	simm.s32 $0x1BFF;
	s22 =	sshll.u32 s6, $0x1;
	s3 =	sadd.s32 s4, s20  }
0x14: {  	s7 =	simm.s32 $0x0;
	s21 =	sshll.u32 s5, $0x1;
	s5 =	sadd.s32 s22, s3  }
0x15: {  	[timem:s7], [sflag:s23] =	dma.local [hbm:s5], s21  }
0x16: {  	_ =	swait.ge [sflag:s23], s21  }
0x17: {  	s4 =	ssub.s32 $0x0, s21;
	[sflag:s23] =	ssyncset.done $0x0  }
0x18: {  	[sflag:s23] =	ssyncadd.s32 s4;
	_ =	sdelay $0x1  }
0x19: {  	s24 =	simm.s32 $0x1B8B  }
0x1a: {  	_ =	swait.ge [sflag:s24], $0x1  }
0x1b: {  	[sflag:s24] =	ssyncset.done $0x0  }
0x1c: {  	s26 =	simm.s32 $0x1B8E;
	s25 =	sld [smem:$0x3FFE];
	[sflag:s24] =	ssyncadd.s32 $0xFFFFFFFF  }
0x1d: {  	s27 =	simm.s32 $execute0_lowered;
	[smem:$0x3FD2] =	sst s26  }
0x1e: {  	s5 =	sshll.u32 s27, $0x1;
	_ =	strace $0x80000055;
	[dreg:$0x1] =	wrdreg $0xFFFFFFFF  }
0x1f: {  	s28 =	simm.s32 $_size_execute0_lowered;
	s3 =	sadd.s32 s3, s5;
	[dreg:$0x0] =	wrdreg $0x0  }
0x20: {  	s5 =	sshll.u32 s28, $0x1;
	[dreg:$0x2] =	wrdreg s3  }
0x21: {  	[dreg:$0x3] =	wrdreg s5  }
0x22: {  	[dreg:$0x4] =	wrdreg $0xC0  }
0x23: {  	_ =	task [dreg:s7], $0x5FFFF  }
0x24: {  	[dreg:$0x1] =	wrdreg $0xFFFFFFFF  }
0x25: {  	[dreg:$0x0] =	wrdreg $0x60  }
0x26: {  	[dreg:$0x2] =	wrdreg s25  }
0x27: {  	[dreg:$0x3] =	wrdreg s2  }
0x28: {  	[dreg:$0x4] =	wrdreg $0x9  }
0x29: {  	_ =	task.clear_ibuf [dreg:s7], $0x5FFFF;
	_ =	strace $0x90000055  }
0x2a: {  	s29 =	simm.s32 $0x9;
	_ =	strace $0x80000057  }
0x2b: {  	_ =	swait.ge [sflag:s29], $0x1  }
0x2c: {  	[sflag:s29] =	ssyncadd.s32 $0xFFFFFFFF  }
0x2d: {  	_ =	strace $0x90000057  }
0x2e: {  	_ =	sfence  }
0x2f: {  	s30 =	sld [smem:$0x0];
	_ =	sdelay $0x2  }
0x30: {  	s31 =	sshll.u32 s1, $0xD;
	s1 =	sshrl.u32 s1, $0x2  }
0x31: {  	s3 =	sand.u32 $0x4000, s31;
	s1 =	sadd.s32 s1, s30  }
0x32: {  	s0 =	sor.u32 s3, s0;
	s1 =	sshll.u32 s1, $0x11  }
0x33: {  	s0 =	sor.u32 s1, s0  }
0x34: {  	s0 =	sadd.s32 $0x8F2B, s0  }
0x35: {  	[sflag:s0] =	ssyncadd.remote.s32 $0x1  }
0x36: {  	_ =	sfence.sel $0xFFFF  }
0x37: {  	[dreg:$0x0] =	wrdreg $0xFFFFFFFF;
	(pc) =	sbr.abs _section_cstart, $3  }
0x38: {  	[dreg:$0x1] =	wrdreg $0xFFFFFFFF  }
0x39: {  	_ =	task.clear_ibuf [dreg:s7], $0x2FFFF;
	_ =	strace $0x9FFFFFFF  }
0x3a: {  	(tm) =	ssettm $0x7FFFFFFF  }
0x3b: {  	_ =	shalt  }
tec
execute0_lowered:
.L_overlay_start_1:
0x0: {  	(tag) =	ssettag $0x1  }
0x1: {  	s0 =	srdreg.scid  }
0x2: {  	s1 =	sshll.u32 s0, $0x4  }
0x3: {  	s6 =	rddreg [dreg:$0x0];
	s0 =	stileid.u32;
	s1 =	sand.u32 $0x10, s1  }
0x4: {  	s3 =	rddreg [dreg:$0x1];
	s1 =	sor.u32 s0, s1  }
0x5: {  	s7 =	simm.s32 $0x1;
	s8 =	simm.s32 $0x2;
	s2 =	sshll.u32 s1, $0x7  }
0x6: {  	s10 =	simm.s32 $0x0;
	s9 =	simm.s32 $0x0;
	s5 =	ssub.s32 $0x400000, s2  }
.Ltmp0:
0x7: {  	s6 =	sadd.s32 $0x6200, s6;
	s4 =	sand.u32 $0xF80, s5;
	(pc) =	sbr.rel .LBB1_1-.Ltmp0, $4  }
0x8: {  	s1 =	rddreg [dreg:$0x2];
	_ =	strace $0x80000056;
	p0 =	sne.s32 s4, $0x0  }
0x9: {  	s5 =	sshrl.u32 s5, $0xC;
	s4 =	simm.s32 $0x1;
	s7 =	simm.s32 @!p0 $0x0  }
0xa: {  	[sflag:s4] =	ssyncpa.u1 $0x0;
	p0 =	por $0x0, $0x0;
	s5 =	sadd.s32 s7, s5  }
0xb: {  	[sflag:s8] =	ssyncpa.u1 $0x0;
	s8 =	smov.u32 s2;
	s7 =	sadd.s32 $0x1, s5  }
.LBB1_4:
0xc: {  	[tilespmem:s20+$0xFFFFFFFA ss:$0x81] =	vst.msk $0xff, v4  }
0xd: {  	v4 =	vld.msk [tilespmem:s21+$0xFFFFFFF0], $0xff;
	_ =	sdelay $0x3  }
0xe: {  	[tilespmem:s18+$0xFFFFFFFB ss:$0x81] =	vst.msk $0xff, v3  }
0xf: {  	v3 =	vld.msk [tilespmem:s19+$0xFFFFFFF8], $0xff;
	[tilespmem:s20+$0xFFFFFFFB ss:$0x81] =	vst.msk $0xff, v4  }
0x10: {  	v4 =	vld.msk [tilespmem:s21+$0xFFFFFFF8], $0xff;
	_ =	sdelay $0x3  }
0x11: {  	v5 =	vld.msk [tilespmem:s17+$0x0], $0xff;
	[tilespmem:s18+$0xFFFFFFFC ss:$0x81] =	vst.msk $0xff, v3  }
0x12: {  	v3 =	vld.msk [tilespmem:s19+$0x0], $0xff;
	[tilespmem:s20+$0xFFFFFFFC ss:$0x81] =	vst.msk $0xff, v4  }
0x13: {  	v4 =	vld.msk [tilespmem:s21+$0x0], $0xff;
	_ =	sdelay $0x2  }
0x14: {  	[tilespmem:s16+$0xFFFFFFFD ss:$0x81] =	vst.msk $0xff, v5  }
0x15: {  	v5 =	vld.msk [tilespmem:s17+$0x8], $0xff;
	[tilespmem:s18+$0xFFFFFFFD ss:$0x81] =	vst.msk $0xff, v3  }
0x16: {  	v3 =	vld.msk [tilespmem:s19+$0x8], $0xff;
	[tilespmem:s20+$0xFFFFFFFD ss:$0x81] =	vst.msk $0xff, v4  }
0x17: {  	v4 =	vld.msk [tilespmem:s21+$0x8], $0xff;
	_ =	sdelay $0x1  }
0x18: {  	[tilespmem:s14+$0xFFFFFFFE ss:$0x81] =	vst.msk $0xff, v2  }
0x19: {  	v2 =	vld.msk [tilespmem:s15+$0x10], $0xff;
	[tilespmem:s16+$0xFFFFFFFE ss:$0x81] =	vst.msk $0xff, v5  }
0x1a: {  	v5 =	vld.msk [tilespmem:s17+$0x10], $0xff;
	[tilespmem:s18+$0xFFFFFFFE ss:$0x81] =	vst.msk $0xff, v3  }
0x1b: {  	v3 =	vld.msk [tilespmem:s19+$0x10], $0xff;
	[tilespmem:s20+$0xFFFFFFFE ss:$0x81] =	vst.msk $0xff, v4  }
0x1c: {  	v4 =	vld.msk [tilespmem:s21+$0x10], $0xff  }
0x1d: {  	[tilespmem:s12+$0xFFFFFFFF ss:$0x81] =	vst.msk $0xff, v1  }
0x1e: {  	v1 =	vld.msk [tilespmem:s13+$0x18], $0xff;
	[tilespmem:s14+$0xFFFFFFFF ss:$0x81] =	vst.msk $0xff, v2  }
0x1f: {  	v2 =	vld.msk [tilespmem:s15+$0x18], $0xff;
	[tilespmem:s16+$0xFFFFFFFF ss:$0x81] =	vst.msk $0xff, v5  }
0x20: {  	v61 =	vld.msk [tilespmem:s17+$0x18], $0xff;
	[tilespmem:s18+$0xFFFFFFFF ss:$0x81] =	vst.msk $0xff, v3  }
0x21: {  	v62 =	vld.msk [tilespmem:s19+$0x18], $0xff;
	[tilespmem:s20+$0xFFFFFFFF ss:$0x81] =	vst.msk $0xff, v4  }
0x22: {  	[tilespmem:s11+$0x0 ss:$0x81] =	vst.msk $0xff, v0;
	v63 =	vld.msk [tilespmem:s21+$0x18], $0xff  }
0x23: {  	s28 =	sshll.u32 s10, $0x3;
	[tilespmem:s12+$0x0 ss:$0x81] =	vst.msk $0xff, v1  }
0x24: {  	s29 =	sand.u32 $0x78, s10;
	s11 =	sand.u32 $0x3FFC00, s28;
	[tilespmem:s14+$0x0 ss:$0x81] =	vst.msk $0xff, v2  }
0x25: {  	s30 =	sand.u32 $0x380000, s10;
	s11 =	sor.u32 s29, s11;
	[tilespmem:s16+$0x0 ss:$0x81] =	vst.msk $0xff, v61  }
0x26: {  	s11 =	sshrl.u32 s11, $0x3;
	s12 =	sadd.s32 s3, s30;
	[tilespmem:s18+$0x0 ss:$0x81] =	vst.msk $0xff, v62  }
0x27: {  	s31 =	sand.u32 $0x7, s10;
	s11 =	sadd.s32 s11, s12;
	[tilespmem:s20+$0x0 ss:$0x81] =	vst.msk $0xff, v63  }
0x28: {  	[hbm4b:s11+s31] =	stream.linear.scatter [tilespmem:s22], [sflag:$0x2], $0x400, $0x20;
	[tilespmem:$0x1010] =	vst v63  }
.LBB1_5:
0x29: {  	s12 =	sadd.s32 $0x1000, s8  }
0x2a: {  	p2 =	sgt.s32 s12, $0x3FFFFF  }
0x2b: {  	s12 =	smov.u32 @p2 s2;
	p2 =	sne.s32 s9, s7  }
.Ltmp1:
0x2c: {  	p1 =	slt.u32 s9, $0x2;
	(pc) =	sbr.rel @!p2 .LBB1_6-.Ltmp1, $4  }
0x2d: {  	s11 =	simm.s32 @!p1 $0x2  }
0x2e: {  	s13 =	sadd.s32 $0x1, s9;
	_ =	swait.ge @!p1 [sflag:s11], $0x400  }
0x2f: {  	s10 =	smov.u32 s8;
	p0 =	por !p0, !p0;
	[sflag:s11] =	ssyncset.done @!p1 $0x0  }
0x30: {  	s9 =	smov.u32 s13;
	s8 =	smov.u32 s12;
	[sflag:s11] =	ssyncadd.s32 @!p1 $0xFFFFFC00  }
.LBB1_1:
0x31: {  	p1 =	sge.u32 s9, s5  }
0x32: {  	s31 =	sadd.s32 $0xFFFFFFFF, s9;
	s11 =	sxor.u32 @!p1 $0xFFFFFFFF, s9;
	s12 =	sshll.u32 @!p1 s8, $0x4  }
0x33: {  	s13 =	simm.s32 @!p1 $0x8;
	s11 =	sshll.u32 @!p1 s11, $0xA;
	s12 =	sand.u32 @!p1 $0x3FFFFF0, s12  }
0x34: {  	s14 =	simm.s32 @!p1 $0x80;
	s11 =	sand.u32 @!p1 $0x400, s11;
	s12 =	sadd.s32 @!p1 s6, s12  }
0x35: {  	[tilespmem:s11], [sflag:$0x1] =	stream.strided.gather @!p1 [hbm4b:s12+s13], $0x400, s14, s13, $0x38;
	[tilespmem:$0x1010] =	vst v63  }
0x36: {  	p1 =	sge.u32 s31, s5  }
.Ltmp2:
0x37: {  	_ = 	snop;
	(pc) =	sbr.rel @p1 .LBB1_5-.Ltmp2, $1  }
0x38: {  	_ =	sdelay $0x3  }
0x39: {  	s11 =	simm.s32 $0x1  }
0x3a: {  	_ =	swait.ge [sflag:s4], $0x400;
	s11 =	simm.s32 @!p0 $0x0  }
0x3b: {  	[sflag:s4] =	ssyncset.done $0x0;
	s12 =	sshll.u32 s11, $0xA  }
0x3c: {  	[sflag:s4] =	ssyncadd.s32 $0xFFFFFC00;
	s20 =	sor.u32 $0x20, s12  }
0x3d: {  	v0 =	vld.msk [tilespmem:s20+$0xFFFFFFE0], $0xff  }
0x3e: {  	s11 =	smul.u32 $0x1020, s11;
	_ =	sdelay $0x1  }
0x3f: {  	s11 =	sshrl.u32 s11, $0x2  }
0x40: {  	s11 =	sor.u32 $0x807, s11  }
0x41: {  	[tilespmem:s11+$0xFFFFFFF9 ss:$0x81] =	vst.msk $0xff, v0  }
0x42: {  	v0 =	vld.msk [tilespmem:s20+$0xFFFFFFE8], $0xff  }
0x43: {  	s13 =	sadd.s32 $0x40, s20  }
0x44: {  	v1 =	vld.msk [tilespmem:s13+$0xFFFFFFE0], $0xff;
	_ =	sdelay $0x2  }
0x45: {  	[tilespmem:s11+$0xFFFFFFFA ss:$0x81] =	vst.msk $0xff, v0  }
0x46: {  	s12 =	sadd.s32 $0x8, s11;
	v0 =	vld.msk [tilespmem:s20+$0xFFFFFFF0], $0xff  }
0x47: {  	[tilespmem:s12+$0xFFFFFFF9 ss:$0x81] =	vst.msk $0xff, v1  }
0x48: {  	v1 =	vld.msk [tilespmem:s13+$0xFFFFFFE8], $0xff  }
0x49: {  	s15 =	sadd.s32 $0x40, s13  }
0x4a: {  	v2 =	vld.msk [tilespmem:s15+$0xFFFFFFE0], $0xff  }
0x4b: {  	[tilespmem:s11+$0xFFFFFFFB ss:$0x81] =	vst.msk $0xff, v0  }
0x4c: {  	v0 =	vld.msk [tilespmem:s20+$0xFFFFFFF8], $0xff  }
0x4d: {  	[tilespmem:s12+$0xFFFFFFFA ss:$0x81] =	vst.msk $0xff, v1  }
0x4e: {  	s14 =	sadd.s32 $0x8, s12;
	v1 =	vld.msk [tilespmem:s13+$0xFFFFFFF0], $0xff  }
0x4f: {  	[tilespmem:s14+$0xFFFFFFF9 ss:$0x81] =	vst.msk $0xff, v2  }
0x50: {  	s17 =	sadd.s32 $0x40, s15;
	v2 =	vld.msk [tilespmem:s15+$0xFFFFFFE8], $0xff  }
0x51: {  	[tilespmem:s11+$0xFFFFFFFC ss:$0x81] =	vst.msk $0xff, v0;
	v0 =	vld.msk [tilespmem:s17+$0xFFFFFFE0], $0xff  }
0x52: {  	v3 =	vld.msk [tilespmem:s20+$0x0], $0xff  }
0x53: {  	[tilespmem:s12+$0xFFFFFFFB ss:$0x81] =	vst.msk $0xff, v1  }
0x54: {  	v1 =	vld.msk [tilespmem:s13+$0xFFFFFFF8], $0xff  }
0x55: {  	s16 =	sadd.s32 $0x8, s14;
	[tilespmem:s14+$0xFFFFFFFA ss:$0x81] =	vst.msk $0xff, v2  }
0x56: {  	v2 =	vld.msk [tilespmem:s15+$0xFFFFFFF0], $0xff;
	[tilespmem:s16+$0xFFFFFFF9 ss:$0x81] =	vst.msk $0xff, v0  }
0x57: {  	v0 =	vld.msk [tilespmem:s17+$0xFFFFFFE8], $0xff;
	[tilespmem:s11+$0xFFFFFFFD ss:$0x81] =	vst.msk $0xff, v3  }
0x58: {  	s19 =	sadd.s32 $0x40, s17;
	v3 =	vld.msk [tilespmem:s20+$0x8], $0xff  }
0x59: {  	[tilespmem:s12+$0xFFFFFFFC ss:$0x81] =	vst.msk $0xff, v1;
	v1 =	vld.msk [tilespmem:s19+$0xFFFFFFE0], $0xff  }
0x5a: {  	v4 =	vld.msk [tilespmem:s13+$0x0], $0xff  }
0x5b: {  	[tilespmem:s14+$0xFFFFFFFB ss:$0x81] =	vst.msk $0xff, v2  }
0x5c: {  	v2 =	vld.msk [tilespmem:s15+$0xFFFFFFF8], $0xff;
	[tilespmem:s16+$0xFFFFFFFA ss:$0x81] =	vst.msk $0xff, v0  }
0x5d: {  	s18 =	sadd.s32 $0x8, s16;
	v0 =	vld.msk [tilespmem:s17+$0xFFFFFFF0], $0xff;
	[tilespmem:s11+$0xFFFFFFFE ss:$0x81] =	vst.msk $0xff, v3  }
0x5e: {  	[tilespmem:s18+$0xFFFFFFF9 ss:$0x81] =	vst.msk $0xff, v1;
	v1 =	vld.msk [tilespmem:s20+$0x10], $0xff  }
0x5f: {  	[tilespmem:s12+$0xFFFFFFFD ss:$0x81] =	vst.msk $0xff, v4;
	v3 =	vld.msk [tilespmem:s19+$0xFFFFFFE8], $0xff  }
0x60: {  	s21 =	sadd.s32 $0x40, s19;
	v4 =	vld.msk [tilespmem:s13+$0x8], $0xff  }
0x61: {  	[tilespmem:s14+$0xFFFFFFFC ss:$0x81] =	vst.msk $0xff, v2;
	v2 =	vld.msk [tilespmem:s21+$0xFFFFFFE0], $0xff  }
0x62: {  	v5 =	vld.msk [tilespmem:s15+$0x0], $0xff;
	[tilespmem:s16+$0xFFFFFFFB ss:$0x81] =	vst.msk $0xff, v0  }
0x63: {  	v6 =	vld.msk [tilespmem:s17+$0xFFFFFFF8], $0xff;
	[tilespmem:s11+$0xFFFFFFFF ss:$0x81] =	vst.msk $0xff, v1  }
0x64: {  	s22 =	sand.u32 $0x1, s9;
	[tilespmem:s18+$0xFFFFFFFA ss:$0x81] =	vst.msk $0xff, v3;
	v0 =	vld.msk [tilespmem:s20+$0x18], $0xff  }
0x65: {  	s22 =	smul.u32 $0x1020, s22;
	[tilespmem:s12+$0xFFFFFFFE ss:$0x81] =	vst.msk $0xff, v4;
	v3 =	vld.msk [tilespmem:s19+$0xFFFFFFF0], $0xff;
	s20 =	sadd.s32 $0x8, s18  }
0x66: {  	v1 =	vld.msk [tilespmem:s13+$0x10], $0xff;
	[tilespmem:s20+$0xFFFFFFF9 ss:$0x81] =	vst.msk $0xff, v2  }
0x67: {  	s22 =	sshrl.u32 s22, $0x2;
	[tilespmem:s14+$0xFFFFFFFD ss:$0x81] =	vst.msk $0xff, v5;
	v4 =	vld.msk [tilespmem:s21+$0xFFFFFFE8], $0xff  }
0x68: {  	s23 =	simm.s32 $0x28;
	s22 =	sor.u32 $0x800, s22;
	s24 =	sadd.s32 $0x40, s21;
	v2 =	vld.msk [tilespmem:s15+$0x8], $0xff;
	[tilespmem:s16+$0xFFFFFFFC ss:$0x81] =	vst.msk $0xff, v6  }
.LBB1_3:
0x69: {  	v5 =	vld.msk [tilespmem:s24+$0xFFFFFFE0], $0xff;
	[tilespmem:s11+$0x0 ss:$0x81] =	vst.msk $0xff, v0;
	s11 =	smov.u32 s12;
	s12 =	smov.u32 s14;
	s14 =	smov.u32 s16  }
0x6a: {  	s23 =	sadd.s32 $0x8, s23;
	s16 =	smov.u32 s18;
	[tilespmem:s18+$0xFFFFFFFB ss:$0x81] =	vst.msk $0xff, v3;
	v6 =	vld.msk [tilespmem:s17+$0x0], $0xff;
	s18 =	smov.u32 s20  }
0x6b: {  	p1 =	slt.u32 s23, $0x78;
	v7 =	vld.msk [tilespmem:s19+$0xFFFFFFF8], $0xff;
	[tilespmem:s11+$0xFFFFFFFF ss:$0x81] =	vst.msk $0xff, v1  }
.Ltmp3:
0x6c: {  	[tilespmem:s20+$0xFFFFFFFA ss:$0x81] =	vst.msk $0xff, v4;
	v0 =	vld.msk [tilespmem:s13+$0x18], $0xff;
	s13 =	smov.u32 s15;
	s15 =	smov.u32 s17;
	(pc) =	sbr.rel @p1 .LBB1_3-.Ltmp3, $4  }
0x6d: {  	s20 =	sadd.s32 $0x8, s20;
	s17 =	smov.u32 s19;
	s19 =	smov.u32 s21;
	v3 =	vld.msk [tilespmem:s21+$0xFFFFFFF0], $0xff;
	[tilespmem:s12+$0xFFFFFFFE ss:$0x81] =	vst.msk $0xff, v2  }
0x6e: {  	s21 =	smov.u32 s24;
	[tilespmem:s20+$0xFFFFFFF9 ss:$0x81] =	vst.msk $0xff, v5;
	v1 =	vld.msk [tilespmem:s13+$0x10], $0xff  }
0x6f: {  	v4 =	vld.msk [tilespmem:s24+$0xFFFFFFE8], $0xff;
	[tilespmem:s14+$0xFFFFFFFD ss:$0x81] =	vst.msk $0xff, v6  }
0x70: {  	s24 =	sadd.s32 $0x40, s24;
	[tilespmem:s16+$0xFFFFFFFC ss:$0x81] =	vst.msk $0xff, v7;
	v2 =	vld.msk [tilespmem:s15+$0x8], $0xff  }
.Ltmp4:
0x71: {  	_ = 	snop;
	(pc) =	sbr.rel .LBB1_4-.Ltmp4, $1  }
0x72: {  	_ =	sdelay $0x3  }
.LBB1_6:
0x73: {  	_ =	sfence.sel $0x180000  }
0x74: {  	s2 =	simm.s32 $0x1;
	[bflag:$0x0] =	sbarrier.arrive $0xFFFF  }
0x75: {  	s31 =	simm.s32 $0x2;
	[sflag:s2] =	ssyncpa.u1 $0x1  }
0x76: {  	[sflag:s31] =	ssyncpa.u1 $0x1  }
0x77: {  	p0 =	sne.s32 s0, $0x0;
	_ =	strace $0x90000056  }
0x78: {  	s0 =	sadd.s32 @!p0 $0x100000, s1;
	[bflag:$0x2] =	sbarrier.arrive $0xFFFF  }
0x79: {  	[sflag:s0] =	ssyncadd.tile.s32 @!p0 $0x1;
	_ =	shalt  }
.Lfunc_end1:
_tile_overlayer_lowered:
.L_overlay_start_2:
0x7a: {  	(tag) =	ssettag $0x2  }
0x7b: {  	s0 =	rddreg [dreg:$0x0];
	s2 =	stileid.u32  }
0x7c: {  	s1 =	rddreg [dreg:$0x1];
	p0 =	sne.s32 s2, $0x0  }
0x7d: {  	s3 =	rddreg [dreg:$0x2];
	[bflag:$0x3] =	sbarrier.arrive $0xFFFF;
	s2 =	simm.s32 @!p0 $0x1C01  }
0x7e: {  	[timem:s3], [sflag:s2] =	dma.local @!p0 [hbm:s0], s1  }
0x7f: {  	s0 =	simm.s32 @!p0 $0x1  }
0x80: {  	_ =	swait.ge @!p0 [sflag:s0], s1  }
0x81: {  	s1 =	ssub.s32 @!p0 $0x0, s1;
	[sflag:s0] =	ssyncset.done @!p0 $0x0  }
0x82: {  	[sflag:s0] =	ssyncadd.s32 @!p0 s1  }
0x83: {  	[bflag:$0x3] =	sbarrier.arrive $0xFFFF  }
0x84: {  	_ =	shalt  }

</sc_bundles>
